<compile_context>
chip_gen: v7x
topology: tpu7x:2x2x1
jax: 0.10.2.dev20260603
libtpu: 0.0.44.dev20260713+nightly
codegen_flags: <defaults>
</compile_context>

<pallas_src>
import jax
import jax.numpy as jnp
from jax import lax
from jax.experimental import pallas as pl
from jax.experimental.pallas import tpu as pltpu
from jax.experimental.pallas import tpu_sc as plsc

N = 10000
E = 320000
D = 128
G = 512

NC = 2
NS = 16
NW = NC * NS
CHUNK = 64
PIECE = 40
NPIECE = E // (CHUNK * PIECE)
JMAX = -(-NPIECE // NW)
NP = 10240
ZROWS = NP // NS
ZSTEP = 40
NBUF = 4


def _sc_aggregate(x, edges3d):
    mesh = plsc.VectorSubcoreMesh(core_axis_name="c", subcore_axis_name="s")

    @pl.kernel(
        out_type=jax.ShapeDtypeStruct((NC, NP, D), jnp.float32),
        mesh=mesh,
        scratch_types=[
            pltpu.VMEM((PIECE, CHUNK), jnp.int32),
            pltpu.VMEM((PIECE, CHUNK), jnp.int32),
            pltpu.VMEM((NBUF, CHUNK, D), jnp.float32),
            pltpu.VMEM_SHARED((NP, D), jnp.float32),
        ] + [pltpu.SemaphoreType.DMA] * (2 * NBUF),
    )
    def agg_kernel(x_hbm, e_hbm, out_hbm, srcv, dstv, rows, acc, *sems):
        gsem = sems[:NBUF]
        ssem = sems[NBUF:]
        cid = lax.axis_index("c")
        sid = lax.axis_index("s")
        wid = cid * NS + sid

        @pl.loop(0, CHUNK)
        def _(i):
            @pl.loop(0, D, step=16)
            def _(j):
                rows.at[0, i, pl.ds(j, 16)][...] = jnp.zeros(
                    (16,), jnp.float32)

        @pl.loop(0, ZROWS, step=ZSTEP)
        def _(k):
            pltpu.sync_copy(rows.at[0, pl.ds(0, ZSTEP)],
                            acc.at[pl.ds(sid * ZROWS + k, ZSTEP)])

        plsc.subcore_barrier()

        for j in range(JMAX):
            @pl.when(j * NW + wid < NPIECE)
            def _():
                base = (j * NW + wid) * PIECE
                pltpu.async_copy(e_hbm.at[0, pl.ds(base, PIECE)], srcv,
                                 gsem[0])
                pltpu.async_copy(e_hbm.at[1, pl.ds(base, PIECE)], dstv,
                                 gsem[1])
                pltpu.make_async_copy(e_hbm.at[0, pl.ds(base, PIECE)], srcv,
                                      gsem[0]).wait()
                pltpu.make_async_copy(e_hbm.at[1, pl.ds(base, PIECE)], dstv,
                                      gsem[1]).wait()

                for b in range(NBUF):
                    pltpu.async_copy(x_hbm.at[srcv.at[b]], rows.at[b],
                                     gsem[b])

                @pl.loop(0, PIECE, step=NBUF)
                def _(r):
                    for b in range(NBUF):
                        pltpu.make_async_copy(
                            x_hbm.at[srcv.at[r + b]], rows.at[b],
                            gsem[b]).wait()
                        pltpu.async_copy(
                            rows.at[b], acc.at[dstv.at[r + b]], ssem[b],
                            add=True)
                    for b in range(NBUF):
                        @pl.when(r + NBUF + b < PIECE)
                        def _():
                            pltpu.make_async_copy(
                                rows.at[b], acc.at[dstv.at[r + b]],
                                ssem[b]).wait()
                            pltpu.async_copy(
                                x_hbm.at[srcv.at[r + NBUF + b]], rows.at[b],
                                gsem[b])

                for b in range(NBUF):
                    pltpu.make_async_copy(
                        rows.at[b], acc.at[dstv.at[PIECE - NBUF + b]],
                        ssem[b]).wait()

        plsc.subcore_barrier()

        pltpu.sync_copy(acc.at[pl.ds(sid * ZROWS, ZROWS)],
                        out_hbm.at[cid, pl.ds(sid * ZROWS, ZROWS)])

    return agg_kernel(x, edges3d)


NBLK = 5
BLK = N // NBLK


def _tc_body(x_ref, parts_ref, batch_ref, w1, b1, w2, b2, w3, b3, w4, b4,
             wl, bl, out_ref, sums, counts):
    i = pl.program_id(0)

    @pl.when(i == 0)
    def _():
        sums[...] = jnp.zeros_like(sums)
        counts[...] = jnp.zeros_like(counts)

    h = x_ref[...] + parts_ref[0] + parts_ref[1]
    h = jnp.dot(h, w1[...], preferred_element_type=jnp.float32) + b1[...]
    h = jnp.where(h > 0, h, 1.5 * h)
    h = jnp.dot(h, w2[...], preferred_element_type=jnp.float32) + b2[...]
    h = jnp.maximum(h, 0.0)
    h = jnp.dot(h, w3[...], preferred_element_type=jnp.float32) + b3[...]
    h = jnp.maximum(h, 0.0)
    h = jnp.dot(h, w4[...], preferred_element_type=jnp.float32) + b4[...]

    seg = lax.broadcasted_iota(jnp.int32, (G, BLK), 0)
    onehot = (seg == batch_ref[0]).astype(jnp.float32)
    sums[...] += jnp.dot(onehot, h, preferred_element_type=jnp.float32)
    counts[...] += jnp.sum(onehot, axis=1, keepdims=True)

    @pl.when(i == NBLK - 1)
    def _():
        mean = sums[...] / jnp.maximum(counts[...], 1.0)
        o = jnp.dot(mean, wl[...], preferred_element_type=jnp.float32) + bl[...]
        nrm = jnp.sqrt(jnp.sum(o * o, axis=1, keepdims=True))
        out_ref[...] = o / jnp.maximum(nrm, 1e-12)


def _tc_encode(x, parts, batch3d, W1, b1, W2, b2, W3, b3, W4, b4, Wl, bl):
    wspec = pl.BlockSpec((D, D), lambda i: (0, 0))
    bspec = pl.BlockSpec((1, D), lambda i: (0, 0))
    return pl.pallas_call(
        _tc_body,
        grid=(NBLK,),
        in_specs=[
            pl.BlockSpec((BLK, D), lambda i: (i, 0)),
            pl.BlockSpec((NC, BLK, D), lambda i: (0, i, 0)),
            pl.BlockSpec((1, 1, BLK), lambda i: (i, 0, 0)),
            wspec, bspec, wspec, bspec, wspec, bspec, wspec, bspec,
            wspec, bspec,
        ],
        out_specs=pl.BlockSpec((G, D), lambda i: (0, 0)),
        out_shape=jax.ShapeDtypeStruct((G, D), jnp.float32),
        scratch_shapes=[
            pltpu.VMEM((G, D), jnp.float32),
            pltpu.VMEM((G, 1), jnp.float32),
        ],
        compiler_params=pltpu.CompilerParams(
            dimension_semantics=("arbitrary",),
        ),
    )(x, parts, batch3d, W1, b1, W2, b2, W3, b3, W4, b4, Wl, bl)


def kernel(x, edge_index, batch, W1, b1, W2, b2, W3, b3, W4, b4, Wl, bl):
    edges3d = edge_index.reshape(2, E // CHUNK, CHUNK)
    parts = _sc_aggregate(x, edges3d)
    batch3d = batch.reshape(NBLK, 1, BLK)
    return _tc_encode(x, parts, batch3d,
                      W1, b1.reshape(1, D), W2, b2.reshape(1, D),
                      W3, b3.reshape(1, D), W4, b4.reshape(1, D),
                      Wl, bl.reshape(1, D))

# --- scband reference (transcript-rebuilt; emitter-appended) ---
"""Pipeline reference for scband-subgraph-encoder-45045617000801 (READ-ONLY COPY).

The authoritative reference and input builder live on the scoring server;
editing this copy changes nothing except your own understanding.
"""

import jax, jax.numpy as jnp
import numpy as np

N = 10000
E = 320000
D = 128
H = 128
O = 128
G = 512


def setup_inputs(seed: int = 0) -> dict:
    key = jax.random.key(seed)
    ks = jax.random.split(key, 14)
    x = jax.random.normal(ks[0], (N, D), dtype=jnp.float32)
    edge_index = jax.random.randint(ks[1], (2, E), 0, N, dtype=jnp.int32)
    batch = jnp.sort(jax.random.randint(ks[2], (N,), 0, G, dtype=jnp.int32))
    s_in = 1.0 / np.sqrt(D)
    s_h = 1.0 / np.sqrt(H)
    W1 = jax.random.uniform(ks[3], (D, H), jnp.float32, -s_in, s_in)
    b1 = jax.random.uniform(ks[4], (H,), jnp.float32, -s_in, s_in)
    W2 = jax.random.uniform(ks[5], (H, H), jnp.float32, -s_h, s_h)
    b2 = jax.random.uniform(ks[6], (H,), jnp.float32, -s_h, s_h)
    W3 = jax.random.uniform(ks[7], (H, H), jnp.float32, -s_h, s_h)
    b3 = jax.random.uniform(ks[8], (H,), jnp.float32, -s_h, s_h)
    W4 = jax.random.uniform(ks[9], (H, H), jnp.float32, -s_h, s_h)
    b4 = jax.random.uniform(ks[10], (H,), jnp.float32, -s_h, s_h)
    Wl = jax.random.uniform(ks[11], (H, O), jnp.float32, -s_h, s_h)
    bl = jax.random.uniform(ks[12], (O,), jnp.float32, -s_h, s_h)
    return {"x": x, "edge_index": edge_index, "batch": batch,
            "W1": W1, "b1": b1, "W2": W2, "b2": b2, "W3": W3, "b3": b3,
            "W4": W4, "b4": b4, "Wl": Wl, "bl": bl}


def reference(x, edge_index, batch, W1, b1, W2, b2, W3, b3, W4, b4, Wl, bl):
    # GINConv with eps=0: h = nn((1+eps)*x + sum_{j in N(i)} x_j)
    src = edge_index[0]
    dst = edge_index[1]
    agg = jnp.zeros_like(x).at[dst].add(x[src])
    h = x + agg
    # nn1: Linear -> Dropout(eval: identity) -> LeakyReLU(1.5) -> Linear -> ReLU -> Linear -> ReLU -> Linear
    h = h @ W1 + b1
    h = jnp.where(h > 0, h, 1.5 * h)
    h = jax.nn.relu(h @ W2 + b2)
    h = jax.nn.relu(h @ W3 + b3)
    h = h @ W4 + b4
    # global_mean_pool over batch segments
    sums = jax.ops.segment_sum(h, batch, num_segments=G)
    counts = jax.ops.segment_sum(jnp.ones((h.shape[0],), h.dtype), batch, num_segments=G)
    mean = sums / jnp.clip(counts, 1.0)[:, None]
    out = mean @ Wl + bl
    # F.normalize(dim=1)
    norm = jnp.linalg.norm(out, axis=1, keepdims=True)
    return out / jnp.maximum(norm, 1e-12)

if __name__ == "__main__":
    import jax
    _d = setup_inputs()
    print(jax.jit(kernel)(*tuple(_d.values())))

</pallas_src>

<mosaic_0001>
#map = affine_map<(d0, d1) -> (0, 0)>
#map1 = affine_map<(d0, d1) -> (0, 0, 0)>
module attributes {stable_mosaic.version = 14 : i64} {
  func.func @agg_kernel(%arg0: i32, %arg1: i32, %arg2: memref<10000x128xf32, #tpu.memory_space<hbm>>, %arg3: memref<2x5000x64xi32, #tpu.memory_space<hbm>>, %arg4: memref<2x10240x128xf32, #tpu.memory_space<hbm>>, %arg5: memref<40x64xi32, #tpu.memory_space<vmem>>, %arg6: memref<40x64xi32, #tpu.memory_space<vmem>>, %arg7: memref<4x64x128xf32, #tpu.memory_space<vmem>>, %arg8: memref<10240x128xf32, #tpu.memory_space<vmem_shared>>, %arg9: memref<!tpu.dma_semaphore, #tpu.memory_space<semaphore_mem>>, %arg10: memref<!tpu.dma_semaphore, #tpu.memory_space<semaphore_mem>>, %arg11: memref<!tpu.dma_semaphore, #tpu.memory_space<semaphore_mem>>, %arg12: memref<!tpu.dma_semaphore, #tpu.memory_space<semaphore_mem>>, %arg13: memref<!tpu.dma_semaphore, #tpu.memory_space<semaphore_mem>>, %arg14: memref<!tpu.dma_semaphore, #tpu.memory_space<semaphore_mem>>, %arg15: memref<!tpu.dma_semaphore, #tpu.memory_space<semaphore_mem>>, %arg16: memref<!tpu.dma_semaphore, #tpu.memory_space<semaphore_mem>>) attributes {dimension_semantics = [#tpu.dimension_semantics<core_parallel>, #tpu.dimension_semantics<subcore_parallel>], iteration_bounds = array<i64: 2, 16>, scalar_prefetch = 0 : i64, scratch_operands = 12 : i64, tpu.core_type = #tpu.core_type<sc_vector_subcore>, window_params = [{transform_indices = #map}, {transform_indices = #map1}, {transform_indices = #map1}]} {
    %mul3A = arith.constant 16 : i32
    %mul3A_0 = arith.muli %arg0, %mul3A : i32
    %add3A = arith.addi %mul3A_0, %arg1 : i32
    %scan3A = arith.constant 0 : i32
    %scan3A_1 = arith.constant 64 : i32
    %scan3A_2 = arith.addi %scan3A, %scan3A_1 : i32
    %scan3A_3 = arith.constant 1 : i32
    scf.for %scan3A_40 = %scan3A to %scan3A_2 step %scan3A_3  : i32 {
      %mul3A_41 = arith.constant 1 : i32
      %mul3A_42 = arith.muli %scan3A_40, %mul3A_41 : i32
      %add3A_43 = arith.constant 0 : i32
      %add3A_44 = arith.addi %add3A_43, %mul3A_42 : i32
      %scan3A_45 = arith.constant 0 : i32
      %scan3A_46 = arith.constant 8 : i32
      %scan3A_47 = arith.addi %scan3A_45, %scan3A_46 : i32
      %scan3A_48 = arith.constant 1 : i32
      scf.for %scan3A_50 = %scan3A_45 to %scan3A_47 step %scan3A_48  : i32 {
        %mul3A_51 = arith.constant 16 : i32
        %mul3A_52 = arith.muli %scan3A_50, %mul3A_51 : i32
        %add3A_53 = arith.constant 0 : i32
        %add3A_54 = arith.addi %add3A_53, %mul3A_52 : i32
        %broadcast_in_dim3A = arith.constant 0.000000e+00 : f32
        %broadcast_in_dim3A_55 = vector.broadcast %broadcast_in_dim3A : f32 to vector<16xf32>
        %swap3A = arith.constant 0 : i32
        %swap3A_56 = arith.index_cast %swap3A : i32 to index
        %swap3A_57 = arith.index_cast %add3A_44 : i32 to index
        %swap3A_58 = arith.index_cast %add3A_54 : i32 to index
        %swap3A_59 = tpu.vector_load %arg7[%swap3A_56, %swap3A_57, %swap3A_58] {strides = array<i32>} : memref<4x64x128xf32, #tpu.memory_space<vmem>>, vector<1x1x16xf32>,
        %swap3A_60 = vector.shape_cast %swap3A_59 : vector<1x1x16xf32> to vector<16xf32>
        %swap3A_61 = vector.shape_cast %broadcast_in_dim3A_55 : vector<16xf32> to vector<1x1x16xf32>
        tpu.vector_store %arg7[%swap3A_56, %swap3A_57, %swap3A_58], %swap3A_61 {strides = array<i32>} : memref<4x64x128xf32, #tpu.memory_space<vmem>>, vector<1x1x16xf32>,
      }
      %scan3A_49 = arith.constant 8 : i32
    }
    %scan3A_4 = arith.constant 64 : i32
    %scan3A_5 = arith.constant 0 : i32
    %scan3A_6 = arith.constant 16 : i32
    %scan3A_7 = arith.addi %scan3A_5, %scan3A_6 : i32
    %scan3A_8 = arith.constant 1 : i32
    scf.for %scan3A_40 = %scan3A_5 to %scan3A_7 step %scan3A_8  : i32 {
      %mul3A_41 = arith.constant 40 : i32
      %mul3A_42 = arith.muli %scan3A_40, %mul3A_41 : i32
      %add3A_43 = arith.constant 0 : i32
      %add3A_44 = arith.addi %add3A_43, %mul3A_42 : i32
      %mul3A_45 = arith.constant 640 : i32
      %mul3A_46 = arith.muli %arg1, %mul3A_45 : i32
      %add3A_47 = arith.addi %mul3A_46, %add3A_44 : i32
      %run_scoped3A = arith.constant 0 : i32
      "tpu.region"() ({
        %run_scoped3A_48 = tpu.sem_alloc : memref<!tpu.dma_semaphore, #tpu.memory_space<semaphore_mem>>
        %dma_start3A = arith.constant 0 : i32
        %dma_start3A_49 = arith.constant 0 : i32
        %dma_start3A_50 = tpu.memref_slice %arg7[%run_scoped3A, %dma_start3A, %dma_start3A_49] : memref<4x64x128xf32, #tpu.memory_space<vmem>> -> memref<1x40x128xf32, #tpu.memory_space<vmem>>
        %dma_start3A_51 = tpu.memref_squeeze %dma_start3A_50 : memref<1x40x128xf32, #tpu.memory_space<vmem>> -> memref<40x128xf32, #tpu.memory_space<vmem>>
        %dma_start3A_52 = arith.constant 0 : i32
        %dma_start3A_53 = tpu.memref_slice %arg8[%add3A_47, %dma_start3A_52] : memref<10240x128xf32, #tpu.memory_space<vmem_shared>> -> memref<40x128xf32, #tpu.memory_space<vmem_shared>>
        %dma_start3A_54 = arith.constant 0 : i32
        %dma_start3A_55 = tpu.memref_slice %arg8[%add3A_47, %dma_start3A_54] : memref<10240x128xf32, #tpu.memory_space<vmem_shared>> -> memref<40x128xf32, #tpu.memory_space<vmem_shared>>
        %dma_start3A_56 = arith.constant 0 : i32
        %dma_start3A_57 = arith.constant 0 : i32
        %dma_start3A_58 = tpu.memref_slice %arg7[%run_scoped3A, %dma_start3A_56, %dma_start3A_57] : memref<4x64x128xf32, #tpu.memory_space<vmem>> -> memref<1x40x128xf32, #tpu.memory_space<vmem>>
        %dma_start3A_59 = tpu.memref_squeeze %dma_start3A_58 : memref<1x40x128xf32, #tpu.memory_space<vmem>> -> memref<40x128xf32, #tpu.memory_space<vmem>>
        tpu.enqueue_dma source(%dma_start3A_59 : memref<40x128xf32, #tpu.memory_space<vmem>>) target(%dma_start3A_55 : memref<40x128xf32, #tpu.memory_space<vmem_shared>>) target_semaphore(%run_scoped3A_48 : memref<!tpu.dma_semaphore, #tpu.memory_space<semaphore_mem>>)
        %dma_wait3A = arith.constant 0 : i32
        %dma_wait3A_60 = arith.constant 0 : i32
        %dma_wait3A_61 = tpu.memref_slice %arg7[%run_scoped3A, %dma_wait3A, %dma_wait3A_60] : memref<4x64x128xf32, #tpu.memory_space<vmem>> -> memref<1x40x128xf32, #tpu.memory_space<vmem>>
        %dma_wait3A_62 = tpu.memref_squeeze %dma_wait3A_61 : memref<1x40x128xf32, #tpu.memory_space<vmem>> -> memref<40x128xf32, #tpu.memory_space<vmem>>
        %dma_wait3A_63 = arith.constant 0 : i32
        %dma_wait3A_64 = tpu.memref_slice %arg8[%add3A_47, %dma_wait3A_63] : memref<10240x128xf32, #tpu.memory_space<vmem_shared>> -> memref<40x128xf32, #tpu.memory_space<vmem_shared>>
        %dma_wait3A_65 = arith.constant 0 : i32
        %dma_wait3A_66 = tpu.memref_slice %arg8[%add3A_47, %dma_wait3A_65] : memref<10240x128xf32, #tpu.memory_space<vmem_shared>> -> memref<40x128xf32, #tpu.memory_space<vmem_shared>>
        %dma_wait3A_67 = arith.constant 0 : i32
        %dma_wait3A_68 = arith.constant 0 : i32
        %dma_wait3A_69 = tpu.memref_slice %arg7[%run_scoped3A, %dma_wait3A_67, %dma_wait3A_68] : memref<4x64x128xf32, #tpu.memory_space<vmem>> -> memref<1x40x128xf32, #tpu.memory_space<vmem>>
        %dma_wait3A_70 = tpu.memref_squeeze %dma_wait3A_69 : memref<1x40x128xf32, #tpu.memory_space<vmem>> -> memref<40x128xf32, #tpu.memory_space<vmem>>
        tpu.wait_dma2 semaphore(%run_scoped3A_48 : memref<!tpu.dma_semaphore, #tpu.memory_space<semaphore_mem>>) src(%dma_wait3A_70 : memref<40x128xf32, #tpu.memory_space<vmem>>) dst(%dma_wait3A_66 : memref<40x128xf32, #tpu.memory_space<vmem_shared>>)
        tpu.yield
      }) : () -> ()
    }
    %scan3A_9 = arith.constant 16 : i32
    %barrier3A = arith.constant 0 : index
    tpu.barrier barrier_id(%barrier3A)
    %add3A_10 = arith.constant 0 : i32
    %add3A_11 = arith.addi %add3A_10, %add3A : i32
    %lt3A = arith.constant 125 : i32
    %lt3A_12 = arith.cmpi slt, %add3A_11, %lt3A : i32
    %convert_element_type3A = arith.extui %lt3A_12 : i1 to i32
    %cond3A = arith.constant 0 : i32
    %cond3A_13 = arith.cmpi ne, %convert_element_type3A, %cond3A : i32
    scf.if %cond3A_13 {
      %add3A_40 = arith.constant 0 : i32
      %add3A_41 = arith.addi %add3A_40, %add3A : i32
      %mul3A_42 = arith.constant 40 : i32
      %mul3A_43 = arith.muli %add3A_41, %mul3A_42 : i32
      %dma_start3A = arith.constant 0 : i32
      %dma_start3A_44 = arith.constant 0 : i32
      %dma_start3A_45 = tpu.memref_slice %arg3[%dma_start3A, %mul3A_43, %dma_start3A_44] : memref<2x5000x64xi32, #tpu.memory_space<hbm>> -> memref<1x40x64xi32, #tpu.memory_space<hbm>>
      %dma_start3A_46 = tpu.memref_squeeze %dma_start3A_45 : memref<1x40x64xi32, #tpu.memory_space<hbm>> -> memref<40x64xi32, #tpu.memory_space<hbm>>
      %dma_start3A_47 = arith.constant 0 : i32
      %dma_start3A_48 = tpu.memref_slice %arg3[%dma_start3A, %mul3A_43, %dma_start3A_47] : memref<2x5000x64xi32, #tpu.memory_space<hbm>> -> memref<1x40x64xi32, #tpu.memory_space<hbm>>
      %dma_start3A_49 = tpu.memref_squeeze %dma_start3A_48 : memref<1x40x64xi32, #tpu.memory_space<hbm>> -> memref<40x64xi32, #tpu.memory_space<hbm>>
      tpu.enqueue_dma source(%dma_start3A_49 : memref<40x64xi32, #tpu.memory_space<hbm>>) target(%arg5 : memref<40x64xi32, #tpu.memory_space<vmem>>) target_semaphore(%arg9 : memref<!tpu.dma_semaphore, #tpu.memory_space<semaphore_mem>>)
      %dma_start3A_50 = arith.constant 1 : i32
      %dma_start3A_51 = arith.constant 0 : i32
      %dma_start3A_52 = tpu.memref_slice %arg3[%dma_start3A_50, %mul3A_43, %dma_start3A_51] : memref<2x5000x64xi32, #tpu.memory_space<hbm>> -> memref<1x40x64xi32, #tpu.memory_space<hbm>>
      %dma_start3A_53 = tpu.memref_squeeze %dma_start3A_52 : memref<1x40x64xi32, #tpu.memory_space<hbm>> -> memref<40x64xi32, #tpu.memory_space<hbm>>
      %dma_start3A_54 = arith.constant 0 : i32
      %dma_start3A_55 = tpu.memref_slice %arg3[%dma_start3A_50, %mul3A_43, %dma_start3A_54] : memref<2x5000x64xi32, #tpu.memory_space<hbm>> -> memref<1x40x64xi32, #tpu.memory_space<hbm>>
      %dma_start3A_56 = tpu.memref_squeeze %dma_start3A_55 : memref<1x40x64xi32, #tpu.memory_space<hbm>> -> memref<40x64xi32, #tpu.memory_space<hbm>>
      tpu.enqueue_dma source(%dma_start3A_56 : memref<40x64xi32, #tpu.memory_space<hbm>>) target(%arg6 : memref<40x64xi32, #tpu.memory_space<vmem>>) target_semaphore(%arg10 : memref<!tpu.dma_semaphore, #tpu.memory_space<semaphore_mem>>)
      %dma_wait3A = arith.constant 0 : i32
      %dma_wait3A_57 = arith.constant 0 : i32
      %dma_wait3A_58 = tpu.memref_slice %arg3[%dma_wait3A, %mul3A_43, %dma_wait3A_57] : memref<2x5000x64xi32, #tpu.memory_space<hbm>> -> memref<1x40x64xi32, #tpu.memory_space<hbm>>
      %dma_wait3A_59 = tpu.memref_squeeze %dma_wait3A_58 : memref<1x40x64xi32, #tpu.memory_space<hbm>> -> memref<40x64xi32, #tpu.memory_space<hbm>>
      %dma_wait3A_60 = arith.constant 0 : i32
      %dma_wait3A_61 = tpu.memref_slice %arg3[%dma_wait3A, %mul3A_43, %dma_wait3A_60] : memref<2x5000x64xi32, #tpu.memory_space<hbm>> -> memref<1x40x64xi32, #tpu.memory_space<hbm>>
      %dma_wait3A_62 = tpu.memref_squeeze %dma_wait3A_61 : memref<1x40x64xi32, #tpu.memory_space<hbm>> -> memref<40x64xi32, #tpu.memory_space<hbm>>
      tpu.wait_dma2 semaphore(%arg9 : memref<!tpu.dma_semaphore, #tpu.memory_space<semaphore_mem>>) src(%dma_wait3A_62 : memref<40x64xi32, #tpu.memory_space<hbm>>) dst(%arg5 : memref<40x64xi32, #tpu.memory_space<vmem>>)
      %dma_wait3A_63 = arith.constant 1 : i32
      %dma_wait3A_64 = arith.constant 0 : i32
      %dma_wait3A_65 = tpu.memref_slice %arg3[%dma_wait3A_63, %mul3A_43, %dma_wait3A_64] : memref<2x5000x64xi32, #tpu.memory_space<hbm>> -> memref<1x40x64xi32, #tpu.memory_space<hbm>>
      %dma_wait3A_66 = tpu.memref_squeeze %dma_wait3A_65 : memref<1x40x64xi32, #tpu.memory_space<hbm>> -> memref<40x64xi32, #tpu.memory_space<hbm>>
      %dma_wait3A_67 = arith.constant 0 : i32
      %dma_wait3A_68 = tpu.memref_slice %arg3[%dma_wait3A_63, %mul3A_43, %dma_wait3A_67] : memref<2x5000x64xi32, #tpu.memory_space<hbm>> -> memref<1x40x64xi32, #tpu.memory_space<hbm>>
      %dma_wait3A_69 = tpu.memref_squeeze %dma_wait3A_68 : memref<1x40x64xi32, #tpu.memory_space<hbm>> -> memref<40x64xi32, #tpu.memory_space<hbm>>
      tpu.wait_dma2 semaphore(%arg10 : memref<!tpu.dma_semaphore, #tpu.memory_space<semaphore_mem>>) src(%dma_wait3A_69 : memref<40x64xi32, #tpu.memory_space<hbm>>) dst(%arg6 : memref<40x64xi32, #tpu.memory_space<vmem>>)
      %dma_start3A_70 = arith.constant 0 : i32
      %dma_start3A_71 = arith.constant 0 : i32
      %dma_start3A_72 = arith.constant 0 : i32
      %dma_start3A_73 = arith.constant 0 : i32
      %dma_start3A_74 = tpu.memref_slice %arg7[%dma_start3A_71, %dma_start3A_72, %dma_start3A_73] : memref<4x64x128xf32, #tpu.memory_space<vmem>> -> memref<1x64x128xf32, #tpu.memory_space<vmem>>
      %dma_start3A_75 = tpu.memref_squeeze %dma_start3A_74 : memref<1x64x128xf32, #tpu.memory_space<vmem>> -> memref<64x128xf32, #tpu.memory_space<vmem>>
      %dma_start3A_76 = arith.constant 0 : i32
      %dma_start3A_77 = tpu.memref_slice %arg5[%dma_start3A_70, %dma_start3A_76] : memref<40x64xi32, #tpu.memory_space<vmem>> -> memref<1x64xi32, #tpu.memory_space<vmem>>
      %dma_start3A_78 = tpu.memref_squeeze %dma_start3A_77 : memref<1x64xi32, #tpu.memory_space<vmem>> -> memref<64xi32, #tpu.memory_space<vmem>>
      %dma_start3A_79 = arith.constant 0 : i32
      %dma_start3A_80 = arith.constant 0 : i32
      %dma_start3A_81 = tpu.memref_slice %arg2[%dma_start3A_79, %dma_start3A_80] : memref<10000x128xf32, #tpu.memory_space<hbm>> -> memref<10000x128xf32, #tpu.memory_space<hbm>>
      tpu.enqueue_indirect_dma source(%dma_start3A_81 : memref<10000x128xf32, #tpu.memory_space<hbm>>) target(%dma_start3A_75 : memref<64x128xf32, #tpu.memory_space<vmem>>) offsets(%dma_start3A_78 : memref<64xi32, #tpu.memory_space<vmem>>) semaphore(%arg9 : memref<!tpu.dma_semaphore, #tpu.memory_space<semaphore_mem>>)
      %dma_start3A_82 = arith.constant 1 : i32
      %dma_start3A_83 = arith.constant 1 : i32
      %dma_start3A_84 = arith.constant 0 : i32
      %dma_start3A_85 = arith.constant 0 : i32
      %dma_start3A_86 = tpu.memref_slice %arg7[%dma_start3A_83, %dma_start3A_84, %dma_start3A_85] : memref<4x64x128xf32, #tpu.memory_space<vmem>> -> memref<1x64x128xf32, #tpu.memory_space<vmem>>
      %dma_start3A_87 = tpu.memref_squeeze %dma_start3A_86 : memref<1x64x128xf32, #tpu.memory_space<vmem>> -> memref<64x128xf32, #tpu.memory_space<vmem>>
      %dma_start3A_88 = arith.constant 0 : i32
      %dma_start3A_89 = tpu.memref_slice %arg5[%dma_start3A_82, %dma_start3A_88] : memref<40x64xi32, #tpu.memory_space<vmem>> -> memref<1x64xi32, #tpu.memory_space<vmem>>
      %dma_start3A_90 = tpu.memref_squeeze %dma_start3A_89 : memref<1x64xi32, #tpu.memory_space<vmem>> -> memref<64xi32, #tpu.memory_space<vmem>>
      %dma_start3A_91 = arith.constant 0 : i32
      %dma_start3A_92 = arith.constant 0 : i32
      %dma_start3A_93 = tpu.memref_slice %arg2[%dma_start3A_91, %dma_start3A_92] : memref<10000x128xf32, #tpu.memory_space<hbm>> -> memref<10000x128xf32, #tpu.memory_space<hbm>>
      tpu.enqueue_indirect_dma source(%dma_start3A_93 : memref<10000x128xf32, #tpu.memory_space<hbm>>) target(%dma_start3A_87 : memref<64x128xf32, #tpu.memory_space<vmem>>) offsets(%dma_start3A_90 : memref<64xi32, #tpu.memory_space<vmem>>) semaphore(%arg10 : memref<!tpu.dma_semaphore, #tpu.memory_space<semaphore_mem>>)
      %dma_start3A_94 = arith.constant 2 : i32
      %dma_start3A_95 = arith.constant 2 : i32
      %dma_start3A_96 = arith.constant 0 : i32
      %dma_start3A_97 = arith.constant 0 : i32
      %dma_start3A_98 = tpu.memref_slice %arg7[%dma_start3A_95, %dma_start3A_96, %dma_start3A_97] : memref<4x64x128xf32, #tpu.memory_space<vmem>> -> memref<1x64x128xf32, #tpu.memory_space<vmem>>
      %dma_start3A_99 = tpu.memref_squeeze %dma_start3A_98 : memref<1x64x128xf32, #tpu.memory_space<vmem>> -> memref<64x128xf32, #tpu.memory_space<vmem>>
      %dma_start3A_100 = arith.constant 0 : i32
      %dma_start3A_101 = tpu.memref_slice %arg5[%dma_start3A_94, %dma_start3A_100] : memref<40x64xi32, #tpu.memory_space<vmem>> -> memref<1x64xi32, #tpu.memory_space<vmem>>
      %dma_start3A_102 = tpu.memref_squeeze %dma_start3A_101 : memref<1x64xi32, #tpu.memory_space<vmem>> -> memref<64xi32, #tpu.memory_space<vmem>>
      %dma_start3A_103 = arith.constant 0 : i32
      %dma_start3A_104 = arith.constant 0 : i32
      %dma_start3A_105 = tpu.memref_slice %arg2[%dma_start3A_103, %dma_start3A_104] : memref<10000x128xf32, #tpu.memory_space<hbm>> -> memref<10000x128xf32, #tpu.memory_space<hbm>>
      tpu.enqueue_indirect_dma source(%dma_start3A_105 : memref<10000x128xf32, #tpu.memory_space<hbm>>) target(%dma_start3A_99 : memref<64x128xf32, #tpu.memory_space<vmem>>) offsets(%dma_start3A_102 : memref<64xi32, #tpu.memory_space<vmem>>) semaphore(%arg11 : memref<!tpu.dma_semaphore, #tpu.memory_space<semaphore_mem>>)
      %dma_start3A_106 = arith.constant 3 : i32
      %dma_start3A_107 = arith.constant 3 : i32
      %dma_start3A_108 = arith.constant 0 : i32
      %dma_start3A_109 = arith.constant 0 : i32
      %dma_start3A_110 = tpu.memref_slice %arg7[%dma_start3A_107, %dma_start3A_108, %dma_start3A_109] : memref<4x64x128xf32, #tpu.memory_space<vmem>> -> memref<1x64x128xf32, #tpu.memory_space<vmem>>
      %dma_start3A_111 = tpu.memref_squeeze %dma_start3A_110 : memref<1x64x128xf32, #tpu.memory_space<vmem>> -> memref<64x128xf32, #tpu.memory_space<vmem>>
      %dma_start3A_112 = arith.constant 0 : i32
      %dma_start3A_113 = tpu.memref_slice %arg5[%dma_start3A_106, %dma_start3A_112] : memref<40x64xi32, #tpu.memory_space<vmem>> -> memref<1x64xi32, #tpu.memory_space<vmem>>
      %dma_start3A_114 = tpu.memref_squeeze %dma_start3A_113 : memref<1x64xi32, #tpu.memory_space<vmem>> -> memref<64xi32, #tpu.memory_space<vmem>>
      %dma_start3A_115 = arith.constant 0 : i32
      %dma_start3A_116 = arith.constant 0 : i32
      %dma_start3A_117 = tpu.memref_slice %arg2[%dma_start3A_115, %dma_start3A_116] : memref<10000x128xf32, #tpu.memory_space<hbm>> -> memref<10000x128xf32, #tpu.memory_space<hbm>>
      tpu.enqueue_indirect_dma source(%dma_start3A_117 : memref<10000x128xf32, #tpu.memory_space<hbm>>) target(%dma_start3A_111 : memref<64x128xf32, #tpu.memory_space<vmem>>) offsets(%dma_start3A_114 : memref<64xi32, #tpu.memory_space<vmem>>) semaphore(%arg12 : memref<!tpu.dma_semaphore, #tpu.memory_space<semaphore_mem>>)
      %scan3A_118 = arith.constant 0 : i32
      %scan3A_119 = arith.constant 10 : i32
      %scan3A_120 = arith.addi %scan3A_118, %scan3A_119 : i32
      %scan3A_121 = arith.constant 1 : i32
      scf.for %scan3A_171 = %scan3A_118 to %scan3A_120 step %scan3A_121  : i32 {
        %mul3A_172 = arith.constant 4 : i32
        %mul3A_173 = arith.muli %scan3A_171, %mul3A_172 : i32
        %add3A_174 = arith.constant 0 : i32
        %add3A_175 = arith.addi %add3A_174, %mul3A_173 : i32
        %add3A_176 = arith.constant 0 : i32
        %add3A_177 = arith.addi %add3A_175, %add3A_176 : i32
        %dma_wait3A_178 = arith.constant 0 : i32
        %dma_wait3A_179 = arith.constant 0 : i32
        %dma_wait3A_180 = arith.constant 0 : i32
        %dma_wait3A_181 = tpu.memref_slice %arg7[%dma_wait3A_178, %dma_wait3A_179, %dma_wait3A_180] : memref<4x64x128xf32, #tpu.memory_space<vmem>> -> memref<1x64x128xf32, #tpu.memory_space<vmem>>
        %dma_wait3A_182 = tpu.memref_squeeze %dma_wait3A_181 : memref<1x64x128xf32, #tpu.memory_space<vmem>> -> memref<64x128xf32, #tpu.memory_space<vmem>>
        %dma_wait3A_183 = arith.constant 0 : i32
        %dma_wait3A_184 = tpu.memref_slice %arg5[%add3A_177, %dma_wait3A_183] : memref<40x64xi32, #tpu.memory_space<vmem>> -> memref<1x64xi32, #tpu.memory_space<vmem>>
        %dma_wait3A_185 = tpu.memref_squeeze %dma_wait3A_184 : memref<1x64xi32, #tpu.memory_space<vmem>> -> memref<64xi32, #tpu.memory_space<vmem>>
        %dma_wait3A_186 = arith.constant 0 : i32
        %dma_wait3A_187 = arith.constant 0 : i32
        %dma_wait3A_188 = tpu.memref_slice %arg2[%dma_wait3A_186, %dma_wait3A_187] : memref<10000x128xf32, #tpu.memory_space<hbm>> -> memref<10000x128xf32, #tpu.memory_space<hbm>>
        tpu.wait_indirect_dma semaphore(%arg9 : memref<!tpu.dma_semaphore, #tpu.memory_space<semaphore_mem>>) src(%dma_wait3A_188 : memref<10000x128xf32, #tpu.memory_space<hbm>>) dst(%dma_wait3A_182 : memref<64x128xf32, #tpu.memory_space<vmem>>)
        %add3A_189 = arith.constant 0 : i32
        %add3A_190 = arith.addi %add3A_175, %add3A_189 : i32
        %dma_start3A_191 = arith.constant 0 : i32
        %dma_start3A_192 = arith.constant 0 : i32
        %dma_start3A_193 = arith.constant 0 : i32
        %dma_start3A_194 = tpu.memref_slice %arg7[%dma_start3A_191, %dma_start3A_192, %dma_start3A_193] : memref<4x64x128xf32, #tpu.memory_space<vmem>> -> memref<1x64x128xf32, #tpu.memory_space<vmem>>
        %dma_start3A_195 = tpu.memref_squeeze %dma_start3A_194 : memref<1x64x128xf32, #tpu.memory_space<vmem>> -> memref<64x128xf32, #tpu.memory_space<vmem>>
        %dma_start3A_196 = arith.constant 0 : i32
        %dma_start3A_197 = tpu.memref_slice %arg6[%add3A_190, %dma_start3A_196] : memref<40x64xi32, #tpu.memory_space<vmem>> -> memref<1x64xi32, #tpu.memory_space<vmem>>
        %dma_start3A_198 = tpu.memref_squeeze %dma_start3A_197 : memref<1x64xi32, #tpu.memory_space<vmem>> -> memref<64xi32, #tpu.memory_space<vmem>>
        %dma_start3A_199 = arith.constant 0 : i32
        %dma_start3A_200 = arith.constant 0 : i32
        %dma_start3A_201 = tpu.memref_slice %arg8[%dma_start3A_199, %dma_start3A_200] : memref<10240x128xf32, #tpu.memory_space<vmem_shared>> -> memref<10240x128xf32, #tpu.memory_space<vmem_shared>>
        tpu.enqueue_indirect_dma source(%dma_start3A_195 : memref<64x128xf32, #tpu.memory_space<vmem>>) target(%dma_start3A_201 : memref<10240x128xf32, #tpu.memory_space<vmem_shared>>) offsets(%dma_start3A_198 : memref<64xi32, #tpu.memory_space<vmem>>) semaphore(%arg13 : memref<!tpu.dma_semaphore, #tpu.memory_space<semaphore_mem>>) {add = true}
        %add3A_202 = arith.constant 1 : i32
        %add3A_203 = arith.addi %add3A_175, %add3A_202 : i32
        %dma_wait3A_204 = arith.constant 1 : i32
        %dma_wait3A_205 = arith.constant 0 : i32
        %dma_wait3A_206 = arith.constant 0 : i32
        %dma_wait3A_207 = tpu.memref_slice %arg7[%dma_wait3A_204, %dma_wait3A_205, %dma_wait3A_206] : memref<4x64x128xf32, #tpu.memory_space<vmem>> -> memref<1x64x128xf32, #tpu.memory_space<vmem>>
        %dma_wait3A_208 = tpu.memref_squeeze %dma_wait3A_207 : memref<1x64x128xf32, #tpu.memory_space<vmem>> -> memref<64x128xf32, #tpu.memory_space<vmem>>
        %dma_wait3A_209 = arith.constant 0 : i32
        %dma_wait3A_210 = tpu.memref_slice %arg5[%add3A_203, %dma_wait3A_209] : memref<40x64xi32, #tpu.memory_space<vmem>> -> memref<1x64xi32, #tpu.memory_space<vmem>>
        %dma_wait3A_211 = tpu.memref_squeeze %dma_wait3A_210 : memref<1x64xi32, #tpu.memory_space<vmem>> -> memref<64xi32, #tpu.memory_space<vmem>>
        %dma_wait3A_212 = arith.constant 0 : i32
        %dma_wait3A_213 = arith.constant 0 : i32
        %dma_wait3A_214 = tpu.memref_slice %arg2[%dma_wait3A_212, %dma_wait3A_213] : memref<10000x128xf32, #tpu.memory_space<hbm>> -> memref<10000x128xf32, #tpu.memory_space<hbm>>
        tpu.wait_indirect_dma semaphore(%arg10 : memref<!tpu.dma_semaphore, #tpu.memory_space<semaphore_mem>>) src(%dma_wait3A_214 : memref<10000x128xf32, #tpu.memory_space<hbm>>) dst(%dma_wait3A_208 : memref<64x128xf32, #tpu.memory_space<vmem>>)
        %add3A_215 = arith.constant 1 : i32
        %add3A_216 = arith.addi %add3A_175, %add3A_215 : i32
        %dma_start3A_217 = arith.constant 1 : i32
        %dma_start3A_218 = arith.constant 0 : i32
        %dma_start3A_219 = arith.constant 0 : i32
        %dma_start3A_220 = tpu.memref_slice %arg7[%dma_start3A_217, %dma_start3A_218, %dma_start3A_219] : memref<4x64x128xf32, #tpu.memory_space<vmem>> -> memref<1x64x128xf32, #tpu.memory_space<vmem>>
        %dma_start3A_221 = tpu.memref_squeeze %dma_start3A_220 : memref<1x64x128xf32, #tpu.memory_space<vmem>> -> memref<64x128xf32, #tpu.memory_space<vmem>>
        %dma_start3A_222 = arith.constant 0 : i32
        %dma_start3A_223 = tpu.memref_slice %arg6[%add3A_216, %dma_start3A_222] : memref<40x64xi32, #tpu.memory_space<vmem>> -> memref<1x64xi32, #tpu.memory_space<vmem>>
        %dma_start3A_224 = tpu.memref_squeeze %dma_start3A_223 : memref<1x64xi32, #tpu.memory_space<vmem>> -> memref<64xi32, #tpu.memory_space<vmem>>
        %dma_start3A_225 = arith.constant 0 : i32
        %dma_start3A_226 = arith.constant 0 : i32
        %dma_start3A_227 = tpu.memref_slice %arg8[%dma_start3A_225, %dma_start3A_226] : memref<10240x128xf32, #tpu.memory_space<vmem_shared>> -> memref<10240x128xf32, #tpu.memory_space<vmem_shared>>
        tpu.enqueue_indirect_dma source(%dma_start3A_221 : memref<64x128xf32, #tpu.memory_space<vmem>>) target(%dma_start3A_227 : memref<10240x128xf32, #tpu.memory_space<vmem_shared>>) offsets(%dma_start3A_224 : memref<64xi32, #tpu.memory_space<vmem>>) semaphore(%arg14 : memref<!tpu.dma_semaphore, #tpu.memory_space<semaphore_mem>>) {add = true}
        %add3A_228 = arith.constant 2 : i32
        %add3A_229 = arith.addi %add3A_175, %add3A_228 : i32
        %dma_wait3A_230 = arith.constant 2 : i32
        %dma_wait3A_231 = arith.constant 0 : i32
        %dma_wait3A_232 = arith.constant 0 : i32
        %dma_wait3A_233 = tpu.memref_slice %arg7[%dma_wait3A_230, %dma_wait3A_231, %dma_wait3A_232] : memref<4x64x128xf32, #tpu.memory_space<vmem>> -> memref<1x64x128xf32, #tpu.memory_space<vmem>>
        %dma_wait3A_234 = tpu.memref_squeeze %dma_wait3A_233 : memref<1x64x128xf32, #tpu.memory_space<vmem>> -> memref<64x128xf32, #tpu.memory_space<vmem>>
        %dma_wait3A_235 = arith.constant 0 : i32
        %dma_wait3A_236 = tpu.memref_slice %arg5[%add3A_229, %dma_wait3A_235] : memref<40x64xi32, #tpu.memory_space<vmem>> -> memref<1x64xi32, #tpu.memory_space<vmem>>
        %dma_wait3A_237 = tpu.memref_squeeze %dma_wait3A_236 : memref<1x64xi32, #tpu.memory_space<vmem>> -> memref<64xi32, #tpu.memory_space<vmem>>
        %dma_wait3A_238 = arith.constant 0 : i32
        %dma_wait3A_239 = arith.constant 0 : i32
        %dma_wait3A_240 = tpu.memref_slice %arg2[%dma_wait3A_238, %dma_wait3A_239] : memref<10000x128xf32, #tpu.memory_space<hbm>> -> memref<10000x128xf32, #tpu.memory_space<hbm>>
        tpu.wait_indirect_dma semaphore(%arg11 : memref<!tpu.dma_semaphore, #tpu.memory_space<semaphore_mem>>) src(%dma_wait3A_240 : memref<10000x128xf32, #tpu.memory_space<hbm>>) dst(%dma_wait3A_234 : memref<64x128xf32, #tpu.memory_space<vmem>>)
        %add3A_241 = arith.constant 2 : i32
        %add3A_242 = arith.addi %add3A_175, %add3A_241 : i32
        %dma_start3A_243 = arith.constant 2 : i32
        %dma_start3A_244 = arith.constant 0 : i32
        %dma_start3A_245 = arith.constant 0 : i32
        %dma_start3A_246 = tpu.memref_slice %arg7[%dma_start3A_243, %dma_start3A_244, %dma_start3A_245] : memref<4x64x128xf32, #tpu.memory_space<vmem>> -> memref<1x64x128xf32, #tpu.memory_space<vmem>>
        %dma_start3A_247 = tpu.memref_squeeze %dma_start3A_246 : memref<1x64x128xf32, #tpu.memory_space<vmem>> -> memref<64x128xf32, #tpu.memory_space<vmem>>
        %dma_start3A_248 = arith.constant 0 : i32
        %dma_start3A_249 = tpu.memref_slice %arg6[%add3A_242, %dma_start3A_248] : memref<40x64xi32, #tpu.memory_space<vmem>> -> memref<1x64xi32, #tpu.memory_space<vmem>>
        %dma_start3A_250 = tpu.memref_squeeze %dma_start3A_249 : memref<1x64xi32, #tpu.memory_space<vmem>> -> memref<64xi32, #tpu.memory_space<vmem>>
        %dma_start3A_251 = arith.constant 0 : i32
        %dma_start3A_252 = arith.constant 0 : i32
        %dma_start3A_253 = tpu.memref_slice %arg8[%dma_start3A_251, %dma_start3A_252] : memref<10240x128xf32, #tpu.memory_space<vmem_shared>> -> memref<10240x128xf32, #tpu.memory_space<vmem_shared>>
        tpu.enqueue_indirect_dma source(%dma_start3A_247 : memref<64x128xf32, #tpu.memory_space<vmem>>) target(%dma_start3A_253 : memref<10240x128xf32, #tpu.memory_space<vmem_shared>>) offsets(%dma_start3A_250 : memref<64xi32, #tpu.memory_space<vmem>>) semaphore(%arg15 : memref<!tpu.dma_semaphore, #tpu.memory_space<semaphore_mem>>) {add = true}
        %add3A_254 = arith.constant 3 : i32
        %add3A_255 = arith.addi %add3A_175, %add3A_254 : i32
        %dma_wait3A_256 = arith.constant 3 : i32
        %dma_wait3A_257 = arith.constant 0 : i32
        %dma_wait3A_258 = arith.constant 0 : i32
        %dma_wait3A_259 = tpu.memref_slice %arg7[%dma_wait3A_256, %dma_wait3A_257, %dma_wait3A_258] : memref<4x64x128xf32, #tpu.memory_space<vmem>> -> memref<1x64x128xf32, #tpu.memory_space<vmem>>
        %dma_wait3A_260 = tpu.memref_squeeze %dma_wait3A_259 : memref<1x64x128xf32, #tpu.memory_space<vmem>> -> memref<64x128xf32, #tpu.memory_space<vmem>>
        %dma_wait3A_261 = arith.constant 0 : i32
        %dma_wait3A_262 = tpu.memref_slice %arg5[%add3A_255, %dma_wait3A_261] : memref<40x64xi32, #tpu.memory_space<vmem>> -> memref<1x64xi32, #tpu.memory_space<vmem>>
        %dma_wait3A_263 = tpu.memref_squeeze %dma_wait3A_262 : memref<1x64xi32, #tpu.memory_space<vmem>> -> memref<64xi32, #tpu.memory_space<vmem>>
        %dma_wait3A_264 = arith.constant 0 : i32
        %dma_wait3A_265 = arith.constant 0 : i32
        %dma_wait3A_266 = tpu.memref_slice %arg2[%dma_wait3A_264, %dma_wait3A_265] : memref<10000x128xf32, #tpu.memory_space<hbm>> -> memref<10000x128xf32, #tpu.memory_space<hbm>>
        tpu.wait_indirect_dma semaphore(%arg12 : memref<!tpu.dma_semaphore, #tpu.memory_space<semaphore_mem>>) src(%dma_wait3A_266 : memref<10000x128xf32, #tpu.memory_space<hbm>>) dst(%dma_wait3A_260 : memref<64x128xf32, #tpu.memory_space<vmem>>)
        %add3A_267 = arith.constant 3 : i32
        %add3A_268 = arith.addi %add3A_175, %add3A_267 : i32
        %dma_start3A_269 = arith.constant 3 : i32
        %dma_start3A_270 = arith.constant 0 : i32
        %dma_start3A_271 = arith.constant 0 : i32
        %dma_start3A_272 = tpu.memref_slice %arg7[%dma_start3A_269, %dma_start3A_270, %dma_start3A_271] : memref<4x64x128xf32, #tpu.memory_space<vmem>> -> memref<1x64x128xf32, #tpu.memory_space<vmem>>
        %dma_start3A_273 = tpu.memref_squeeze %dma_start3A_272 : memref<1x64x128xf32, #tpu.memory_space<vmem>> -> memref<64x128xf32, #tpu.memory_space<vmem>>
        %dma_start3A_274 = arith.constant 0 : i32
        %dma_start3A_275 = tpu.memref_slice %arg6[%add3A_268, %dma_start3A_274] : memref<40x64xi32, #tpu.memory_space<vmem>> -> memref<1x64xi32, #tpu.memory_space<vmem>>
        %dma_start3A_276 = tpu.memref_squeeze %dma_start3A_275 : memref<1x64xi32, #tpu.memory_space<vmem>> -> memref<64xi32, #tpu.memory_space<vmem>>
        %dma_start3A_277 = arith.constant 0 : i32
        %dma_start3A_278 = arith.constant 0 : i32
        %dma_start3A_279 = tpu.memref_slice %arg8[%dma_start3A_277, %dma_start3A_278] : memref<10240x128xf32, #tpu.memory_space<vmem_shared>> -> memref<10240x128xf32, #tpu.memory_space<vmem_shared>>
        tpu.enqueue_indirect_dma source(%dma_start3A_273 : memref<64x128xf32, #tpu.memory_space<vmem>>) target(%dma_start3A_279 : memref<10240x128xf32, #tpu.memory_space<vmem_shared>>) offsets(%dma_start3A_276 : memref<64xi32, #tpu.memory_space<vmem>>) semaphore(%arg16 : memref<!tpu.dma_semaphore, #tpu.memory_space<semaphore_mem>>) {add = true}
        %add3A_280 = arith.constant 4 : i32
        %add3A_281 = arith.addi %add3A_175, %add3A_280 : i32
        %add3A_282 = arith.constant 0 : i32
        %add3A_283 = arith.addi %add3A_281, %add3A_282 : i32
        %lt3A_284 = arith.constant 40 : i32
        %lt3A_285 = arith.cmpi slt, %add3A_283, %lt3A_284 : i32
        %convert_element_type3A_286 = arith.extui %lt3A_285 : i1 to i32
        %cond3A_287 = arith.constant 0 : i32
        %cond3A_288 = arith.cmpi ne, %convert_element_type3A_286, %cond3A_287 : i32
        scf.if %cond3A_288 {
          %add3A_316 = arith.constant 0 : i32
          %add3A_317 = arith.addi %add3A_175, %add3A_316 : i32
          %dma_wait3A_318 = arith.constant 0 : i32
          %dma_wait3A_319 = arith.constant 0 : i32
          %dma_wait3A_320 = arith.constant 0 : i32
          %dma_wait3A_321 = tpu.memref_slice %arg7[%dma_wait3A_318, %dma_wait3A_319, %dma_wait3A_320] : memref<4x64x128xf32, #tpu.memory_space<vmem>> -> memref<1x64x128xf32, #tpu.memory_space<vmem>>
          %dma_wait3A_322 = tpu.memref_squeeze %dma_wait3A_321 : memref<1x64x128xf32, #tpu.memory_space<vmem>> -> memref<64x128xf32, #tpu.memory_space<vmem>>
          %dma_wait3A_323 = arith.constant 0 : i32
          %dma_wait3A_324 = tpu.memref_slice %arg6[%add3A_317, %dma_wait3A_323] : memref<40x64xi32, #tpu.memory_space<vmem>> -> memref<1x64xi32, #tpu.memory_space<vmem>>
          %dma_wait3A_325 = tpu.memref_squeeze %dma_wait3A_324 : memref<1x64xi32, #tpu.memory_space<vmem>> -> memref<64xi32, #tpu.memory_space<vmem>>
          %dma_wait3A_326 = arith.constant 0 : i32
          %dma_wait3A_327 = arith.constant 0 : i32
          %dma_wait3A_328 = tpu.memref_slice %arg8[%dma_wait3A_326, %dma_wait3A_327] : memref<10240x128xf32, #tpu.memory_space<vmem_shared>> -> memref<10240x128xf32, #tpu.memory_space<vmem_shared>>
          tpu.wait_indirect_dma semaphore(%arg13 : memref<!tpu.dma_semaphore, #tpu.memory_space<semaphore_mem>>) src(%dma_wait3A_322 : memref<64x128xf32, #tpu.memory_space<vmem>>) dst(%dma_wait3A_328 : memref<10240x128xf32, #tpu.memory_space<vmem_shared>>)
          %add3A_329 = arith.constant 4 : i32
          %add3A_330 = arith.addi %add3A_175, %add3A_329 : i32
          %add3A_331 = arith.constant 0 : i32
          %add3A_332 = arith.addi %add3A_330, %add3A_331 : i32
          %dma_start3A_333 = arith.constant 0 : i32
          %dma_start3A_334 = arith.constant 0 : i32
          %dma_start3A_335 = arith.constant 0 : i32
          %dma_start3A_336 = tpu.memref_slice %arg7[%dma_start3A_333, %dma_start3A_334, %dma_start3A_335] : memref<4x64x128xf32, #tpu.memory_space<vmem>> -> memref<1x64x128xf32, #tpu.memory_space<vmem>>
          %dma_start3A_337 = tpu.memref_squeeze %dma_start3A_336 : memref<1x64x128xf32, #tpu.memory_space<vmem>> -> memref<64x128xf32, #tpu.memory_space<vmem>>
          %dma_start3A_338 = arith.constant 0 : i32
          %dma_start3A_339 = tpu.memref_slice %arg5[%add3A_332, %dma_start3A_338] : memref<40x64xi32, #tpu.memory_space<vmem>> -> memref<1x64xi32, #tpu.memory_space<vmem>>
          %dma_start3A_340 = tpu.memref_squeeze %dma_start3A_339 : memref<1x64xi32, #tpu.memory_space<vmem>> -> memref<64xi32, #tpu.memory_space<vmem>>
          %dma_start3A_341 = arith.constant 0 : i32
          %dma_start3A_342 = arith.constant 0 : i32
          %dma_start3A_343 = tpu.memref_slice %arg2[%dma_start3A_341, %dma_start3A_342] : memref<10000x128xf32, #tpu.memory_space<hbm>> -> memref<10000x128xf32, #tpu.memory_space<hbm>>
          tpu.enqueue_indirect_dma source(%dma_start3A_343 : memref<10000x128xf32, #tpu.memory_space<hbm>>) target(%dma_start3A_337 : memref<64x128xf32, #tpu.memory_space<vmem>>) offsets(%dma_start3A_340 : memref<64xi32, #tpu.memory_space<vmem>>) semaphore(%arg9 : memref<!tpu.dma_semaphore, #tpu.memory_space<semaphore_mem>>)
        } else {
        }
        %add3A_289 = arith.constant 4 : i32
        %add3A_290 = arith.addi %add3A_175, %add3A_289 : i32
        %add3A_291 = arith.constant 1 : i32
        %add3A_292 = arith.addi %add3A_290, %add3A_291 : i32
        %lt3A_293 = arith.constant 40 : i32
        %lt3A_294 = arith.cmpi slt, %add3A_292, %lt3A_293 : i32
        %convert_element_type3A_295 = arith.extui %lt3A_294 : i1 to i32
        %cond3A_296 = arith.constant 0 : i32
        %cond3A_297 = arith.cmpi ne, %convert_element_type3A_295, %cond3A_296 : i32
        scf.if %cond3A_297 {
          %add3A_316 = arith.constant 1 : i32
          %add3A_317 = arith.addi %add3A_175, %add3A_316 : i32
          %dma_wait3A_318 = arith.constant 1 : i32
          %dma_wait3A_319 = arith.constant 0 : i32
          %dma_wait3A_320 = arith.constant 0 : i32
          %dma_wait3A_321 = tpu.memref_slice %arg7[%dma_wait3A_318, %dma_wait3A_319, %dma_wait3A_320] : memref<4x64x128xf32, #tpu.memory_space<vmem>> -> memref<1x64x128xf32, #tpu.memory_space<vmem>>
          %dma_wait3A_322 = tpu.memref_squeeze %dma_wait3A_321 : memref<1x64x128xf32, #tpu.memory_space<vmem>> -> memref<64x128xf32, #tpu.memory_space<vmem>>
          %dma_wait3A_323 = arith.constant 0 : i32
          %dma_wait3A_324 = tpu.memref_slice %arg6[%add3A_317, %dma_wait3A_323] : memref<40x64xi32, #tpu.memory_space<vmem>> -> memref<1x64xi32, #tpu.memory_space<vmem>>
          %dma_wait3A_325 = tpu.memref_squeeze %dma_wait3A_324 : memref<1x64xi32, #tpu.memory_space<vmem>> -> memref<64xi32, #tpu.memory_space<vmem>>
          %dma_wait3A_326 = arith.constant 0 : i32
          %dma_wait3A_327 = arith.constant 0 : i32
          %dma_wait3A_328 = tpu.memref_slice %arg8[%dma_wait3A_326, %dma_wait3A_327] : memref<10240x128xf32, #tpu.memory_space<vmem_shared>> -> memref<10240x128xf32, #tpu.memory_space<vmem_shared>>
          tpu.wait_indirect_dma semaphore(%arg14 : memref<!tpu.dma_semaphore, #tpu.memory_space<semaphore_mem>>) src(%dma_wait3A_322 : memref<64x128xf32, #tpu.memory_space<vmem>>) dst(%dma_wait3A_328 : memref<10240x128xf32, #tpu.memory_space<vmem_shared>>)
          %add3A_329 = arith.constant 4 : i32
          %add3A_330 = arith.addi %add3A_175, %add3A_329 : i32
          %add3A_331 = arith.constant 1 : i32
          %add3A_332 = arith.addi %add3A_330, %add3A_331 : i32
          %dma_start3A_333 = arith.constant 1 : i32
          %dma_start3A_334 = arith.constant 0 : i32
          %dma_start3A_335 = arith.constant 0 : i32
          %dma_start3A_336 = tpu.memref_slice %arg7[%dma_start3A_333, %dma_start3A_334, %dma_start3A_335] : memref<4x64x128xf32, #tpu.memory_space<vmem>> -> memref<1x64x128xf32, #tpu.memory_space<vmem>>
          %dma_start3A_337 = tpu.memref_squeeze %dma_start3A_336 : memref<1x64x128xf32, #tpu.memory_space<vmem>> -> memref<64x128xf32, #tpu.memory_space<vmem>>
          %dma_start3A_338 = arith.constant 0 : i32
          %dma_start3A_339 = tpu.memref_slice %arg5[%add3A_332, %dma_start3A_338] : memref<40x64xi32, #tpu.memory_space<vmem>> -> memref<1x64xi32, #tpu.memory_space<vmem>>
          %dma_start3A_340 = tpu.memref_squeeze %dma_start3A_339 : memref<1x64xi32, #tpu.memory_space<vmem>> -> memref<64xi32, #tpu.memory_space<vmem>>
          %dma_start3A_341 = arith.constant 0 : i32
          %dma_start3A_342 = arith.constant 0 : i32
          %dma_start3A_343 = tpu.memref_slice %arg2[%dma_start3A_341, %dma_start3A_342] : memref<10000x128xf32, #tpu.memory_space<hbm>> -> memref<10000x128xf32, #tpu.memory_space<hbm>>
          tpu.enqueue_indirect_dma source(%dma_start3A_343 : memref<10000x128xf32, #tpu.memory_space<hbm>>) target(%dma_start3A_337 : memref<64x128xf32, #tpu.memory_space<vmem>>) offsets(%dma_start3A_340 : memref<64xi32, #tpu.memory_space<vmem>>) semaphore(%arg10 : memref<!tpu.dma_semaphore, #tpu.memory_space<semaphore_mem>>)
        } else {
        }
        %add3A_298 = arith.constant 4 : i32
        %add3A_299 = arith.addi %add3A_175, %add3A_298 : i32
        %add3A_300 = arith.constant 2 : i32
        %add3A_301 = arith.addi %add3A_299, %add3A_300 : i32
        %lt3A_302 = arith.constant 40 : i32
        %lt3A_303 = arith.cmpi slt, %add3A_301, %lt3A_302 : i32
        %convert_element_type3A_304 = arith.extui %lt3A_303 : i1 to i32
        %cond3A_305 = arith.constant 0 : i32
        %cond3A_306 = arith.cmpi ne, %convert_element_type3A_304, %cond3A_305 : i32
        scf.if %cond3A_306 {
          %add3A_316 = arith.constant 2 : i32
          %add3A_317 = arith.addi %add3A_175, %add3A_316 : i32
          %dma_wait3A_318 = arith.constant 2 : i32
          %dma_wait3A_319 = arith.constant 0 : i32
          %dma_wait3A_320 = arith.constant 0 : i32
          %dma_wait3A_321 = tpu.memref_slice %arg7[%dma_wait3A_318, %dma_wait3A_319, %dma_wait3A_320] : memref<4x64x128xf32, #tpu.memory_space<vmem>> -> memref<1x64x128xf32, #tpu.memory_space<vmem>>
          %dma_wait3A_322 = tpu.memref_squeeze %dma_wait3A_321 : memref<1x64x128xf32, #tpu.memory_space<vmem>> -> memref<64x128xf32, #tpu.memory_space<vmem>>
          %dma_wait3A_323 = arith.constant 0 : i32
          %dma_wait3A_324 = tpu.memref_slice %arg6[%add3A_317, %dma_wait3A_323] : memref<40x64xi32, #tpu.memory_space<vmem>> -> memref<1x64xi32, #tpu.memory_space<vmem>>
          %dma_wait3A_325 = tpu.memref_squeeze %dma_wait3A_324 : memref<1x64xi32, #tpu.memory_space<vmem>> -> memref<64xi32, #tpu.memory_space<vmem>>
          %dma_wait3A_326 = arith.constant 0 : i32
          %dma_wait3A_327 = arith.constant 0 : i32
          %dma_wait3A_328 = tpu.memref_slice %arg8[%dma_wait3A_326, %dma_wait3A_327] : memref<10240x128xf32, #tpu.memory_space<vmem_shared>> -> memref<10240x128xf32, #tpu.memory_space<vmem_shared>>
          tpu.wait_indirect_dma semaphore(%arg15 : memref<!tpu.dma_semaphore, #tpu.memory_space<semaphore_mem>>) src(%dma_wait3A_322 : memref<64x128xf32, #tpu.memory_space<vmem>>) dst(%dma_wait3A_328 : memref<10240x128xf32, #tpu.memory_space<vmem_shared>>)
          %add3A_329 = arith.constant 4 : i32
          %add3A_330 = arith.addi %add3A_175, %add3A_329 : i32
          %add3A_331 = arith.constant 2 : i32
          %add3A_332 = arith.addi %add3A_330, %add3A_331 : i32
          %dma_start3A_333 = arith.constant 2 : i32
          %dma_start3A_334 = arith.constant 0 : i32
          %dma_start3A_335 = arith.constant 0 : i32
          %dma_start3A_336 = tpu.memref_slice %arg7[%dma_start3A_333, %dma_start3A_334, %dma_start3A_335] : memref<4x64x128xf32, #tpu.memory_space<vmem>> -> memref<1x64x128xf32, #tpu.memory_space<vmem>>
          %dma_start3A_337 = tpu.memref_squeeze %dma_start3A_336 : memref<1x64x128xf32, #tpu.memory_space<vmem>> -> memref<64x128xf32, #tpu.memory_space<vmem>>
          %dma_start3A_338 = arith.constant 0 : i32
          %dma_start3A_339 = tpu.memref_slice %arg5[%add3A_332, %dma_start3A_338] : memref<40x64xi32, #tpu.memory_space<vmem>> -> memref<1x64xi32, #tpu.memory_space<vmem>>
          %dma_start3A_340 = tpu.memref_squeeze %dma_start3A_339 : memref<1x64xi32, #tpu.memory_space<vmem>> -> memref<64xi32, #tpu.memory_space<vmem>>
          %dma_start3A_341 = arith.constant 0 : i32
          %dma_start3A_342 = arith.constant 0 : i32
          %dma_start3A_343 = tpu.memref_slice %arg2[%dma_start3A_341, %dma_start3A_342] : memref<10000x128xf32, #tpu.memory_space<hbm>> -> memref<10000x128xf32, #tpu.memory_space<hbm>>
          tpu.enqueue_indirect_dma source(%dma_start3A_343 : memref<10000x128xf32, #tpu.memory_space<hbm>>) target(%dma_start3A_337 : memref<64x128xf32, #tpu.memory_space<vmem>>) offsets(%dma_start3A_340 : memref<64xi32, #tpu.memory_space<vmem>>) semaphore(%arg11 : memref<!tpu.dma_semaphore, #tpu.memory_space<semaphore_mem>>)
        } else {
        }
        %add3A_307 = arith.constant 4 : i32
        %add3A_308 = arith.addi %add3A_175, %add3A_307 : i32
        %add3A_309 = arith.constant 3 : i32
        %add3A_310 = arith.addi %add3A_308, %add3A_309 : i32
        %lt3A_311 = arith.constant 40 : i32
        %lt3A_312 = arith.cmpi slt, %add3A_310, %lt3A_311 : i32
        %convert_element_type3A_313 = arith.extui %lt3A_312 : i1 to i32
        %cond3A_314 = arith.constant 0 : i32
        %cond3A_315 = arith.cmpi ne, %convert_element_type3A_313, %cond3A_314 : i32
        scf.if %cond3A_315 {
          %add3A_316 = arith.constant 3 : i32
          %add3A_317 = arith.addi %add3A_175, %add3A_316 : i32
          %dma_wait3A_318 = arith.constant 3 : i32
          %dma_wait3A_319 = arith.constant 0 : i32
          %dma_wait3A_320 = arith.constant 0 : i32
          %dma_wait3A_321 = tpu.memref_slice %arg7[%dma_wait3A_318, %dma_wait3A_319, %dma_wait3A_320] : memref<4x64x128xf32, #tpu.memory_space<vmem>> -> memref<1x64x128xf32, #tpu.memory_space<vmem>>
          %dma_wait3A_322 = tpu.memref_squeeze %dma_wait3A_321 : memref<1x64x128xf32, #tpu.memory_space<vmem>> -> memref<64x128xf32, #tpu.memory_space<vmem>>
          %dma_wait3A_323 = arith.constant 0 : i32
          %dma_wait3A_324 = tpu.memref_slice %arg6[%add3A_317, %dma_wait3A_323] : memref<40x64xi32, #tpu.memory_space<vmem>> -> memref<1x64xi32, #tpu.memory_space<vmem>>
          %dma_wait3A_325 = tpu.memref_squeeze %dma_wait3A_324 : memref<1x64xi32, #tpu.memory_space<vmem>> -> memref<64xi32, #tpu.memory_space<vmem>>
          %dma_wait3A_326 = arith.constant 0 : i32
          %dma_wait3A_327 = arith.constant 0 : i32
          %dma_wait3A_328 = tpu.memref_slice %arg8[%dma_wait3A_326, %dma_wait3A_327] : memref<10240x128xf32, #tpu.memory_space<vmem_shared>> -> memref<10240x128xf32, #tpu.memory_space<vmem_shared>>
          tpu.wait_indirect_dma semaphore(%arg16 : memref<!tpu.dma_semaphore, #tpu.memory_space<semaphore_mem>>) src(%dma_wait3A_322 : memref<64x128xf32, #tpu.memory_space<vmem>>) dst(%dma_wait3A_328 : memref<10240x128xf32, #tpu.memory_space<vmem_shared>>)
          %add3A_329 = arith.constant 4 : i32
          %add3A_330 = arith.addi %add3A_175, %add3A_329 : i32
          %add3A_331 = arith.constant 3 : i32
          %add3A_332 = arith.addi %add3A_330, %add3A_331 : i32
          %dma_start3A_333 = arith.constant 3 : i32
          %dma_start3A_334 = arith.constant 0 : i32
          %dma_start3A_335 = arith.constant 0 : i32
          %dma_start3A_336 = tpu.memref_slice %arg7[%dma_start3A_333, %dma_start3A_334, %dma_start3A_335] : memref<4x64x128xf32, #tpu.memory_space<vmem>> -> memref<1x64x128xf32, #tpu.memory_space<vmem>>
          %dma_start3A_337 = tpu.memref_squeeze %dma_start3A_336 : memref<1x64x128xf32, #tpu.memory_space<vmem>> -> memref<64x128xf32, #tpu.memory_space<vmem>>
          %dma_start3A_338 = arith.constant 0 : i32
          %dma_start3A_339 = tpu.memref_slice %arg5[%add3A_332, %dma_start3A_338] : memref<40x64xi32, #tpu.memory_space<vmem>> -> memref<1x64xi32, #tpu.memory_space<vmem>>
          %dma_start3A_340 = tpu.memref_squeeze %dma_start3A_339 : memref<1x64xi32, #tpu.memory_space<vmem>> -> memref<64xi32, #tpu.memory_space<vmem>>
          %dma_start3A_341 = arith.constant 0 : i32
          %dma_start3A_342 = arith.constant 0 : i32
          %dma_start3A_343 = tpu.memref_slice %arg2[%dma_start3A_341, %dma_start3A_342] : memref<10000x128xf32, #tpu.memory_space<hbm>> -> memref<10000x128xf32, #tpu.memory_space<hbm>>
          tpu.enqueue_indirect_dma source(%dma_start3A_343 : memref<10000x128xf32, #tpu.memory_space<hbm>>) target(%dma_start3A_337 : memref<64x128xf32, #tpu.memory_space<vmem>>) offsets(%dma_start3A_340 : memref<64xi32, #tpu.memory_space<vmem>>) semaphore(%arg12 : memref<!tpu.dma_semaphore, #tpu.memory_space<semaphore_mem>>)
        } else {
        }
      }
      %scan3A_122 = arith.constant 10 : i32
      %dma_wait3A_123 = arith.constant 0 : i32
      %dma_wait3A_124 = arith.constant 36 : i32
      %dma_wait3A_125 = arith.constant 0 : i32
      %dma_wait3A_126 = arith.constant 0 : i32
      %dma_wait3A_127 = tpu.memref_slice %arg7[%dma_wait3A_123, %dma_wait3A_125, %dma_wait3A_126] : memref<4x64x128xf32, #tpu.memory_space<vmem>> -> memref<1x64x128xf32, #tpu.memory_space<vmem>>
      %dma_wait3A_128 = tpu.memref_squeeze %dma_wait3A_127 : memref<1x64x128xf32, #tpu.memory_space<vmem>> -> memref<64x128xf32, #tpu.memory_space<vmem>>
      %dma_wait3A_129 = arith.constant 0 : i32
      %dma_wait3A_130 = tpu.memref_slice %arg6[%dma_wait3A_124, %dma_wait3A_129] : memref<40x64xi32, #tpu.memory_space<vmem>> -> memref<1x64xi32, #tpu.memory_space<vmem>>
      %dma_wait3A_131 = tpu.memref_squeeze %dma_wait3A_130 : memref<1x64xi32, #tpu.memory_space<vmem>> -> memref<64xi32, #tpu.memory_space<vmem>>
      %dma_wait3A_132 = arith.constant 0 : i32
      %dma_wait3A_133 = arith.constant 0 : i32
      %dma_wait3A_134 = tpu.memref_slice %arg8[%dma_wait3A_132, %dma_wait3A_133] : memref<10240x128xf32, #tpu.memory_space<vmem_shared>> -> memref<10240x128xf32, #tpu.memory_space<vmem_shared>>
      tpu.wait_indirect_dma semaphore(%arg13 : memref<!tpu.dma_semaphore, #tpu.memory_space<semaphore_mem>>) src(%dma_wait3A_128 : memref<64x128xf32, #tpu.memory_space<vmem>>) dst(%dma_wait3A_134 : memref<10240x128xf32, #tpu.memory_space<vmem_shared>>)
      %dma_wait3A_135 = arith.constant 1 : i32
      %dma_wait3A_136 = arith.constant 37 : i32
      %dma_wait3A_137 = arith.constant 0 : i32
      %dma_wait3A_138 = arith.constant 0 : i32
      %dma_wait3A_139 = tpu.memref_slice %arg7[%dma_wait3A_135, %dma_wait3A_137, %dma_wait3A_138] : memref<4x64x128xf32, #tpu.memory_space<vmem>> -> memref<1x64x128xf32, #tpu.memory_space<vmem>>
      %dma_wait3A_140 = tpu.memref_squeeze %dma_wait3A_139 : memref<1x64x128xf32, #tpu.memory_space<vmem>> -> memref<64x128xf32, #tpu.memory_space<vmem>>
      %dma_wait3A_141 = arith.constant 0 : i32
      %dma_wait3A_142 = tpu.memref_slice %arg6[%dma_wait3A_136, %dma_wait3A_141] : memref<40x64xi32, #tpu.memory_space<vmem>> -> memref<1x64xi32, #tpu.memory_space<vmem>>
      %dma_wait3A_143 = tpu.memref_squeeze %dma_wait3A_142 : memref<1x64xi32, #tpu.memory_space<vmem>> -> memref<64xi32, #tpu.memory_space<vmem>>
      %dma_wait3A_144 = arith.constant 0 : i32
      %dma_wait3A_145 = arith.constant 0 : i32
      %dma_wait3A_146 = tpu.memref_slice %arg8[%dma_wait3A_144, %dma_wait3A_145] : memref<10240x128xf32, #tpu.memory_space<vmem_shared>> -> memref<10240x128xf32, #tpu.memory_space<vmem_shared>>
      tpu.wait_indirect_dma semaphore(%arg14 : memref<!tpu.dma_semaphore, #tpu.memory_space<semaphore_mem>>) src(%dma_wait3A_140 : memref<64x128xf32, #tpu.memory_space<vmem>>) dst(%dma_wait3A_146 : memref<10240x128xf32, #tpu.memory_space<vmem_shared>>)
      %dma_wait3A_147 = arith.constant 2 : i32
      %dma_wait3A_148 = arith.constant 38 : i32
      %dma_wait3A_149 = arith.constant 0 : i32
      %dma_wait3A_150 = arith.constant 0 : i32
      %dma_wait3A_151 = tpu.memref_slice %arg7[%dma_wait3A_147, %dma_wait3A_149, %dma_wait3A_150] : memref<4x64x128xf32, #tpu.memory_space<vmem>> -> memref<1x64x128xf32, #tpu.memory_space<vmem>>
      %dma_wait3A_152 = tpu.memref_squeeze %dma_wait3A_151 : memref<1x64x128xf32, #tpu.memory_space<vmem>> -> memref<64x128xf32, #tpu.memory_space<vmem>>
      %dma_wait3A_153 = arith.constant 0 : i32
      %dma_wait3A_154 = tpu.memref_slice %arg6[%dma_wait3A_148, %dma_wait3A_153] : memref<40x64xi32, #tpu.memory_space<vmem>> -> memref<1x64xi32, #tpu.memory_space<vmem>>
      %dma_wait3A_155 = tpu.memref_squeeze %dma_wait3A_154 : memref<1x64xi32, #tpu.memory_space<vmem>> -> memref<64xi32, #tpu.memory_space<vmem>>
      %dma_wait3A_156 = arith.constant 0 : i32
      %dma_wait3A_157 = arith.constant 0 : i32
      %dma_wait3A_158 = tpu.memref_slice %arg8[%dma_wait3A_156, %dma_wait3A_157] : memref<10240x128xf32, #tpu.memory_space<vmem_shared>> -> memref<10240x128xf32, #tpu.memory_space<vmem_shared>>
      tpu.wait_indirect_dma semaphore(%arg15 : memref<!tpu.dma_semaphore, #tpu.memory_space<semaphore_mem>>) src(%dma_wait3A_152 : memref<64x128xf32, #tpu.memory_space<vmem>>) dst(%dma_wait3A_158 : memref<10240x128xf32, #tpu.memory_space<vmem_shared>>)
      %dma_wait3A_159 = arith.constant 3 : i32
      %dma_wait3A_160 = arith.constant 39 : i32
      %dma_wait3A_161 = arith.constant 0 : i32
      %dma_wait3A_162 = arith.constant 0 : i32
      %dma_wait3A_163 = tpu.memref_slice %arg7[%dma_wait3A_159, %dma_wait3A_161, %dma_wait3A_162] : memref<4x64x128xf32, #tpu.memory_space<vmem>> -> memref<1x64x128xf32, #tpu.memory_space<vmem>>
      %dma_wait3A_164 = tpu.memref_squeeze %dma_wait3A_163 : memref<1x64x128xf32, #tpu.memory_space<vmem>> -> memref<64x128xf32, #tpu.memory_space<vmem>>
      %dma_wait3A_165 = arith.constant 0 : i32
      %dma_wait3A_166 = tpu.memref_slice %arg6[%dma_wait3A_160, %dma_wait3A_165] : memref<40x64xi32, #tpu.memory_space<vmem>> -> memref<1x64xi32, #tpu.memory_space<vmem>>
      %dma_wait3A_167 = tpu.memref_squeeze %dma_wait3A_166 : memref<1x64xi32, #tpu.memory_space<vmem>> -> memref<64xi32, #tpu.memory_space<vmem>>
      %dma_wait3A_168 = arith.constant 0 : i32
      %dma_wait3A_169 = arith.constant 0 : i32
      %dma_wait3A_170 = tpu.memref_slice %arg8[%dma_wait3A_168, %dma_wait3A_169] : memref<10240x128xf32, #tpu.memory_space<vmem_shared>> -> memref<10240x128xf32, #tpu.memory_space<vmem_shared>>
      tpu.wait_indirect_dma semaphore(%arg16 : memref<!tpu.dma_semaphore, #tpu.memory_space<semaphore_mem>>) src(%dma_wait3A_164 : memref<64x128xf32, #tpu.memory_space<vmem>>) dst(%dma_wait3A_170 : memref<10240x128xf32, #tpu.memory_space<vmem_shared>>)
    } else {
    }
    %add3A_14 = arith.constant 32 : i32
    %add3A_15 = arith.addi %add3A_14, %add3A : i32
    %lt3A_16 = arith.constant 125 : i32
    %lt3A_17 = arith.cmpi slt, %add3A_15, %lt3A_16 : i32
    %convert_element_type3A_18 = arith.extui %lt3A_17 : i1 to i32
    %cond3A_19 = arith.constant 0 : i32
    %cond3A_20 = arith.cmpi ne, %convert_element_type3A_18, %cond3A_19 : i32
    scf.if %cond3A_20 {
      %add3A_40 = arith.constant 32 : i32
      %add3A_41 = arith.addi %add3A_40, %add3A : i32
      %mul3A_42 = arith.constant 40 : i32
      %mul3A_43 = arith.muli %add3A_41, %mul3A_42 : i32
      %dma_start3A = arith.constant 0 : i32
      %dma_start3A_44 = arith.constant 0 : i32
      %dma_start3A_45 = tpu.memref_slice %arg3[%dma_start3A, %mul3A_43, %dma_start3A_44] : memref<2x5000x64xi32, #tpu.memory_space<hbm>> -> memref<1x40x64xi32, #tpu.memory_space<hbm>>
      %dma_start3A_46 = tpu.memref_squeeze %dma_start3A_45 : memref<1x40x64xi32, #tpu.memory_space<hbm>> -> memref<40x64xi32, #tpu.memory_space<hbm>>
      %dma_start3A_47 = arith.constant 0 : i32
      %dma_start3A_48 = tpu.memref_slice %arg3[%dma_start3A, %mul3A_43, %dma_start3A_47] : memref<2x5000x64xi32, #tpu.memory_space<hbm>> -> memref<1x40x64xi32, #tpu.memory_space<hbm>>
      %dma_start3A_49 = tpu.memref_squeeze %dma_start3A_48 : memref<1x40x64xi32, #tpu.memory_space<hbm>> -> memref<40x64xi32, #tpu.memory_space<hbm>>
      tpu.enqueue_dma source(%dma_start3A_49 : memref<40x64xi32, #tpu.memory_space<hbm>>) target(%arg5 : memref<40x64xi32, #tpu.memory_space<vmem>>) target_semaphore(%arg9 : memref<!tpu.dma_semaphore, #tpu.memory_space<semaphore_mem>>)
      %dma_start3A_50 = arith.constant 1 : i32
      %dma_start3A_51 = arith.constant 0 : i32
      %dma_start3A_52 = tpu.memref_slice %arg3[%dma_start3A_50, %mul3A_43, %dma_start3A_51] : memref<2x5000x64xi32, #tpu.memory_space<hbm>> -> memref<1x40x64xi32, #tpu.memory_space<hbm>>
      %dma_start3A_53 = tpu.memref_squeeze %dma_start3A_52 : memref<1x40x64xi32, #tpu.memory_space<hbm>> -> memref<40x64xi32, #tpu.memory_space<hbm>>
      %dma_start3A_54 = arith.constant 0 : i32
      %dma_start3A_55 = tpu.memref_slice %arg3[%dma_start3A_50, %mul3A_43, %dma_start3A_54] : memref<2x5000x64xi32, #tpu.memory_space<hbm>> -> memref<1x40x64xi32, #tpu.memory_space<hbm>>
      %dma_start3A_56 = tpu.memref_squeeze %dma_start3A_55 : memref<1x40x64xi32, #tpu.memory_space<hbm>> -> memref<40x64xi32, #tpu.memory_space<hbm>>
      tpu.enqueue_dma source(%dma_start3A_56 : memref<40x64xi32, #tpu.memory_space<hbm>>) target(%arg6 : memref<40x64xi32, #tpu.memory_space<vmem>>) target_semaphore(%arg10 : memref<!tpu.dma_semaphore, #tpu.memory_space<semaphore_mem>>)
      %dma_wait3A = arith.constant 0 : i32
      %dma_wait3A_57 = arith.constant 0 : i32
      %dma_wait3A_58 = tpu.memref_slice %arg3[%dma_wait3A, %mul3A_43, %dma_wait3A_57] : memref<2x5000x64xi32, #tpu.memory_space<hbm>> -> memref<1x40x64xi32, #tpu.memory_space<hbm>>
      %dma_wait3A_59 = tpu.memref_squeeze %dma_wait3A_58 : memref<1x40x64xi32, #tpu.memory_space<hbm>> -> memref<40x64xi32, #tpu.memory_space<hbm>>
      %dma_wait3A_60 = arith.constant 0 : i32
      %dma_wait3A_61 = tpu.memref_slice %arg3[%dma_wait3A, %mul3A_43, %dma_wait3A_60] : memref<2x5000x64xi32, #tpu.memory_space<hbm>> -> memref<1x40x64xi32, #tpu.memory_space<hbm>>
      %dma_wait3A_62 = tpu.memref_squeeze %dma_wait3A_61 : memref<1x40x64xi32, #tpu.memory_space<hbm>> -> memref<40x64xi32, #tpu.memory_space<hbm>>
      tpu.wait_dma2 semaphore(%arg9 : memref<!tpu.dma_semaphore, #tpu.memory_space<semaphore_mem>>) src(%dma_wait3A_62 : memref<40x64xi32, #tpu.memory_space<hbm>>) dst(%arg5 : memref<40x64xi32, #tpu.memory_space<vmem>>)
      %dma_wait3A_63 = arith.constant 1 : i32
      %dma_wait3A_64 = arith.constant 0 : i32
      %dma_wait3A_65 = tpu.memref_slice %arg3[%dma_wait3A_63, %mul3A_43, %dma_wait3A_64] : memref<2x5000x64xi32, #tpu.memory_space<hbm>> -> memref<1x40x64xi32, #tpu.memory_space<hbm>>
      %dma_wait3A_66 = tpu.memref_squeeze %dma_wait3A_65 : memref<1x40x64xi32, #tpu.memory_space<hbm>> -> memref<40x64xi32, #tpu.memory_space<hbm>>
      %dma_wait3A_67 = arith.constant 0 : i32
      %dma_wait3A_68 = tpu.memref_slice %arg3[%dma_wait3A_63, %mul3A_43, %dma_wait3A_67] : memref<2x5000x64xi32, #tpu.memory_space<hbm>> -> memref<1x40x64xi32, #tpu.memory_space<hbm>>
      %dma_wait3A_69 = tpu.memref_squeeze %dma_wait3A_68 : memref<1x40x64xi32, #tpu.memory_space<hbm>> -> memref<40x64xi32, #tpu.memory_space<hbm>>
      tpu.wait_dma2 semaphore(%arg10 : memref<!tpu.dma_semaphore, #tpu.memory_space<semaphore_mem>>) src(%dma_wait3A_69 : memref<40x64xi32, #tpu.memory_space<hbm>>) dst(%arg6 : memref<40x64xi32, #tpu.memory_space<vmem>>)
      %dma_start3A_70 = arith.constant 0 : i32
      %dma_start3A_71 = arith.constant 0 : i32
      %dma_start3A_72 = arith.constant 0 : i32
      %dma_start3A_73 = arith.constant 0 : i32
      %dma_start3A_74 = tpu.memref_slice %arg7[%dma_start3A_71, %dma_start3A_72, %dma_start3A_73] : memref<4x64x128xf32, #tpu.memory_space<vmem>> -> memref<1x64x128xf32, #tpu.memory_space<vmem>>
      %dma_start3A_75 = tpu.memref_squeeze %dma_start3A_74 : memref<1x64x128xf32, #tpu.memory_space<vmem>> -> memref<64x128xf32, #tpu.memory_space<vmem>>
      %dma_start3A_76 = arith.constant 0 : i32
      %dma_start3A_77 = tpu.memref_slice %arg5[%dma_start3A_70, %dma_start3A_76] : memref<40x64xi32, #tpu.memory_space<vmem>> -> memref<1x64xi32, #tpu.memory_space<vmem>>
      %dma_start3A_78 = tpu.memref_squeeze %dma_start3A_77 : memref<1x64xi32, #tpu.memory_space<vmem>> -> memref<64xi32, #tpu.memory_space<vmem>>
      %dma_start3A_79 = arith.constant 0 : i32
      %dma_start3A_80 = arith.constant 0 : i32
      %dma_start3A_81 = tpu.memref_slice %arg2[%dma_start3A_79, %dma_start3A_80] : memref<10000x128xf32, #tpu.memory_space<hbm>> -> memref<10000x128xf32, #tpu.memory_space<hbm>>
      tpu.enqueue_indirect_dma source(%dma_start3A_81 : memref<10000x128xf32, #tpu.memory_space<hbm>>) target(%dma_start3A_75 : memref<64x128xf32, #tpu.memory_space<vmem>>) offsets(%dma_start3A_78 : memref<64xi32, #tpu.memory_space<vmem>>) semaphore(%arg9 : memref<!tpu.dma_semaphore, #tpu.memory_space<semaphore_mem>>)
      %dma_start3A_82 = arith.constant 1 : i32
      %dma_start3A_83 = arith.constant 1 : i32
      %dma_start3A_84 = arith.constant 0 : i32
      %dma_start3A_85 = arith.constant 0 : i32
      %dma_start3A_86 = tpu.memref_slice %arg7[%dma_start3A_83, %dma_start3A_84, %dma_start3A_85] : memref<4x64x128xf32, #tpu.memory_space<vmem>> -> memref<1x64x128xf32, #tpu.memory_space<vmem>>
      %dma_start3A_87 = tpu.memref_squeeze %dma_start3A_86 : memref<1x64x128xf32, #tpu.memory_space<vmem>> -> memref<64x128xf32, #tpu.memory_space<vmem>>
      %dma_start3A_88 = arith.constant 0 : i32
      %dma_start3A_89 = tpu.memref_slice %arg5[%dma_start3A_82, %dma_start3A_88] : memref<40x64xi32, #tpu.memory_space<vmem>> -> memref<1x64xi32, #tpu.memory_space<vmem>>
      %dma_start3A_90 = tpu.memref_squeeze %dma_start3A_89 : memref<1x64xi32, #tpu.memory_space<vmem>> -> memref<64xi32, #tpu.memory_space<vmem>>
      %dma_start3A_91 = arith.constant 0 : i32
      %dma_start3A_92 = arith.constant 0 : i32
      %dma_start3A_93 = tpu.memref_slice %arg2[%dma_start3A_91, %dma_start3A_92] : memref<10000x128xf32, #tpu.memory_space<hbm>> -> memref<10000x128xf32, #tpu.memory_space<hbm>>
      tpu.enqueue_indirect_dma source(%dma_start3A_93 : memref<10000x128xf32, #tpu.memory_space<hbm>>) target(%dma_start3A_87 : memref<64x128xf32, #tpu.memory_space<vmem>>) offsets(%dma_start3A_90 : memref<64xi32, #tpu.memory_space<vmem>>) semaphore(%arg10 : memref<!tpu.dma_semaphore, #tpu.memory_space<semaphore_mem>>)
      %dma_start3A_94 = arith.constant 2 : i32
      %dma_start3A_95 = arith.constant 2 : i32
      %dma_start3A_96 = arith.constant 0 : i32
      %dma_start3A_97 = arith.constant 0 : i32
      %dma_start3A_98 = tpu.memref_slice %arg7[%dma_start3A_95, %dma_start3A_96, %dma_start3A_97] : memref<4x64x128xf32, #tpu.memory_space<vmem>> -> memref<1x64x128xf32, #tpu.memory_space<vmem>>
      %dma_start3A_99 = tpu.memref_squeeze %dma_start3A_98 : memref<1x64x128xf32, #tpu.memory_space<vmem>> -> memref<64x128xf32, #tpu.memory_space<vmem>>
      %dma_start3A_100 = arith.constant 0 : i32
      %dma_start3A_101 = tpu.memref_slice %arg5[%dma_start3A_94, %dma_start3A_100] : memref<40x64xi32, #tpu.memory_space<vmem>> -> memref<1x64xi32, #tpu.memory_space<vmem>>
      %dma_start3A_102 = tpu.memref_squeeze %dma_start3A_101 : memref<1x64xi32, #tpu.memory_space<vmem>> -> memref<64xi32, #tpu.memory_space<vmem>>
      %dma_start3A_103 = arith.constant 0 : i32
      %dma_start3A_104 = arith.constant 0 : i32
      %dma_start3A_105 = tpu.memref_slice %arg2[%dma_start3A_103, %dma_start3A_104] : memref<10000x128xf32, #tpu.memory_space<hbm>> -> memref<10000x128xf32, #tpu.memory_space<hbm>>
      tpu.enqueue_indirect_dma source(%dma_start3A_105 : memref<10000x128xf32, #tpu.memory_space<hbm>>) target(%dma_start3A_99 : memref<64x128xf32, #tpu.memory_space<vmem>>) offsets(%dma_start3A_102 : memref<64xi32, #tpu.memory_space<vmem>>) semaphore(%arg11 : memref<!tpu.dma_semaphore, #tpu.memory_space<semaphore_mem>>)
      %dma_start3A_106 = arith.constant 3 : i32
      %dma_start3A_107 = arith.constant 3 : i32
      %dma_start3A_108 = arith.constant 0 : i32
      %dma_start3A_109 = arith.constant 0 : i32
      %dma_start3A_110 = tpu.memref_slice %arg7[%dma_start3A_107, %dma_start3A_108, %dma_start3A_109] : memref<4x64x128xf32, #tpu.memory_space<vmem>> -> memref<1x64x128xf32, #tpu.memory_space<vmem>>
      %dma_start3A_111 = tpu.memref_squeeze %dma_start3A_110 : memref<1x64x128xf32, #tpu.memory_space<vmem>> -> memref<64x128xf32, #tpu.memory_space<vmem>>
      %dma_start3A_112 = arith.constant 0 : i32
      %dma_start3A_113 = tpu.memref_slice %arg5[%dma_start3A_106, %dma_start3A_112] : memref<40x64xi32, #tpu.memory_space<vmem>> -> memref<1x64xi32, #tpu.memory_space<vmem>>
      %dma_start3A_114 = tpu.memref_squeeze %dma_start3A_113 : memref<1x64xi32, #tpu.memory_space<vmem>> -> memref<64xi32, #tpu.memory_space<vmem>>
      %dma_start3A_115 = arith.constant 0 : i32
      %dma_start3A_116 = arith.constant 0 : i32
      %dma_start3A_117 = tpu.memref_slice %arg2[%dma_start3A_115, %dma_start3A_116] : memref<10000x128xf32, #tpu.memory_space<hbm>> -> memref<10000x128xf32, #tpu.memory_space<hbm>>
      tpu.enqueue_indirect_dma source(%dma_start3A_117 : memref<10000x128xf32, #tpu.memory_space<hbm>>) target(%dma_start3A_111 : memref<64x128xf32, #tpu.memory_space<vmem>>) offsets(%dma_start3A_114 : memref<64xi32, #tpu.memory_space<vmem>>) semaphore(%arg12 : memref<!tpu.dma_semaphore, #tpu.memory_space<semaphore_mem>>)
      %scan3A_118 = arith.constant 0 : i32
      %scan3A_119 = arith.constant 10 : i32
      %scan3A_120 = arith.addi %scan3A_118, %scan3A_119 : i32
      %scan3A_121 = arith.constant 1 : i32
      scf.for %scan3A_171 = %scan3A_118 to %scan3A_120 step %scan3A_121  : i32 {
        %mul3A_172 = arith.constant 4 : i32
        %mul3A_173 = arith.muli %scan3A_171, %mul3A_172 : i32
        %add3A_174 = arith.constant 0 : i32
        %add3A_175 = arith.addi %add3A_174, %mul3A_173 : i32
        %add3A_176 = arith.constant 0 : i32
        %add3A_177 = arith.addi %add3A_175, %add3A_176 : i32
        %dma_wait3A_178 = arith.constant 0 : i32
        %dma_wait3A_179 = arith.constant 0 : i32
        %dma_wait3A_180 = arith.constant 0 : i32
        %dma_wait3A_181 = tpu.memref_slice %arg7[%dma_wait3A_178, %dma_wait3A_179, %dma_wait3A_180] : memref<4x64x128xf32, #tpu.memory_space<vmem>> -> memref<1x64x128xf32, #tpu.memory_space<vmem>>
        %dma_wait3A_182 = tpu.memref_squeeze %dma_wait3A_181 : memref<1x64x128xf32, #tpu.memory_space<vmem>> -> memref<64x128xf32, #tpu.memory_space<vmem>>
        %dma_wait3A_183 = arith.constant 0 : i32
        %dma_wait3A_184 = tpu.memref_slice %arg5[%add3A_177, %dma_wait3A_183] : memref<40x64xi32, #tpu.memory_space<vmem>> -> memref<1x64xi32, #tpu.memory_space<vmem>>
        %dma_wait3A_185 = tpu.memref_squeeze %dma_wait3A_184 : memref<1x64xi32, #tpu.memory_space<vmem>> -> memref<64xi32, #tpu.memory_space<vmem>>
        %dma_wait3A_186 = arith.constant 0 : i32
        %dma_wait3A_187 = arith.constant 0 : i32
        %dma_wait3A_188 = tpu.memref_slice %arg2[%dma_wait3A_186, %dma_wait3A_187] : memref<10000x128xf32, #tpu.memory_space<hbm>> -> memref<10000x128xf32, #tpu.memory_space<hbm>>
        tpu.wait_indirect_dma semaphore(%arg9 : memref<!tpu.dma_semaphore, #tpu.memory_space<semaphore_mem>>) src(%dma_wait3A_188 : memref<10000x128xf32, #tpu.memory_space<hbm>>) dst(%dma_wait3A_182 : memref<64x128xf32, #tpu.memory_space<vmem>>)
        %add3A_189 = arith.constant 0 : i32
        %add3A_190 = arith.addi %add3A_175, %add3A_189 : i32
        %dma_start3A_191 = arith.constant 0 : i32
        %dma_start3A_192 = arith.constant 0 : i32
        %dma_start3A_193 = arith.constant 0 : i32
        %dma_start3A_194 = tpu.memref_slice %arg7[%dma_start3A_191, %dma_start3A_192, %dma_start3A_193] : memref<4x64x128xf32, #tpu.memory_space<vmem>> -> memref<1x64x128xf32, #tpu.memory_space<vmem>>
        %dma_start3A_195 = tpu.memref_squeeze %dma_start3A_194 : memref<1x64x128xf32, #tpu.memory_space<vmem>> -> memref<64x128xf32, #tpu.memory_space<vmem>>
        %dma_start3A_196 = arith.constant 0 : i32
        %dma_start3A_197 = tpu.memref_slice %arg6[%add3A_190, %dma_start3A_196] : memref<40x64xi32, #tpu.memory_space<vmem>> -> memref<1x64xi32, #tpu.memory_space<vmem>>
        %dma_start3A_198 = tpu.memref_squeeze %dma_start3A_197 : memref<1x64xi32, #tpu.memory_space<vmem>> -> memref<64xi32, #tpu.memory_space<vmem>>
        %dma_start3A_199 = arith.constant 0 : i32
        %dma_start3A_200 = arith.constant 0 : i32
        %dma_start3A_201 = tpu.memref_slice %arg8[%dma_start3A_199, %dma_start3A_200] : memref<10240x128xf32, #tpu.memory_space<vmem_shared>> -> memref<10240x128xf32, #tpu.memory_space<vmem_shared>>
        tpu.enqueue_indirect_dma source(%dma_start3A_195 : memref<64x128xf32, #tpu.memory_space<vmem>>) target(%dma_start3A_201 : memref<10240x128xf32, #tpu.memory_space<vmem_shared>>) offsets(%dma_start3A_198 : memref<64xi32, #tpu.memory_space<vmem>>) semaphore(%arg13 : memref<!tpu.dma_semaphore, #tpu.memory_space<semaphore_mem>>) {add = true}
        %add3A_202 = arith.constant 1 : i32
        %add3A_203 = arith.addi %add3A_175, %add3A_202 : i32
        %dma_wait3A_204 = arith.constant 1 : i32
        %dma_wait3A_205 = arith.constant 0 : i32
        %dma_wait3A_206 = arith.constant 0 : i32
        %dma_wait3A_207 = tpu.memref_slice %arg7[%dma_wait3A_204, %dma_wait3A_205, %dma_wait3A_206] : memref<4x64x128xf32, #tpu.memory_space<vmem>> -> memref<1x64x128xf32, #tpu.memory_space<vmem>>
        %dma_wait3A_208 = tpu.memref_squeeze %dma_wait3A_207 : memref<1x64x128xf32, #tpu.memory_space<vmem>> -> memref<64x128xf32, #tpu.memory_space<vmem>>
        %dma_wait3A_209 = arith.constant 0 : i32
        %dma_wait3A_210 = tpu.memref_slice %arg5[%add3A_203, %dma_wait3A_209] : memref<40x64xi32, #tpu.memory_space<vmem>> -> memref<1x64xi32, #tpu.memory_space<vmem>>
        %dma_wait3A_211 = tpu.memref_squeeze %dma_wait3A_210 : memref<1x64xi32, #tpu.memory_space<vmem>> -> memref<64xi32, #tpu.memory_space<vmem>>
        %dma_wait3A_212 = arith.constant 0 : i32
        %dma_wait3A_213 = arith.constant 0 : i32
        %dma_wait3A_214 = tpu.memref_slice %arg2[%dma_wait3A_212, %dma_wait3A_213] : memref<10000x128xf32, #tpu.memory_space<hbm>> -> memref<10000x128xf32, #tpu.memory_space<hbm>>
        tpu.wait_indirect_dma semaphore(%arg10 : memref<!tpu.dma_semaphore, #tpu.memory_space<semaphore_mem>>) src(%dma_wait3A_214 : memref<10000x128xf32, #tpu.memory_space<hbm>>) dst(%dma_wait3A_208 : memref<64x128xf32, #tpu.memory_space<vmem>>)
        %add3A_215 = arith.constant 1 : i32
        %add3A_216 = arith.addi %add3A_175, %add3A_215 : i32
        %dma_start3A_217 = arith.constant 1 : i32
        %dma_start3A_218 = arith.constant 0 : i32
        %dma_start3A_219 = arith.constant 0 : i32
        %dma_start3A_220 = tpu.memref_slice %arg7[%dma_start3A_217, %dma_start3A_218, %dma_start3A_219] : memref<4x64x128xf32, #tpu.memory_space<vmem>> -> memref<1x64x128xf32, #tpu.memory_space<vmem>>
        %dma_start3A_221 = tpu.memref_squeeze %dma_start3A_220 : memref<1x64x128xf32, #tpu.memory_space<vmem>> -> memref<64x128xf32, #tpu.memory_space<vmem>>
        %dma_start3A_222 = arith.constant 0 : i32
        %dma_start3A_223 = tpu.memref_slice %arg6[%add3A_216, %dma_start3A_222] : memref<40x64xi32, #tpu.memory_space<vmem>> -> memref<1x64xi32, #tpu.memory_space<vmem>>
        %dma_start3A_224 = tpu.memref_squeeze %dma_start3A_223 : memref<1x64xi32, #tpu.memory_space<vmem>> -> memref<64xi32, #tpu.memory_space<vmem>>
        %dma_start3A_225 = arith.constant 0 : i32
        %dma_start3A_226 = arith.constant 0 : i32
        %dma_start3A_227 = tpu.memref_slice %arg8[%dma_start3A_225, %dma_start3A_226] : memref<10240x128xf32, #tpu.memory_space<vmem_shared>> -> memref<10240x128xf32, #tpu.memory_space<vmem_shared>>
        tpu.enqueue_indirect_dma source(%dma_start3A_221 : memref<64x128xf32, #tpu.memory_space<vmem>>) target(%dma_start3A_227 : memref<10240x128xf32, #tpu.memory_space<vmem_shared>>) offsets(%dma_start3A_224 : memref<64xi32, #tpu.memory_space<vmem>>) semaphore(%arg14 : memref<!tpu.dma_semaphore, #tpu.memory_space<semaphore_mem>>) {add = true}
        %add3A_228 = arith.constant 2 : i32
        %add3A_229 = arith.addi %add3A_175, %add3A_228 : i32
        %dma_wait3A_230 = arith.constant 2 : i32
        %dma_wait3A_231 = arith.constant 0 : i32
        %dma_wait3A_232 = arith.constant 0 : i32
        %dma_wait3A_233 = tpu.memref_slice %arg7[%dma_wait3A_230, %dma_wait3A_231, %dma_wait3A_232] : memref<4x64x128xf32, #tpu.memory_space<vmem>> -> memref<1x64x128xf32, #tpu.memory_space<vmem>>
        %dma_wait3A_234 = tpu.memref_squeeze %dma_wait3A_233 : memref<1x64x128xf32, #tpu.memory_space<vmem>> -> memref<64x128xf32, #tpu.memory_space<vmem>>
        %dma_wait3A_235 = arith.constant 0 : i32
        %dma_wait3A_236 = tpu.memref_slice %arg5[%add3A_229, %dma_wait3A_235] : memref<40x64xi32, #tpu.memory_space<vmem>> -> memref<1x64xi32, #tpu.memory_space<vmem>>
        %dma_wait3A_237 = tpu.memref_squeeze %dma_wait3A_236 : memref<1x64xi32, #tpu.memory_space<vmem>> -> memref<64xi32, #tpu.memory_space<vmem>>
        %dma_wait3A_238 = arith.constant 0 : i32
        %dma_wait3A_239 = arith.constant 0 : i32
        %dma_wait3A_240 = tpu.memref_slice %arg2[%dma_wait3A_238, %dma_wait3A_239] : memref<10000x128xf32, #tpu.memory_space<hbm>> -> memref<10000x128xf32, #tpu.memory_space<hbm>>
        tpu.wait_indirect_dma semaphore(%arg11 : memref<!tpu.dma_semaphore, #tpu.memory_space<semaphore_mem>>) src(%dma_wait3A_240 : memref<10000x128xf32, #tpu.memory_space<hbm>>) dst(%dma_wait3A_234 : memref<64x128xf32, #tpu.memory_space<vmem>>)
        %add3A_241 = arith.constant 2 : i32
        %add3A_242 = arith.addi %add3A_175, %add3A_241 : i32
        %dma_start3A_243 = arith.constant 2 : i32
        %dma_start3A_244 = arith.constant 0 : i32
        %dma_start3A_245 = arith.constant 0 : i32
        %dma_start3A_246 = tpu.memref_slice %arg7[%dma_start3A_243, %dma_start3A_244, %dma_start3A_245] : memref<4x64x128xf32, #tpu.memory_space<vmem>> -> memref<1x64x128xf32, #tpu.memory_space<vmem>>
        %dma_start3A_247 = tpu.memref_squeeze %dma_start3A_246 : memref<1x64x128xf32, #tpu.memory_space<vmem>> -> memref<64x128xf32, #tpu.memory_space<vmem>>
        %dma_start3A_248 = arith.constant 0 : i32
        %dma_start3A_249 = tpu.memref_slice %arg6[%add3A_242, %dma_start3A_248] : memref<40x64xi32, #tpu.memory_space<vmem>> -> memref<1x64xi32, #tpu.memory_space<vmem>>
        %dma_start3A_250 = tpu.memref_squeeze %dma_start3A_249 : memref<1x64xi32, #tpu.memory_space<vmem>> -> memref<64xi32, #tpu.memory_space<vmem>>
        %dma_start3A_251 = arith.constant 0 : i32
        %dma_start3A_252 = arith.constant 0 : i32
        %dma_start3A_253 = tpu.memref_slice %arg8[%dma_start3A_251, %dma_start3A_252] : memref<10240x128xf32, #tpu.memory_space<vmem_shared>> -> memref<10240x128xf32, #tpu.memory_space<vmem_shared>>
        tpu.enqueue_indirect_dma source(%dma_start3A_247 : memref<64x128xf32, #tpu.memory_space<vmem>>) target(%dma_start3A_253 : memref<10240x128xf32, #tpu.memory_space<vmem_shared>>) offsets(%dma_start3A_250 : memref<64xi32, #tpu.memory_space<vmem>>) semaphore(%arg15 : memref<!tpu.dma_semaphore, #tpu.memory_space<semaphore_mem>>) {add = true}
        %add3A_254 = arith.constant 3 : i32
        %add3A_255 = arith.addi %add3A_175, %add3A_254 : i32
        %dma_wait3A_256 = arith.constant 3 : i32
        %dma_wait3A_257 = arith.constant 0 : i32
        %dma_wait3A_258 = arith.constant 0 : i32
        %dma_wait3A_259 = tpu.memref_slice %arg7[%dma_wait3A_256, %dma_wait3A_257, %dma_wait3A_258] : memref<4x64x128xf32, #tpu.memory_space<vmem>> -> memref<1x64x128xf32, #tpu.memory_space<vmem>>
        %dma_wait3A_260 = tpu.memref_squeeze %dma_wait3A_259 : memref<1x64x128xf32, #tpu.memory_space<vmem>> -> memref<64x128xf32, #tpu.memory_space<vmem>>
        %dma_wait3A_261 = arith.constant 0 : i32
        %dma_wait3A_262 = tpu.memref_slice %arg5[%add3A_255, %dma_wait3A_261] : memref<40x64xi32, #tpu.memory_space<vmem>> -> memref<1x64xi32, #tpu.memory_space<vmem>>
        %dma_wait3A_263 = tpu.memref_squeeze %dma_wait3A_262 : memref<1x64xi32, #tpu.memory_space<vmem>> -> memref<64xi32, #tpu.memory_space<vmem>>
        %dma_wait3A_264 = arith.constant 0 : i32
        %dma_wait3A_265 = arith.constant 0 : i32
        %dma_wait3A_266 = tpu.memref_slice %arg2[%dma_wait3A_264, %dma_wait3A_265] : memref<10000x128xf32, #tpu.memory_space<hbm>> -> memref<10000x128xf32, #tpu.memory_space<hbm>>
        tpu.wait_indirect_dma semaphore(%arg12 : memref<!tpu.dma_semaphore, #tpu.memory_space<semaphore_mem>>) src(%dma_wait3A_266 : memref<10000x128xf32, #tpu.memory_space<hbm>>) dst(%dma_wait3A_260 : memref<64x128xf32, #tpu.memory_space<vmem>>)
        %add3A_267 = arith.constant 3 : i32
        %add3A_268 = arith.addi %add3A_175, %add3A_267 : i32
        %dma_start3A_269 = arith.constant 3 : i32
        %dma_start3A_270 = arith.constant 0 : i32
        %dma_start3A_271 = arith.constant 0 : i32
        %dma_start3A_272 = tpu.memref_slice %arg7[%dma_start3A_269, %dma_start3A_270, %dma_start3A_271] : memref<4x64x128xf32, #tpu.memory_space<vmem>> -> memref<1x64x128xf32, #tpu.memory_space<vmem>>
        %dma_start3A_273 = tpu.memref_squeeze %dma_start3A_272 : memref<1x64x128xf32, #tpu.memory_space<vmem>> -> memref<64x128xf32, #tpu.memory_space<vmem>>
        %dma_start3A_274 = arith.constant 0 : i32
        %dma_start3A_275 = tpu.memref_slice %arg6[%add3A_268, %dma_start3A_274] : memref<40x64xi32, #tpu.memory_space<vmem>> -> memref<1x64xi32, #tpu.memory_space<vmem>>
        %dma_start3A_276 = tpu.memref_squeeze %dma_start3A_275 : memref<1x64xi32, #tpu.memory_space<vmem>> -> memref<64xi32, #tpu.memory_space<vmem>>
        %dma_start3A_277 = arith.constant 0 : i32
        %dma_start3A_278 = arith.constant 0 : i32
        %dma_start3A_279 = tpu.memref_slice %arg8[%dma_start3A_277, %dma_start3A_278] : memref<10240x128xf32, #tpu.memory_space<vmem_shared>> -> memref<10240x128xf32, #tpu.memory_space<vmem_shared>>
        tpu.enqueue_indirect_dma source(%dma_start3A_273 : memref<64x128xf32, #tpu.memory_space<vmem>>) target(%dma_start3A_279 : memref<10240x128xf32, #tpu.memory_space<vmem_shared>>) offsets(%dma_start3A_276 : memref<64xi32, #tpu.memory_space<vmem>>) semaphore(%arg16 : memref<!tpu.dma_semaphore, #tpu.memory_space<semaphore_mem>>) {add = true}
        %add3A_280 = arith.constant 4 : i32
        %add3A_281 = arith.addi %add3A_175, %add3A_280 : i32
        %add3A_282 = arith.constant 0 : i32
        %add3A_283 = arith.addi %add3A_281, %add3A_282 : i32
        %lt3A_284 = arith.constant 40 : i32
        %lt3A_285 = arith.cmpi slt, %add3A_283, %lt3A_284 : i32
        %convert_element_type3A_286 = arith.extui %lt3A_285 : i1 to i32
        %cond3A_287 = arith.constant 0 : i32
        %cond3A_288 = arith.cmpi ne, %convert_element_type3A_286, %cond3A_287 : i32
        scf.if %cond3A_288 {
          %add3A_316 = arith.constant 0 : i32
          %add3A_317 = arith.addi %add3A_175, %add3A_316 : i32
          %dma_wait3A_318 = arith.constant 0 : i32
          %dma_wait3A_319 = arith.constant 0 : i32
          %dma_wait3A_320 = arith.constant 0 : i32
          %dma_wait3A_321 = tpu.memref_slice %arg7[%dma_wait3A_318, %dma_wait3A_319, %dma_wait3A_320] : memref<4x64x128xf32, #tpu.memory_space<vmem>> -> memref<1x64x128xf32, #tpu.memory_space<vmem>>
          %dma_wait3A_322 = tpu.memref_squeeze %dma_wait3A_321 : memref<1x64x128xf32, #tpu.memory_space<vmem>> -> memref<64x128xf32, #tpu.memory_space<vmem>>
          %dma_wait3A_323 = arith.constant 0 : i32
          %dma_wait3A_324 = tpu.memref_slice %arg6[%add3A_317, %dma_wait3A_323] : memref<40x64xi32, #tpu.memory_space<vmem>> -> memref<1x64xi32, #tpu.memory_space<vmem>>
          %dma_wait3A_325 = tpu.memref_squeeze %dma_wait3A_324 : memref<1x64xi32, #tpu.memory_space<vmem>> -> memref<64xi32, #tpu.memory_space<vmem>>
          %dma_wait3A_326 = arith.constant 0 : i32
          %dma_wait3A_327 = arith.constant 0 : i32
          %dma_wait3A_328 = tpu.memref_slice %arg8[%dma_wait3A_326, %dma_wait3A_327] : memref<10240x128xf32, #tpu.memory_space<vmem_shared>> -> memref<10240x128xf32, #tpu.memory_space<vmem_shared>>
          tpu.wait_indirect_dma semaphore(%arg13 : memref<!tpu.dma_semaphore, #tpu.memory_space<semaphore_mem>>) src(%dma_wait3A_322 : memref<64x128xf32, #tpu.memory_space<vmem>>) dst(%dma_wait3A_328 : memref<10240x128xf32, #tpu.memory_space<vmem_shared>>)
          %add3A_329 = arith.constant 4 : i32
          %add3A_330 = arith.addi %add3A_175, %add3A_329 : i32
          %add3A_331 = arith.constant 0 : i32
          %add3A_332 = arith.addi %add3A_330, %add3A_331 : i32
          %dma_start3A_333 = arith.constant 0 : i32
          %dma_start3A_334 = arith.constant 0 : i32
          %dma_start3A_335 = arith.constant 0 : i32
          %dma_start3A_336 = tpu.memref_slice %arg7[%dma_start3A_333, %dma_start3A_334, %dma_start3A_335] : memref<4x64x128xf32, #tpu.memory_space<vmem>> -> memref<1x64x128xf32, #tpu.memory_space<vmem>>
          %dma_start3A_337 = tpu.memref_squeeze %dma_start3A_336 : memref<1x64x128xf32, #tpu.memory_space<vmem>> -> memref<64x128xf32, #tpu.memory_space<vmem>>
          %dma_start3A_338 = arith.constant 0 : i32
          %dma_start3A_339 = tpu.memref_slice %arg5[%add3A_332, %dma_start3A_338] : memref<40x64xi32, #tpu.memory_space<vmem>> -> memref<1x64xi32, #tpu.memory_space<vmem>>
          %dma_start3A_340 = tpu.memref_squeeze %dma_start3A_339 : memref<1x64xi32, #tpu.memory_space<vmem>> -> memref<64xi32, #tpu.memory_space<vmem>>
          %dma_start3A_341 = arith.constant 0 : i32
          %dma_start3A_342 = arith.constant 0 : i32
          %dma_start3A_343 = tpu.memref_slice %arg2[%dma_start3A_341, %dma_start3A_342] : memref<10000x128xf32, #tpu.memory_space<hbm>> -> memref<10000x128xf32, #tpu.memory_space<hbm>>
          tpu.enqueue_indirect_dma source(%dma_start3A_343 : memref<10000x128xf32, #tpu.memory_space<hbm>>) target(%dma_start3A_337 : memref<64x128xf32, #tpu.memory_space<vmem>>) offsets(%dma_start3A_340 : memref<64xi32, #tpu.memory_space<vmem>>) semaphore(%arg9 : memref<!tpu.dma_semaphore, #tpu.memory_space<semaphore_mem>>)
        } else {
        }
        %add3A_289 = arith.constant 4 : i32
        %add3A_290 = arith.addi %add3A_175, %add3A_289 : i32
        %add3A_291 = arith.constant 1 : i32
        %add3A_292 = arith.addi %add3A_290, %add3A_291 : i32
        %lt3A_293 = arith.constant 40 : i32
        %lt3A_294 = arith.cmpi slt, %add3A_292, %lt3A_293 : i32
        %convert_element_type3A_295 = arith.extui %lt3A_294 : i1 to i32
        %cond3A_296 = arith.constant 0 : i32
        %cond3A_297 = arith.cmpi ne, %convert_element_type3A_295, %cond3A_296 : i32
        scf.if %cond3A_297 {
          %add3A_316 = arith.constant 1 : i32
          %add3A_317 = arith.addi %add3A_175, %add3A_316 : i32
          %dma_wait3A_318 = arith.constant 1 : i32
          %dma_wait3A_319 = arith.constant 0 : i32
          %dma_wait3A_320 = arith.constant 0 : i32
          %dma_wait3A_321 = tpu.memref_slice %arg7[%dma_wait3A_318, %dma_wait3A_319, %dma_wait3A_320] : memref<4x64x128xf32, #tpu.memory_space<vmem>> -> memref<1x64x128xf32, #tpu.memory_space<vmem>>
          %dma_wait3A_322 = tpu.memref_squeeze %dma_wait3A_321 : memref<1x64x128xf32, #tpu.memory_space<vmem>> -> memref<64x128xf32, #tpu.memory_space<vmem>>
          %dma_wait3A_323 = arith.constant 0 : i32
          %dma_wait3A_324 = tpu.memref_slice %arg6[%add3A_317, %dma_wait3A_323] : memref<40x64xi32, #tpu.memory_space<vmem>> -> memref<1x64xi32, #tpu.memory_space<vmem>>
          %dma_wait3A_325 = tpu.memref_squeeze %dma_wait3A_324 : memref<1x64xi32, #tpu.memory_space<vmem>> -> memref<64xi32, #tpu.memory_space<vmem>>
          %dma_wait3A_326 = arith.constant 0 : i32
          %dma_wait3A_327 = arith.constant 0 : i32
          %dma_wait3A_328 = tpu.memref_slice %arg8[%dma_wait3A_326, %dma_wait3A_327] : memref<10240x128xf32, #tpu.memory_space<vmem_shared>> -> memref<10240x128xf32, #tpu.memory_space<vmem_shared>>
          tpu.wait_indirect_dma semaphore(%arg14 : memref<!tpu.dma_semaphore, #tpu.memory_space<semaphore_mem>>) src(%dma_wait3A_322 : memref<64x128xf32, #tpu.memory_space<vmem>>) dst(%dma_wait3A_328 : memref<10240x128xf32, #tpu.memory_space<vmem_shared>>)
          %add3A_329 = arith.constant 4 : i32
          %add3A_330 = arith.addi %add3A_175, %add3A_329 : i32
          %add3A_331 = arith.constant 1 : i32
          %add3A_332 = arith.addi %add3A_330, %add3A_331 : i32
          %dma_start3A_333 = arith.constant 1 : i32
          %dma_start3A_334 = arith.constant 0 : i32
          %dma_start3A_335 = arith.constant 0 : i32
          %dma_start3A_336 = tpu.memref_slice %arg7[%dma_start3A_333, %dma_start3A_334, %dma_start3A_335] : memref<4x64x128xf32, #tpu.memory_space<vmem>> -> memref<1x64x128xf32, #tpu.memory_space<vmem>>
          %dma_start3A_337 = tpu.memref_squeeze %dma_start3A_336 : memref<1x64x128xf32, #tpu.memory_space<vmem>> -> memref<64x128xf32, #tpu.memory_space<vmem>>
          %dma_start3A_338 = arith.constant 0 : i32
          %dma_start3A_339 = tpu.memref_slice %arg5[%add3A_332, %dma_start3A_338] : memref<40x64xi32, #tpu.memory_space<vmem>> -> memref<1x64xi32, #tpu.memory_space<vmem>>
          %dma_start3A_340 = tpu.memref_squeeze %dma_start3A_339 : memref<1x64xi32, #tpu.memory_space<vmem>> -> memref<64xi32, #tpu.memory_space<vmem>>
          %dma_start3A_341 = arith.constant 0 : i32
          %dma_start3A_342 = arith.constant 0 : i32
          %dma_start3A_343 = tpu.memref_slice %arg2[%dma_start3A_341, %dma_start3A_342] : memref<10000x128xf32, #tpu.memory_space<hbm>> -> memref<10000x128xf32, #tpu.memory_space<hbm>>
          tpu.enqueue_indirect_dma source(%dma_start3A_343 : memref<10000x128xf32, #tpu.memory_space<hbm>>) target(%dma_start3A_337 : memref<64x128xf32, #tpu.memory_space<vmem>>) offsets(%dma_start3A_340 : memref<64xi32, #tpu.memory_space<vmem>>) semaphore(%arg10 : memref<!tpu.dma_semaphore, #tpu.memory_space<semaphore_mem>>)
        } else {
        }
        %add3A_298 = arith.constant 4 : i32
        %add3A_299 = arith.addi %add3A_175, %add3A_298 : i32
        %add3A_300 = arith.constant 2 : i32
        %add3A_301 = arith.addi %add3A_299, %add3A_300 : i32
        %lt3A_302 = arith.constant 40 : i32
        %lt3A_303 = arith.cmpi slt, %add3A_301, %lt3A_302 : i32
        %convert_element_type3A_304 = arith.extui %lt3A_303 : i1 to i32
        %cond3A_305 = arith.constant 0 : i32
        %cond3A_306 = arith.cmpi ne, %convert_element_type3A_304, %cond3A_305 : i32
        scf.if %cond3A_306 {
          %add3A_316 = arith.constant 2 : i32
          %add3A_317 = arith.addi %add3A_175, %add3A_316 : i32
          %dma_wait3A_318 = arith.constant 2 : i32
          %dma_wait3A_319 = arith.constant 0 : i32
          %dma_wait3A_320 = arith.constant 0 : i32
          %dma_wait3A_321 = tpu.memref_slice %arg7[%dma_wait3A_318, %dma_wait3A_319, %dma_wait3A_320] : memref<4x64x128xf32, #tpu.memory_space<vmem>> -> memref<1x64x128xf32, #tpu.memory_space<vmem>>
          %dma_wait3A_322 = tpu.memref_squeeze %dma_wait3A_321 : memref<1x64x128xf32, #tpu.memory_space<vmem>> -> memref<64x128xf32, #tpu.memory_space<vmem>>
          %dma_wait3A_323 = arith.constant 0 : i32
          %dma_wait3A_324 = tpu.memref_slice %arg6[%add3A_317, %dma_wait3A_323] : memref<40x64xi32, #tpu.memory_space<vmem>> -> memref<1x64xi32, #tpu.memory_space<vmem>>
          %dma_wait3A_325 = tpu.memref_squeeze %dma_wait3A_324 : memref<1x64xi32, #tpu.memory_space<vmem>> -> memref<64xi32, #tpu.memory_space<vmem>>
          %dma_wait3A_326 = arith.constant 0 : i32
          %dma_wait3A_327 = arith.constant 0 : i32
          %dma_wait3A_328 = tpu.memref_slice %arg8[%dma_wait3A_326, %dma_wait3A_327] : memref<10240x128xf32, #tpu.memory_space<vmem_shared>> -> memref<10240x128xf32, #tpu.memory_space<vmem_shared>>
          tpu.wait_indirect_dma semaphore(%arg15 : memref<!tpu.dma_semaphore, #tpu.memory_space<semaphore_mem>>) src(%dma_wait3A_322 : memref<64x128xf32, #tpu.memory_space<vmem>>) dst(%dma_wait3A_328 : memref<10240x128xf32, #tpu.memory_space<vmem_shared>>)
          %add3A_329 = arith.constant 4 : i32
          %add3A_330 = arith.addi %add3A_175, %add3A_329 : i32
          %add3A_331 = arith.constant 2 : i32
          %add3A_332 = arith.addi %add3A_330, %add3A_331 : i32
          %dma_start3A_333 = arith.constant 2 : i32
          %dma_start3A_334 = arith.constant 0 : i32
          %dma_start3A_335 = arith.constant 0 : i32
          %dma_start3A_336 = tpu.memref_slice %arg7[%dma_start3A_333, %dma_start3A_334, %dma_start3A_335] : memref<4x64x128xf32, #tpu.memory_space<vmem>> -> memref<1x64x128xf32, #tpu.memory_space<vmem>>
          %dma_start3A_337 = tpu.memref_squeeze %dma_start3A_336 : memref<1x64x128xf32, #tpu.memory_space<vmem>> -> memref<64x128xf32, #tpu.memory_space<vmem>>
          %dma_start3A_338 = arith.constant 0 : i32
          %dma_start3A_339 = tpu.memref_slice %arg5[%add3A_332, %dma_start3A_338] : memref<40x64xi32, #tpu.memory_space<vmem>> -> memref<1x64xi32, #tpu.memory_space<vmem>>
          %dma_start3A_340 = tpu.memref_squeeze %dma_start3A_339 : memref<1x64xi32, #tpu.memory_space<vmem>> -> memref<64xi32, #tpu.memory_space<vmem>>
          %dma_start3A_341 = arith.constant 0 : i32
          %dma_start3A_342 = arith.constant 0 : i32
          %dma_start3A_343 = tpu.memref_slice %arg2[%dma_start3A_341, %dma_start3A_342] : memref<10000x128xf32, #tpu.memory_space<hbm>> -> memref<10000x128xf32, #tpu.memory_space<hbm>>
          tpu.enqueue_indirect_dma source(%dma_start3A_343 : memref<10000x128xf32, #tpu.memory_space<hbm>>) target(%dma_start3A_337 : memref<64x128xf32, #tpu.memory_space<vmem>>) offsets(%dma_start3A_340 : memref<64xi32, #tpu.memory_space<vmem>>) semaphore(%arg11 : memref<!tpu.dma_semaphore, #tpu.memory_space<semaphore_mem>>)
        } else {
        }
        %add3A_307 = arith.constant 4 : i32
        %add3A_308 = arith.addi %add3A_175, %add3A_307 : i32
        %add3A_309 = arith.constant 3 : i32
        %add3A_310 = arith.addi %add3A_308, %add3A_309 : i32
        %lt3A_311 = arith.constant 40 : i32
        %lt3A_312 = arith.cmpi slt, %add3A_310, %lt3A_311 : i32
        %convert_element_type3A_313 = arith.extui %lt3A_312 : i1 to i32
        %cond3A_314 = arith.constant 0 : i32
        %cond3A_315 = arith.cmpi ne, %convert_element_type3A_313, %cond3A_314 : i32
        scf.if %cond3A_315 {
          %add3A_316 = arith.constant 3 : i32
          %add3A_317 = arith.addi %add3A_175, %add3A_316 : i32
          %dma_wait3A_318 = arith.constant 3 : i32
          %dma_wait3A_319 = arith.constant 0 : i32
          %dma_wait3A_320 = arith.constant 0 : i32
          %dma_wait3A_321 = tpu.memref_slice %arg7[%dma_wait3A_318, %dma_wait3A_319, %dma_wait3A_320] : memref<4x64x128xf32, #tpu.memory_space<vmem>> -> memref<1x64x128xf32, #tpu.memory_space<vmem>>
          %dma_wait3A_322 = tpu.memref_squeeze %dma_wait3A_321 : memref<1x64x128xf32, #tpu.memory_space<vmem>> -> memref<64x128xf32, #tpu.memory_space<vmem>>
          %dma_wait3A_323 = arith.constant 0 : i32
          %dma_wait3A_324 = tpu.memref_slice %arg6[%add3A_317, %dma_wait3A_323] : memref<40x64xi32, #tpu.memory_space<vmem>> -> memref<1x64xi32, #tpu.memory_space<vmem>>
          %dma_wait3A_325 = tpu.memref_squeeze %dma_wait3A_324 : memref<1x64xi32, #tpu.memory_space<vmem>> -> memref<64xi32, #tpu.memory_space<vmem>>
          %dma_wait3A_326 = arith.constant 0 : i32
          %dma_wait3A_327 = arith.constant 0 : i32
          %dma_wait3A_328 = tpu.memref_slice %arg8[%dma_wait3A_326, %dma_wait3A_327] : memref<10240x128xf32, #tpu.memory_space<vmem_shared>> -> memref<10240x128xf32, #tpu.memory_space<vmem_shared>>
          tpu.wait_indirect_dma semaphore(%arg16 : memref<!tpu.dma_semaphore, #tpu.memory_space<semaphore_mem>>) src(%dma_wait3A_322 : memref<64x128xf32, #tpu.memory_space<vmem>>) dst(%dma_wait3A_328 : memref<10240x128xf32, #tpu.memory_space<vmem_shared>>)
          %add3A_329 = arith.constant 4 : i32
          %add3A_330 = arith.addi %add3A_175, %add3A_329 : i32
          %add3A_331 = arith.constant 3 : i32
          %add3A_332 = arith.addi %add3A_330, %add3A_331 : i32
          %dma_start3A_333 = arith.constant 3 : i32
          %dma_start3A_334 = arith.constant 0 : i32
          %dma_start3A_335 = arith.constant 0 : i32
          %dma_start3A_336 = tpu.memref_slice %arg7[%dma_start3A_333, %dma_start3A_334, %dma_start3A_335] : memref<4x64x128xf32, #tpu.memory_space<vmem>> -> memref<1x64x128xf32, #tpu.memory_space<vmem>>
          %dma_start3A_337 = tpu.memref_squeeze %dma_start3A_336 : memref<1x64x128xf32, #tpu.memory_space<vmem>> -> memref<64x128xf32, #tpu.memory_space<vmem>>
          %dma_start3A_338 = arith.constant 0 : i32
          %dma_start3A_339 = tpu.memref_slice %arg5[%add3A_332, %dma_start3A_338] : memref<40x64xi32, #tpu.memory_space<vmem>> -> memref<1x64xi32, #tpu.memory_space<vmem>>
          %dma_start3A_340 = tpu.memref_squeeze %dma_start3A_339 : memref<1x64xi32, #tpu.memory_space<vmem>> -> memref<64xi32, #tpu.memory_space<vmem>>
          %dma_start3A_341 = arith.constant 0 : i32
          %dma_start3A_342 = arith.constant 0 : i32
          %dma_start3A_343 = tpu.memref_slice %arg2[%dma_start3A_341, %dma_start3A_342] : memref<10000x128xf32, #tpu.memory_space<hbm>> -> memref<10000x128xf32, #tpu.memory_space<hbm>>
          tpu.enqueue_indirect_dma source(%dma_start3A_343 : memref<10000x128xf32, #tpu.memory_space<hbm>>) target(%dma_start3A_337 : memref<64x128xf32, #tpu.memory_space<vmem>>) offsets(%dma_start3A_340 : memref<64xi32, #tpu.memory_space<vmem>>) semaphore(%arg12 : memref<!tpu.dma_semaphore, #tpu.memory_space<semaphore_mem>>)
        } else {
        }
      }
      %scan3A_122 = arith.constant 10 : i32
      %dma_wait3A_123 = arith.constant 0 : i32
      %dma_wait3A_124 = arith.constant 36 : i32
      %dma_wait3A_125 = arith.constant 0 : i32
      %dma_wait3A_126 = arith.constant 0 : i32
      %dma_wait3A_127 = tpu.memref_slice %arg7[%dma_wait3A_123, %dma_wait3A_125, %dma_wait3A_126] : memref<4x64x128xf32, #tpu.memory_space<vmem>> -> memref<1x64x128xf32, #tpu.memory_space<vmem>>
      %dma_wait3A_128 = tpu.memref_squeeze %dma_wait3A_127 : memref<1x64x128xf32, #tpu.memory_space<vmem>> -> memref<64x128xf32, #tpu.memory_space<vmem>>
      %dma_wait3A_129 = arith.constant 0 : i32
      %dma_wait3A_130 = tpu.memref_slice %arg6[%dma_wait3A_124, %dma_wait3A_129] : memref<40x64xi32, #tpu.memory_space<vmem>> -> memref<1x64xi32, #tpu.memory_space<vmem>>
      %dma_wait3A_131 = tpu.memref_squeeze %dma_wait3A_130 : memref<1x64xi32, #tpu.memory_space<vmem>> -> memref<64xi32, #tpu.memory_space<vmem>>
      %dma_wait3A_132 = arith.constant 0 : i32
      %dma_wait3A_133 = arith.constant 0 : i32
      %dma_wait3A_134 = tpu.memref_slice %arg8[%dma_wait3A_132, %dma_wait3A_133] : memref<10240x128xf32, #tpu.memory_space<vmem_shared>> -> memref<10240x128xf32, #tpu.memory_space<vmem_shared>>
      tpu.wait_indirect_dma semaphore(%arg13 : memref<!tpu.dma_semaphore, #tpu.memory_space<semaphore_mem>>) src(%dma_wait3A_128 : memref<64x128xf32, #tpu.memory_space<vmem>>) dst(%dma_wait3A_134 : memref<10240x128xf32, #tpu.memory_space<vmem_shared>>)
      %dma_wait3A_135 = arith.constant 1 : i32
      %dma_wait3A_136 = arith.constant 37 : i32
      %dma_wait3A_137 = arith.constant 0 : i32
      %dma_wait3A_138 = arith.constant 0 : i32
      %dma_wait3A_139 = tpu.memref_slice %arg7[%dma_wait3A_135, %dma_wait3A_137, %dma_wait3A_138] : memref<4x64x128xf32, #tpu.memory_space<vmem>> -> memref<1x64x128xf32, #tpu.memory_space<vmem>>
      %dma_wait3A_140 = tpu.memref_squeeze %dma_wait3A_139 : memref<1x64x128xf32, #tpu.memory_space<vmem>> -> memref<64x128xf32, #tpu.memory_space<vmem>>
      %dma_wait3A_141 = arith.constant 0 : i32
      %dma_wait3A_142 = tpu.memref_slice %arg6[%dma_wait3A_136, %dma_wait3A_141] : memref<40x64xi32, #tpu.memory_space<vmem>> -> memref<1x64xi32, #tpu.memory_space<vmem>>
      %dma_wait3A_143 = tpu.memref_squeeze %dma_wait3A_142 : memref<1x64xi32, #tpu.memory_space<vmem>> -> memref<64xi32, #tpu.memory_space<vmem>>
      %dma_wait3A_144 = arith.constant 0 : i32
      %dma_wait3A_145 = arith.constant 0 : i32
      %dma_wait3A_146 = tpu.memref_slice %arg8[%dma_wait3A_144, %dma_wait3A_145] : memref<10240x128xf32, #tpu.memory_space<vmem_shared>> -> memref<10240x128xf32, #tpu.memory_space<vmem_shared>>
      tpu.wait_indirect_dma semaphore(%arg14 : memref<!tpu.dma_semaphore, #tpu.memory_space<semaphore_mem>>) src(%dma_wait3A_140 : memref<64x128xf32, #tpu.memory_space<vmem>>) dst(%dma_wait3A_146 : memref<10240x128xf32, #tpu.memory_space<vmem_shared>>)
      %dma_wait3A_147 = arith.constant 2 : i32
      %dma_wait3A_148 = arith.constant 38 : i32
      %dma_wait3A_149 = arith.constant 0 : i32
      %dma_wait3A_150 = arith.constant 0 : i32
      %dma_wait3A_151 = tpu.memref_slice %arg7[%dma_wait3A_147, %dma_wait3A_149, %dma_wait3A_150] : memref<4x64x128xf32, #tpu.memory_space<vmem>> -> memref<1x64x128xf32, #tpu.memory_space<vmem>>
      %dma_wait3A_152 = tpu.memref_squeeze %dma_wait3A_151 : memref<1x64x128xf32, #tpu.memory_space<vmem>> -> memref<64x128xf32, #tpu.memory_space<vmem>>
      %dma_wait3A_153 = arith.constant 0 : i32
      %dma_wait3A_154 = tpu.memref_slice %arg6[%dma_wait3A_148, %dma_wait3A_153] : memref<40x64xi32, #tpu.memory_space<vmem>> -> memref<1x64xi32, #tpu.memory_space<vmem>>
      %dma_wait3A_155 = tpu.memref_squeeze %dma_wait3A_154 : memref<1x64xi32, #tpu.memory_space<vmem>> -> memref<64xi32, #tpu.memory_space<vmem>>
      %dma_wait3A_156 = arith.constant 0 : i32
      %dma_wait3A_157 = arith.constant 0 : i32
      %dma_wait3A_158 = tpu.memref_slice %arg8[%dma_wait3A_156, %dma_wait3A_157] : memref<10240x128xf32, #tpu.memory_space<vmem_shared>> -> memref<10240x128xf32, #tpu.memory_space<vmem_shared>>
      tpu.wait_indirect_dma semaphore(%arg15 : memref<!tpu.dma_semaphore, #tpu.memory_space<semaphore_mem>>) src(%dma_wait3A_152 : memref<64x128xf32, #tpu.memory_space<vmem>>) dst(%dma_wait3A_158 : memref<10240x128xf32, #tpu.memory_space<vmem_shared>>)
      %dma_wait3A_159 = arith.constant 3 : i32
      %dma_wait3A_160 = arith.constant 39 : i32
      %dma_wait3A_161 = arith.constant 0 : i32
      %dma_wait3A_162 = arith.constant 0 : i32
      %dma_wait3A_163 = tpu.memref_slice %arg7[%dma_wait3A_159, %dma_wait3A_161, %dma_wait3A_162] : memref<4x64x128xf32, #tpu.memory_space<vmem>> -> memref<1x64x128xf32, #tpu.memory_space<vmem>>
      %dma_wait3A_164 = tpu.memref_squeeze %dma_wait3A_163 : memref<1x64x128xf32, #tpu.memory_space<vmem>> -> memref<64x128xf32, #tpu.memory_space<vmem>>
      %dma_wait3A_165 = arith.constant 0 : i32
      %dma_wait3A_166 = tpu.memref_slice %arg6[%dma_wait3A_160, %dma_wait3A_165] : memref<40x64xi32, #tpu.memory_space<vmem>> -> memref<1x64xi32, #tpu.memory_space<vmem>>
      %dma_wait3A_167 = tpu.memref_squeeze %dma_wait3A_166 : memref<1x64xi32, #tpu.memory_space<vmem>> -> memref<64xi32, #tpu.memory_space<vmem>>
      %dma_wait3A_168 = arith.constant 0 : i32
      %dma_wait3A_169 = arith.constant 0 : i32
      %dma_wait3A_170 = tpu.memref_slice %arg8[%dma_wait3A_168, %dma_wait3A_169] : memref<10240x128xf32, #tpu.memory_space<vmem_shared>> -> memref<10240x128xf32, #tpu.memory_space<vmem_shared>>
      tpu.wait_indirect_dma semaphore(%arg16 : memref<!tpu.dma_semaphore, #tpu.memory_space<semaphore_mem>>) src(%dma_wait3A_164 : memref<64x128xf32, #tpu.memory_space<vmem>>) dst(%dma_wait3A_170 : memref<10240x128xf32, #tpu.memory_space<vmem_shared>>)
    } else {
    }
    %add3A_21 = arith.constant 64 : i32
    %add3A_22 = arith.addi %add3A_21, %add3A : i32
    %lt3A_23 = arith.constant 125 : i32
    %lt3A_24 = arith.cmpi slt, %add3A_22, %lt3A_23 : i32
    %convert_element_type3A_25 = arith.extui %lt3A_24 : i1 to i32
    %cond3A_26 = arith.constant 0 : i32
    %cond3A_27 = arith.cmpi ne, %convert_element_type3A_25, %cond3A_26 : i32
    scf.if %cond3A_27 {
      %add3A_40 = arith.constant 64 : i32
      %add3A_41 = arith.addi %add3A_40, %add3A : i32
      %mul3A_42 = arith.constant 40 : i32
      %mul3A_43 = arith.muli %add3A_41, %mul3A_42 : i32
      %dma_start3A = arith.constant 0 : i32
      %dma_start3A_44 = arith.constant 0 : i32
      %dma_start3A_45 = tpu.memref_slice %arg3[%dma_start3A, %mul3A_43, %dma_start3A_44] : memref<2x5000x64xi32, #tpu.memory_space<hbm>> -> memref<1x40x64xi32, #tpu.memory_space<hbm>>
      %dma_start3A_46 = tpu.memref_squeeze %dma_start3A_45 : memref<1x40x64xi32, #tpu.memory_space<hbm>> -> memref<40x64xi32, #tpu.memory_space<hbm>>
      %dma_start3A_47 = arith.constant 0 : i32
      %dma_start3A_48 = tpu.memref_slice %arg3[%dma_start3A, %mul3A_43, %dma_start3A_47] : memref<2x5000x64xi32, #tpu.memory_space<hbm>> -> memref<1x40x64xi32, #tpu.memory_space<hbm>>
      %dma_start3A_49 = tpu.memref_squeeze %dma_start3A_48 : memref<1x40x64xi32, #tpu.memory_space<hbm>> -> memref<40x64xi32, #tpu.memory_space<hbm>>
      tpu.enqueue_dma source(%dma_start3A_49 : memref<40x64xi32, #tpu.memory_space<hbm>>) target(%arg5 : memref<40x64xi32, #tpu.memory_space<vmem>>) target_semaphore(%arg9 : memref<!tpu.dma_semaphore, #tpu.memory_space<semaphore_mem>>)
      %dma_start3A_50 = arith.constant 1 : i32
      %dma_start3A_51 = arith.constant 0 : i32
      %dma_start3A_52 = tpu.memref_slice %arg3[%dma_start3A_50, %mul3A_43, %dma_start3A_51] : memref<2x5000x64xi32, #tpu.memory_space<hbm>> -> memref<1x40x64xi32, #tpu.memory_space<hbm>>
      %dma_start3A_53 = tpu.memref_squeeze %dma_start3A_52 : memref<1x40x64xi32, #tpu.memory_space<hbm>> -> memref<40x64xi32, #tpu.memory_space<hbm>>
      %dma_start3A_54 = arith.constant 0 : i32
      %dma_start3A_55 = tpu.memref_slice %arg3[%dma_start3A_50, %mul3A_43, %dma_start3A_54] : memref<2x5000x64xi32, #tpu.memory_space<hbm>> -> memref<1x40x64xi32, #tpu.memory_space<hbm>>
      %dma_start3A_56 = tpu.memref_squeeze %dma_start3A_55 : memref<1x40x64xi32, #tpu.memory_space<hbm>> -> memref<40x64xi32, #tpu.memory_space<hbm>>
      tpu.enqueue_dma source(%dma_start3A_56 : memref<40x64xi32, #tpu.memory_space<hbm>>) target(%arg6 : memref<40x64xi32, #tpu.memory_space<vmem>>) target_semaphore(%arg10 : memref<!tpu.dma_semaphore, #tpu.memory_space<semaphore_mem>>)
      %dma_wait3A = arith.constant 0 : i32
      %dma_wait3A_57 = arith.constant 0 : i32
      %dma_wait3A_58 = tpu.memref_slice %arg3[%dma_wait3A, %mul3A_43, %dma_wait3A_57] : memref<2x5000x64xi32, #tpu.memory_space<hbm>> -> memref<1x40x64xi32, #tpu.memory_space<hbm>>
      %dma_wait3A_59 = tpu.memref_squeeze %dma_wait3A_58 : memref<1x40x64xi32, #tpu.memory_space<hbm>> -> memref<40x64xi32, #tpu.memory_space<hbm>>
      %dma_wait3A_60 = arith.constant 0 : i32
      %dma_wait3A_61 = tpu.memref_slice %arg3[%dma_wait3A, %mul3A_43, %dma_wait3A_60] : memref<2x5000x64xi32, #tpu.memory_space<hbm>> -> memref<1x40x64xi32, #tpu.memory_space<hbm>>
      %dma_wait3A_62 = tpu.memref_squeeze %dma_wait3A_61 : memref<1x40x64xi32, #tpu.memory_space<hbm>> -> memref<40x64xi32, #tpu.memory_space<hbm>>
      tpu.wait_dma2 semaphore(%arg9 : memref<!tpu.dma_semaphore, #tpu.memory_space<semaphore_mem>>) src(%dma_wait3A_62 : memref<40x64xi32, #tpu.memory_space<hbm>>) dst(%arg5 : memref<40x64xi32, #tpu.memory_space<vmem>>)
      %dma_wait3A_63 = arith.constant 1 : i32
      %dma_wait3A_64 = arith.constant 0 : i32
      %dma_wait3A_65 = tpu.memref_slice %arg3[%dma_wait3A_63, %mul3A_43, %dma_wait3A_64] : memref<2x5000x64xi32, #tpu.memory_space<hbm>> -> memref<1x40x64xi32, #tpu.memory_space<hbm>>
      %dma_wait3A_66 = tpu.memref_squeeze %dma_wait3A_65 : memref<1x40x64xi32, #tpu.memory_space<hbm>> -> memref<40x64xi32, #tpu.memory_space<hbm>>
      %dma_wait3A_67 = arith.constant 0 : i32
      %dma_wait3A_68 = tpu.memref_slice %arg3[%dma_wait3A_63, %mul3A_43, %dma_wait3A_67] : memref<2x5000x64xi32, #tpu.memory_space<hbm>> -> memref<1x40x64xi32, #tpu.memory_space<hbm>>
      %dma_wait3A_69 = tpu.memref_squeeze %dma_wait3A_68 : memref<1x40x64xi32, #tpu.memory_space<hbm>> -> memref<40x64xi32, #tpu.memory_space<hbm>>
      tpu.wait_dma2 semaphore(%arg10 : memref<!tpu.dma_semaphore, #tpu.memory_space<semaphore_mem>>) src(%dma_wait3A_69 : memref<40x64xi32, #tpu.memory_space<hbm>>) dst(%arg6 : memref<40x64xi32, #tpu.memory_space<vmem>>)
      %dma_start3A_70 = arith.constant 0 : i32
      %dma_start3A_71 = arith.constant 0 : i32
      %dma_start3A_72 = arith.constant 0 : i32
      %dma_start3A_73 = arith.constant 0 : i32
      %dma_start3A_74 = tpu.memref_slice %arg7[%dma_start3A_71, %dma_start3A_72, %dma_start3A_73] : memref<4x64x128xf32, #tpu.memory_space<vmem>> -> memref<1x64x128xf32, #tpu.memory_space<vmem>>
      %dma_start3A_75 = tpu.memref_squeeze %dma_start3A_74 : memref<1x64x128xf32, #tpu.memory_space<vmem>> -> memref<64x128xf32, #tpu.memory_space<vmem>>
      %dma_start3A_76 = arith.constant 0 : i32
      %dma_start3A_77 = tpu.memref_slice %arg5[%dma_start3A_70, %dma_start3A_76] : memref<40x64xi32, #tpu.memory_space<vmem>> -> memref<1x64xi32, #tpu.memory_space<vmem>>
      %dma_start3A_78 = tpu.memref_squeeze %dma_start3A_77 : memref<1x64xi32, #tpu.memory_space<vmem>> -> memref<64xi32, #tpu.memory_space<vmem>>
      %dma_start3A_79 = arith.constant 0 : i32
      %dma_start3A_80 = arith.constant 0 : i32
      %dma_start3A_81 = tpu.memref_slice %arg2[%dma_start3A_79, %dma_start3A_80] : memref<10000x128xf32, #tpu.memory_space<hbm>> -> memref<10000x128xf32, #tpu.memory_space<hbm>>
      tpu.enqueue_indirect_dma source(%dma_start3A_81 : memref<10000x128xf32, #tpu.memory_space<hbm>>) target(%dma_start3A_75 : memref<64x128xf32, #tpu.memory_space<vmem>>) offsets(%dma_start3A_78 : memref<64xi32, #tpu.memory_space<vmem>>) semaphore(%arg9 : memref<!tpu.dma_semaphore, #tpu.memory_space<semaphore_mem>>)
      %dma_start3A_82 = arith.constant 1 : i32
      %dma_start3A_83 = arith.constant 1 : i32
      %dma_start3A_84 = arith.constant 0 : i32
      %dma_start3A_85 = arith.constant 0 : i32
      %dma_start3A_86 = tpu.memref_slice %arg7[%dma_start3A_83, %dma_start3A_84, %dma_start3A_85] : memref<4x64x128xf32, #tpu.memory_space<vmem>> -> memref<1x64x128xf32, #tpu.memory_space<vmem>>
      %dma_start3A_87 = tpu.memref_squeeze %dma_start3A_86 : memref<1x64x128xf32, #tpu.memory_space<vmem>> -> memref<64x128xf32, #tpu.memory_space<vmem>>
      %dma_start3A_88 = arith.constant 0 : i32
      %dma_start3A_89 = tpu.memref_slice %arg5[%dma_start3A_82, %dma_start3A_88] : memref<40x64xi32, #tpu.memory_space<vmem>> -> memref<1x64xi32, #tpu.memory_space<vmem>>
      %dma_start3A_90 = tpu.memref_squeeze %dma_start3A_89 : memref<1x64xi32, #tpu.memory_space<vmem>> -> memref<64xi32, #tpu.memory_space<vmem>>
      %dma_start3A_91 = arith.constant 0 : i32
      %dma_start3A_92 = arith.constant 0 : i32
      %dma_start3A_93 = tpu.memref_slice %arg2[%dma_start3A_91, %dma_start3A_92] : memref<10000x128xf32, #tpu.memory_space<hbm>> -> memref<10000x128xf32, #tpu.memory_space<hbm>>
      tpu.enqueue_indirect_dma source(%dma_start3A_93 : memref<10000x128xf32, #tpu.memory_space<hbm>>) target(%dma_start3A_87 : memref<64x128xf32, #tpu.memory_space<vmem>>) offsets(%dma_start3A_90 : memref<64xi32, #tpu.memory_space<vmem>>) semaphore(%arg10 : memref<!tpu.dma_semaphore, #tpu.memory_space<semaphore_mem>>)
      %dma_start3A_94 = arith.constant 2 : i32
      %dma_start3A_95 = arith.constant 2 : i32
      %dma_start3A_96 = arith.constant 0 : i32
      %dma_start3A_97 = arith.constant 0 : i32
      %dma_start3A_98 = tpu.memref_slice %arg7[%dma_start3A_95, %dma_start3A_96, %dma_start3A_97] : memref<4x64x128xf32, #tpu.memory_space<vmem>> -> memref<1x64x128xf32, #tpu.memory_space<vmem>>
      %dma_start3A_99 = tpu.memref_squeeze %dma_start3A_98 : memref<1x64x128xf32, #tpu.memory_space<vmem>> -> memref<64x128xf32, #tpu.memory_space<vmem>>
      %dma_start3A_100 = arith.constant 0 : i32
      %dma_start3A_101 = tpu.memref_slice %arg5[%dma_start3A_94, %dma_start3A_100] : memref<40x64xi32, #tpu.memory_space<vmem>> -> memref<1x64xi32, #tpu.memory_space<vmem>>
      %dma_start3A_102 = tpu.memref_squeeze %dma_start3A_101 : memref<1x64xi32, #tpu.memory_space<vmem>> -> memref<64xi32, #tpu.memory_space<vmem>>
      %dma_start3A_103 = arith.constant 0 : i32
      %dma_start3A_104 = arith.constant 0 : i32
      %dma_start3A_105 = tpu.memref_slice %arg2[%dma_start3A_103, %dma_start3A_104] : memref<10000x128xf32, #tpu.memory_space<hbm>> -> memref<10000x128xf32, #tpu.memory_space<hbm>>
      tpu.enqueue_indirect_dma source(%dma_start3A_105 : memref<10000x128xf32, #tpu.memory_space<hbm>>) target(%dma_start3A_99 : memref<64x128xf32, #tpu.memory_space<vmem>>) offsets(%dma_start3A_102 : memref<64xi32, #tpu.memory_space<vmem>>) semaphore(%arg11 : memref<!tpu.dma_semaphore, #tpu.memory_space<semaphore_mem>>)
      %dma_start3A_106 = arith.constant 3 : i32
      %dma_start3A_107 = arith.constant 3 : i32
      %dma_start3A_108 = arith.constant 0 : i32
      %dma_start3A_109 = arith.constant 0 : i32
      %dma_start3A_110 = tpu.memref_slice %arg7[%dma_start3A_107, %dma_start3A_108, %dma_start3A_109] : memref<4x64x128xf32, #tpu.memory_space<vmem>> -> memref<1x64x128xf32, #tpu.memory_space<vmem>>
      %dma_start3A_111 = tpu.memref_squeeze %dma_start3A_110 : memref<1x64x128xf32, #tpu.memory_space<vmem>> -> memref<64x128xf32, #tpu.memory_space<vmem>>
      %dma_start3A_112 = arith.constant 0 : i32
      %dma_start3A_113 = tpu.memref_slice %arg5[%dma_start3A_106, %dma_start3A_112] : memref<40x64xi32, #tpu.memory_space<vmem>> -> memref<1x64xi32, #tpu.memory_space<vmem>>
      %dma_start3A_114 = tpu.memref_squeeze %dma_start3A_113 : memref<1x64xi32, #tpu.memory_space<vmem>> -> memref<64xi32, #tpu.memory_space<vmem>>
      %dma_start3A_115 = arith.constant 0 : i32
      %dma_start3A_116 = arith.constant 0 : i32
      %dma_start3A_117 = tpu.memref_slice %arg2[%dma_start3A_115, %dma_start3A_116] : memref<10000x128xf32, #tpu.memory_space<hbm>> -> memref<10000x128xf32, #tpu.memory_space<hbm>>
      tpu.enqueue_indirect_dma source(%dma_start3A_117 : memref<10000x128xf32, #tpu.memory_space<hbm>>) target(%dma_start3A_111 : memref<64x128xf32, #tpu.memory_space<vmem>>) offsets(%dma_start3A_114 : memref<64xi32, #tpu.memory_space<vmem>>) semaphore(%arg12 : memref<!tpu.dma_semaphore, #tpu.memory_space<semaphore_mem>>)
      %scan3A_118 = arith.constant 0 : i32
      %scan3A_119 = arith.constant 10 : i32
      %scan3A_120 = arith.addi %scan3A_118, %scan3A_119 : i32
      %scan3A_121 = arith.constant 1 : i32
      scf.for %scan3A_171 = %scan3A_118 to %scan3A_120 step %scan3A_121  : i32 {
        %mul3A_172 = arith.constant 4 : i32
        %mul3A_173 = arith.muli %scan3A_171, %mul3A_172 : i32
        %add3A_174 = arith.constant 0 : i32
        %add3A_175 = arith.addi %add3A_174, %mul3A_173 : i32
        %add3A_176 = arith.constant 0 : i32
        %add3A_177 = arith.addi %add3A_175, %add3A_176 : i32
        %dma_wait3A_178 = arith.constant 0 : i32
        %dma_wait3A_179 = arith.constant 0 : i32
        %dma_wait3A_180 = arith.constant 0 : i32
        %dma_wait3A_181 = tpu.memref_slice %arg7[%dma_wait3A_178, %dma_wait3A_179, %dma_wait3A_180] : memref<4x64x128xf32, #tpu.memory_space<vmem>> -> memref<1x64x128xf32, #tpu.memory_space<vmem>>
        %dma_wait3A_182 = tpu.memref_squeeze %dma_wait3A_181 : memref<1x64x128xf32, #tpu.memory_space<vmem>> -> memref<64x128xf32, #tpu.memory_space<vmem>>
        %dma_wait3A_183 = arith.constant 0 : i32
        %dma_wait3A_184 = tpu.memref_slice %arg5[%add3A_177, %dma_wait3A_183] : memref<40x64xi32, #tpu.memory_space<vmem>> -> memref<1x64xi32, #tpu.memory_space<vmem>>
        %dma_wait3A_185 = tpu.memref_squeeze %dma_wait3A_184 : memref<1x64xi32, #tpu.memory_space<vmem>> -> memref<64xi32, #tpu.memory_space<vmem>>
        %dma_wait3A_186 = arith.constant 0 : i32
        %dma_wait3A_187 = arith.constant 0 : i32
        %dma_wait3A_188 = tpu.memref_slice %arg2[%dma_wait3A_186, %dma_wait3A_187] : memref<10000x128xf32, #tpu.memory_space<hbm>> -> memref<10000x128xf32, #tpu.memory_space<hbm>>
        tpu.wait_indirect_dma semaphore(%arg9 : memref<!tpu.dma_semaphore, #tpu.memory_space<semaphore_mem>>) src(%dma_wait3A_188 : memref<10000x128xf32, #tpu.memory_space<hbm>>) dst(%dma_wait3A_182 : memref<64x128xf32, #tpu.memory_space<vmem>>)
        %add3A_189 = arith.constant 0 : i32
        %add3A_190 = arith.addi %add3A_175, %add3A_189 : i32
        %dma_start3A_191 = arith.constant 0 : i32
        %dma_start3A_192 = arith.constant 0 : i32
        %dma_start3A_193 = arith.constant 0 : i32
        %dma_start3A_194 = tpu.memref_slice %arg7[%dma_start3A_191, %dma_start3A_192, %dma_start3A_193] : memref<4x64x128xf32, #tpu.memory_space<vmem>> -> memref<1x64x128xf32, #tpu.memory_space<vmem>>
        %dma_start3A_195 = tpu.memref_squeeze %dma_start3A_194 : memref<1x64x128xf32, #tpu.memory_space<vmem>> -> memref<64x128xf32, #tpu.memory_space<vmem>>
        %dma_start3A_196 = arith.constant 0 : i32
        %dma_start3A_197 = tpu.memref_slice %arg6[%add3A_190, %dma_start3A_196] : memref<40x64xi32, #tpu.memory_space<vmem>> -> memref<1x64xi32, #tpu.memory_space<vmem>>
        %dma_start3A_198 = tpu.memref_squeeze %dma_start3A_197 : memref<1x64xi32, #tpu.memory_space<vmem>> -> memref<64xi32, #tpu.memory_space<vmem>>
        %dma_start3A_199 = arith.constant 0 : i32
        %dma_start3A_200 = arith.constant 0 : i32
        %dma_start3A_201 = tpu.memref_slice %arg8[%dma_start3A_199, %dma_start3A_200] : memref<10240x128xf32, #tpu.memory_space<vmem_shared>> -> memref<10240x128xf32, #tpu.memory_space<vmem_shared>>
        tpu.enqueue_indirect_dma source(%dma_start3A_195 : memref<64x128xf32, #tpu.memory_space<vmem>>) target(%dma_start3A_201 : memref<10240x128xf32, #tpu.memory_space<vmem_shared>>) offsets(%dma_start3A_198 : memref<64xi32, #tpu.memory_space<vmem>>) semaphore(%arg13 : memref<!tpu.dma_semaphore, #tpu.memory_space<semaphore_mem>>) {add = true}
        %add3A_202 = arith.constant 1 : i32
        %add3A_203 = arith.addi %add3A_175, %add3A_202 : i32
        %dma_wait3A_204 = arith.constant 1 : i32
        %dma_wait3A_205 = arith.constant 0 : i32
        %dma_wait3A_206 = arith.constant 0 : i32
        %dma_wait3A_207 = tpu.memref_slice %arg7[%dma_wait3A_204, %dma_wait3A_205, %dma_wait3A_206] : memref<4x64x128xf32, #tpu.memory_space<vmem>> -> memref<1x64x128xf32, #tpu.memory_space<vmem>>
        %dma_wait3A_208 = tpu.memref_squeeze %dma_wait3A_207 : memref<1x64x128xf32, #tpu.memory_space<vmem>> -> memref<64x128xf32, #tpu.memory_space<vmem>>
        %dma_wait3A_209 = arith.constant 0 : i32
        %dma_wait3A_210 = tpu.memref_slice %arg5[%add3A_203, %dma_wait3A_209] : memref<40x64xi32, #tpu.memory_space<vmem>> -> memref<1x64xi32, #tpu.memory_space<vmem>>
        %dma_wait3A_211 = tpu.memref_squeeze %dma_wait3A_210 : memref<1x64xi32, #tpu.memory_space<vmem>> -> memref<64xi32, #tpu.memory_space<vmem>>
        %dma_wait3A_212 = arith.constant 0 : i32
        %dma_wait3A_213 = arith.constant 0 : i32
        %dma_wait3A_214 = tpu.memref_slice %arg2[%dma_wait3A_212, %dma_wait3A_213] : memref<10000x128xf32, #tpu.memory_space<hbm>> -> memref<10000x128xf32, #tpu.memory_space<hbm>>
        tpu.wait_indirect_dma semaphore(%arg10 : memref<!tpu.dma_semaphore, #tpu.memory_space<semaphore_mem>>) src(%dma_wait3A_214 : memref<10000x128xf32, #tpu.memory_space<hbm>>) dst(%dma_wait3A_208 : memref<64x128xf32, #tpu.memory_space<vmem>>)
        %add3A_215 = arith.constant 1 : i32
        %add3A_216 = arith.addi %add3A_175, %add3A_215 : i32
        %dma_start3A_217 = arith.constant 1 : i32
        %dma_start3A_218 = arith.constant 0 : i32
        %dma_start3A_219 = arith.constant 0 : i32
        %dma_start3A_220 = tpu.memref_slice %arg7[%dma_start3A_217, %dma_start3A_218, %dma_start3A_219] : memref<4x64x128xf32, #tpu.memory_space<vmem>> -> memref<1x64x128xf32, #tpu.memory_space<vmem>>
        %dma_start3A_221 = tpu.memref_squeeze %dma_start3A_220 : memref<1x64x128xf32, #tpu.memory_space<vmem>> -> memref<64x128xf32, #tpu.memory_space<vmem>>
        %dma_start3A_222 = arith.constant 0 : i32
        %dma_start3A_223 = tpu.memref_slice %arg6[%add3A_216, %dma_start3A_222] : memref<40x64xi32, #tpu.memory_space<vmem>> -> memref<1x64xi32, #tpu.memory_space<vmem>>
        %dma_start3A_224 = tpu.memref_squeeze %dma_start3A_223 : memref<1x64xi32, #tpu.memory_space<vmem>> -> memref<64xi32, #tpu.memory_space<vmem>>
        %dma_start3A_225 = arith.constant 0 : i32
        %dma_start3A_226 = arith.constant 0 : i32
        %dma_start3A_227 = tpu.memref_slice %arg8[%dma_start3A_225, %dma_start3A_226] : memref<10240x128xf32, #tpu.memory_space<vmem_shared>> -> memref<10240x128xf32, #tpu.memory_space<vmem_shared>>
        tpu.enqueue_indirect_dma source(%dma_start3A_221 : memref<64x128xf32, #tpu.memory_space<vmem>>) target(%dma_start3A_227 : memref<10240x128xf32, #tpu.memory_space<vmem_shared>>) offsets(%dma_start3A_224 : memref<64xi32, #tpu.memory_space<vmem>>) semaphore(%arg14 : memref<!tpu.dma_semaphore, #tpu.memory_space<semaphore_mem>>) {add = true}
        %add3A_228 = arith.constant 2 : i32
        %add3A_229 = arith.addi %add3A_175, %add3A_228 : i32
        %dma_wait3A_230 = arith.constant 2 : i32
        %dma_wait3A_231 = arith.constant 0 : i32
        %dma_wait3A_232 = arith.constant 0 : i32
        %dma_wait3A_233 = tpu.memref_slice %arg7[%dma_wait3A_230, %dma_wait3A_231, %dma_wait3A_232] : memref<4x64x128xf32, #tpu.memory_space<vmem>> -> memref<1x64x128xf32, #tpu.memory_space<vmem>>
        %dma_wait3A_234 = tpu.memref_squeeze %dma_wait3A_233 : memref<1x64x128xf32, #tpu.memory_space<vmem>> -> memref<64x128xf32, #tpu.memory_space<vmem>>
        %dma_wait3A_235 = arith.constant 0 : i32
        %dma_wait3A_236 = tpu.memref_slice %arg5[%add3A_229, %dma_wait3A_235] : memref<40x64xi32, #tpu.memory_space<vmem>> -> memref<1x64xi32, #tpu.memory_space<vmem>>
        %dma_wait3A_237 = tpu.memref_squeeze %dma_wait3A_236 : memref<1x64xi32, #tpu.memory_space<vmem>> -> memref<64xi32, #tpu.memory_space<vmem>>
        %dma_wait3A_238 = arith.constant 0 : i32
        %dma_wait3A_239 = arith.constant 0 : i32
        %dma_wait3A_240 = tpu.memref_slice %arg2[%dma_wait3A_238, %dma_wait3A_239] : memref<10000x128xf32, #tpu.memory_space<hbm>> -> memref<10000x128xf32, #tpu.memory_space<hbm>>
        tpu.wait_indirect_dma semaphore(%arg11 : memref<!tpu.dma_semaphore, #tpu.memory_space<semaphore_mem>>) src(%dma_wait3A_240 : memref<10000x128xf32, #tpu.memory_space<hbm>>) dst(%dma_wait3A_234 : memref<64x128xf32, #tpu.memory_space<vmem>>)
        %add3A_241 = arith.constant 2 : i32
        %add3A_242 = arith.addi %add3A_175, %add3A_241 : i32
        %dma_start3A_243 = arith.constant 2 : i32
        %dma_start3A_244 = arith.constant 0 : i32
        %dma_start3A_245 = arith.constant 0 : i32
        %dma_start3A_246 = tpu.memref_slice %arg7[%dma_start3A_243, %dma_start3A_244, %dma_start3A_245] : memref<4x64x128xf32, #tpu.memory_space<vmem>> -> memref<1x64x128xf32, #tpu.memory_space<vmem>>
        %dma_start3A_247 = tpu.memref_squeeze %dma_start3A_246 : memref<1x64x128xf32, #tpu.memory_space<vmem>> -> memref<64x128xf32, #tpu.memory_space<vmem>>
        %dma_start3A_248 = arith.constant 0 : i32
        %dma_start3A_249 = tpu.memref_slice %arg6[%add3A_242, %dma_start3A_248] : memref<40x64xi32, #tpu.memory_space<vmem>> -> memref<1x64xi32, #tpu.memory_space<vmem>>
        %dma_start3A_250 = tpu.memref_squeeze %dma_start3A_249 : memref<1x64xi32, #tpu.memory_space<vmem>> -> memref<64xi32, #tpu.memory_space<vmem>>
        %dma_start3A_251 = arith.constant 0 : i32
        %dma_start3A_252 = arith.constant 0 : i32
        %dma_start3A_253 = tpu.memref_slice %arg8[%dma_start3A_251, %dma_start3A_252] : memref<10240x128xf32, #tpu.memory_space<vmem_shared>> -> memref<10240x128xf32, #tpu.memory_space<vmem_shared>>
        tpu.enqueue_indirect_dma source(%dma_start3A_247 : memref<64x128xf32, #tpu.memory_space<vmem>>) target(%dma_start3A_253 : memref<10240x128xf32, #tpu.memory_space<vmem_shared>>) offsets(%dma_start3A_250 : memref<64xi32, #tpu.memory_space<vmem>>) semaphore(%arg15 : memref<!tpu.dma_semaphore, #tpu.memory_space<semaphore_mem>>) {add = true}
        %add3A_254 = arith.constant 3 : i32
        %add3A_255 = arith.addi %add3A_175, %add3A_254 : i32
        %dma_wait3A_256 = arith.constant 3 : i32
        %dma_wait3A_257 = arith.constant 0 : i32
        %dma_wait3A_258 = arith.constant 0 : i32
        %dma_wait3A_259 = tpu.memref_slice %arg7[%dma_wait3A_256, %dma_wait3A_257, %dma_wait3A_258] : memref<4x64x128xf32, #tpu.memory_space<vmem>> -> memref<1x64x128xf32, #tpu.memory_space<vmem>>
        %dma_wait3A_260 = tpu.memref_squeeze %dma_wait3A_259 : memref<1x64x128xf32, #tpu.memory_space<vmem>> -> memref<64x128xf32, #tpu.memory_space<vmem>>
        %dma_wait3A_261 = arith.constant 0 : i32
        %dma_wait3A_262 = tpu.memref_slice %arg5[%add3A_255, %dma_wait3A_261] : memref<40x64xi32, #tpu.memory_space<vmem>> -> memref<1x64xi32, #tpu.memory_space<vmem>>
        %dma_wait3A_263 = tpu.memref_squeeze %dma_wait3A_262 : memref<1x64xi32, #tpu.memory_space<vmem>> -> memref<64xi32, #tpu.memory_space<vmem>>
        %dma_wait3A_264 = arith.constant 0 : i32
        %dma_wait3A_265 = arith.constant 0 : i32
        %dma_wait3A_266 = tpu.memref_slice %arg2[%dma_wait3A_264, %dma_wait3A_265] : memref<10000x128xf32, #tpu.memory_space<hbm>> -> memref<10000x128xf32, #tpu.memory_space<hbm>>
        tpu.wait_indirect_dma semaphore(%arg12 : memref<!tpu.dma_semaphore, #tpu.memory_space<semaphore_mem>>) src(%dma_wait3A_266 : memref<10000x128xf32, #tpu.memory_space<hbm>>) dst(%dma_wait3A_260 : memref<64x128xf32, #tpu.memory_space<vmem>>)
        %add3A_267 = arith.constant 3 : i32
        %add3A_268 = arith.addi %add3A_175, %add3A_267 : i32
        %dma_start3A_269 = arith.constant 3 : i32
        %dma_start3A_270 = arith.constant 0 : i32
        %dma_start3A_271 = arith.constant 0 : i32
        %dma_start3A_272 = tpu.memref_slice %arg7[%dma_start3A_269, %dma_start3A_270, %dma_start3A_271] : memref<4x64x128xf32, #tpu.memory_space<vmem>> -> memref<1x64x128xf32, #tpu.memory_space<vmem>>
        %dma_start3A_273 = tpu.memref_squeeze %dma_start3A_272 : memref<1x64x128xf32, #tpu.memory_space<vmem>> -> memref<64x128xf32, #tpu.memory_space<vmem>>
        %dma_start3A_274 = arith.constant 0 : i32
        %dma_start3A_275 = tpu.memref_slice %arg6[%add3A_268, %dma_start3A_274] : memref<40x64xi32, #tpu.memory_space<vmem>> -> memref<1x64xi32, #tpu.memory_space<vmem>>
        %dma_start3A_276 = tpu.memref_squeeze %dma_start3A_275 : memref<1x64xi32, #tpu.memory_space<vmem>> -> memref<64xi32, #tpu.memory_space<vmem>>
        %dma_start3A_277 = arith.constant 0 : i32
        %dma_start3A_278 = arith.constant 0 : i32
        %dma_start3A_279 = tpu.memref_slice %arg8[%dma_start3A_277, %dma_start3A_278] : memref<10240x128xf32, #tpu.memory_space<vmem_shared>> -> memref<10240x128xf32, #tpu.memory_space<vmem_shared>>
        tpu.enqueue_indirect_dma source(%dma_start3A_273 : memref<64x128xf32, #tpu.memory_space<vmem>>) target(%dma_start3A_279 : memref<10240x128xf32, #tpu.memory_space<vmem_shared>>) offsets(%dma_start3A_276 : memref<64xi32, #tpu.memory_space<vmem>>) semaphore(%arg16 : memref<!tpu.dma_semaphore, #tpu.memory_space<semaphore_mem>>) {add = true}
        %add3A_280 = arith.constant 4 : i32
        %add3A_281 = arith.addi %add3A_175, %add3A_280 : i32
        %add3A_282 = arith.constant 0 : i32
        %add3A_283 = arith.addi %add3A_281, %add3A_282 : i32
        %lt3A_284 = arith.constant 40 : i32
        %lt3A_285 = arith.cmpi slt, %add3A_283, %lt3A_284 : i32
        %convert_element_type3A_286 = arith.extui %lt3A_285 : i1 to i32
        %cond3A_287 = arith.constant 0 : i32
        %cond3A_288 = arith.cmpi ne, %convert_element_type3A_286, %cond3A_287 : i32
        scf.if %cond3A_288 {
          %add3A_316 = arith.constant 0 : i32
          %add3A_317 = arith.addi %add3A_175, %add3A_316 : i32
          %dma_wait3A_318 = arith.constant 0 : i32
          %dma_wait3A_319 = arith.constant 0 : i32
          %dma_wait3A_320 = arith.constant 0 : i32
          %dma_wait3A_321 = tpu.memref_slice %arg7[%dma_wait3A_318, %dma_wait3A_319, %dma_wait3A_320] : memref<4x64x128xf32, #tpu.memory_space<vmem>> -> memref<1x64x128xf32, #tpu.memory_space<vmem>>
          %dma_wait3A_322 = tpu.memref_squeeze %dma_wait3A_321 : memref<1x64x128xf32, #tpu.memory_space<vmem>> -> memref<64x128xf32, #tpu.memory_space<vmem>>
          %dma_wait3A_323 = arith.constant 0 : i32
          %dma_wait3A_324 = tpu.memref_slice %arg6[%add3A_317, %dma_wait3A_323] : memref<40x64xi32, #tpu.memory_space<vmem>> -> memref<1x64xi32, #tpu.memory_space<vmem>>
          %dma_wait3A_325 = tpu.memref_squeeze %dma_wait3A_324 : memref<1x64xi32, #tpu.memory_space<vmem>> -> memref<64xi32, #tpu.memory_space<vmem>>
          %dma_wait3A_326 = arith.constant 0 : i32
          %dma_wait3A_327 = arith.constant 0 : i32
          %dma_wait3A_328 = tpu.memref_slice %arg8[%dma_wait3A_326, %dma_wait3A_327] : memref<10240x128xf32, #tpu.memory_space<vmem_shared>> -> memref<10240x128xf32, #tpu.memory_space<vmem_shared>>
          tpu.wait_indirect_dma semaphore(%arg13 : memref<!tpu.dma_semaphore, #tpu.memory_space<semaphore_mem>>) src(%dma_wait3A_322 : memref<64x128xf32, #tpu.memory_space<vmem>>) dst(%dma_wait3A_328 : memref<10240x128xf32, #tpu.memory_space<vmem_shared>>)
          %add3A_329 = arith.constant 4 : i32
          %add3A_330 = arith.addi %add3A_175, %add3A_329 : i32
          %add3A_331 = arith.constant 0 : i32
          %add3A_332 = arith.addi %add3A_330, %add3A_331 : i32
          %dma_start3A_333 = arith.constant 0 : i32
          %dma_start3A_334 = arith.constant 0 : i32
          %dma_start3A_335 = arith.constant 0 : i32
          %dma_start3A_336 = tpu.memref_slice %arg7[%dma_start3A_333, %dma_start3A_334, %dma_start3A_335] : memref<4x64x128xf32, #tpu.memory_space<vmem>> -> memref<1x64x128xf32, #tpu.memory_space<vmem>>
          %dma_start3A_337 = tpu.memref_squeeze %dma_start3A_336 : memref<1x64x128xf32, #tpu.memory_space<vmem>> -> memref<64x128xf32, #tpu.memory_space<vmem>>
          %dma_start3A_338 = arith.constant 0 : i32
          %dma_start3A_339 = tpu.memref_slice %arg5[%add3A_332, %dma_start3A_338] : memref<40x64xi32, #tpu.memory_space<vmem>> -> memref<1x64xi32, #tpu.memory_space<vmem>>
          %dma_start3A_340 = tpu.memref_squeeze %dma_start3A_339 : memref<1x64xi32, #tpu.memory_space<vmem>> -> memref<64xi32, #tpu.memory_space<vmem>>
          %dma_start3A_341 = arith.constant 0 : i32
          %dma_start3A_342 = arith.constant 0 : i32
          %dma_start3A_343 = tpu.memref_slice %arg2[%dma_start3A_341, %dma_start3A_342] : memref<10000x128xf32, #tpu.memory_space<hbm>> -> memref<10000x128xf32, #tpu.memory_space<hbm>>
          tpu.enqueue_indirect_dma source(%dma_start3A_343 : memref<10000x128xf32, #tpu.memory_space<hbm>>) target(%dma_start3A_337 : memref<64x128xf32, #tpu.memory_space<vmem>>) offsets(%dma_start3A_340 : memref<64xi32, #tpu.memory_space<vmem>>) semaphore(%arg9 : memref<!tpu.dma_semaphore, #tpu.memory_space<semaphore_mem>>)
        } else {
        }
        %add3A_289 = arith.constant 4 : i32
        %add3A_290 = arith.addi %add3A_175, %add3A_289 : i32
        %add3A_291 = arith.constant 1 : i32
        %add3A_292 = arith.addi %add3A_290, %add3A_291 : i32
        %lt3A_293 = arith.constant 40 : i32
        %lt3A_294 = arith.cmpi slt, %add3A_292, %lt3A_293 : i32
        %convert_element_type3A_295 = arith.extui %lt3A_294 : i1 to i32
        %cond3A_296 = arith.constant 0 : i32
        %cond3A_297 = arith.cmpi ne, %convert_element_type3A_295, %cond3A_296 : i32
        scf.if %cond3A_297 {
          %add3A_316 = arith.constant 1 : i32
          %add3A_317 = arith.addi %add3A_175, %add3A_316 : i32
          %dma_wait3A_318 = arith.constant 1 : i32
          %dma_wait3A_319 = arith.constant 0 : i32
          %dma_wait3A_320 = arith.constant 0 : i32
          %dma_wait3A_321 = tpu.memref_slice %arg7[%dma_wait3A_318, %dma_wait3A_319, %dma_wait3A_320] : memref<4x64x128xf32, #tpu.memory_space<vmem>> -> memref<1x64x128xf32, #tpu.memory_space<vmem>>
          %dma_wait3A_322 = tpu.memref_squeeze %dma_wait3A_321 : memref<1x64x128xf32, #tpu.memory_space<vmem>> -> memref<64x128xf32, #tpu.memory_space<vmem>>
          %dma_wait3A_323 = arith.constant 0 : i32
          %dma_wait3A_324 = tpu.memref_slice %arg6[%add3A_317, %dma_wait3A_323] : memref<40x64xi32, #tpu.memory_space<vmem>> -> memref<1x64xi32, #tpu.memory_space<vmem>>
          %dma_wait3A_325 = tpu.memref_squeeze %dma_wait3A_324 : memref<1x64xi32, #tpu.memory_space<vmem>> -> memref<64xi32, #tpu.memory_space<vmem>>
          %dma_wait3A_326 = arith.constant 0 : i32
          %dma_wait3A_327 = arith.constant 0 : i32
          %dma_wait3A_328 = tpu.memref_slice %arg8[%dma_wait3A_326, %dma_wait3A_327] : memref<10240x128xf32, #tpu.memory_space<vmem_shared>> -> memref<10240x128xf32, #tpu.memory_space<vmem_shared>>
          tpu.wait_indirect_dma semaphore(%arg14 : memref<!tpu.dma_semaphore, #tpu.memory_space<semaphore_mem>>) src(%dma_wait3A_322 : memref<64x128xf32, #tpu.memory_space<vmem>>) dst(%dma_wait3A_328 : memref<10240x128xf32, #tpu.memory_space<vmem_shared>>)
          %add3A_329 = arith.constant 4 : i32
          %add3A_330 = arith.addi %add3A_175, %add3A_329 : i32
          %add3A_331 = arith.constant 1 : i32
          %add3A_332 = arith.addi %add3A_330, %add3A_331 : i32
          %dma_start3A_333 = arith.constant 1 : i32
          %dma_start3A_334 = arith.constant 0 : i32
          %dma_start3A_335 = arith.constant 0 : i32
          %dma_start3A_336 = tpu.memref_slice %arg7[%dma_start3A_333, %dma_start3A_334, %dma_start3A_335] : memref<4x64x128xf32, #tpu.memory_space<vmem>> -> memref<1x64x128xf32, #tpu.memory_space<vmem>>
          %dma_start3A_337 = tpu.memref_squeeze %dma_start3A_336 : memref<1x64x128xf32, #tpu.memory_space<vmem>> -> memref<64x128xf32, #tpu.memory_space<vmem>>
          %dma_start3A_338 = arith.constant 0 : i32
          %dma_start3A_339 = tpu.memref_slice %arg5[%add3A_332, %dma_start3A_338] : memref<40x64xi32, #tpu.memory_space<vmem>> -> memref<1x64xi32, #tpu.memory_space<vmem>>
          %dma_start3A_340 = tpu.memref_squeeze %dma_start3A_339 : memref<1x64xi32, #tpu.memory_space<vmem>> -> memref<64xi32, #tpu.memory_space<vmem>>
          %dma_start3A_341 = arith.constant 0 : i32
          %dma_start3A_342 = arith.constant 0 : i32
          %dma_start3A_343 = tpu.memref_slice %arg2[%dma_start3A_341, %dma_start3A_342] : memref<10000x128xf32, #tpu.memory_space<hbm>> -> memref<10000x128xf32, #tpu.memory_space<hbm>>
          tpu.enqueue_indirect_dma source(%dma_start3A_343 : memref<10000x128xf32, #tpu.memory_space<hbm>>) target(%dma_start3A_337 : memref<64x128xf32, #tpu.memory_space<vmem>>) offsets(%dma_start3A_340 : memref<64xi32, #tpu.memory_space<vmem>>) semaphore(%arg10 : memref<!tpu.dma_semaphore, #tpu.memory_space<semaphore_mem>>)
        } else {
        }
        %add3A_298 = arith.constant 4 : i32
        %add3A_299 = arith.addi %add3A_175, %add3A_298 : i32
        %add3A_300 = arith.constant 2 : i32
        %add3A_301 = arith.addi %add3A_299, %add3A_300 : i32
        %lt3A_302 = arith.constant 40 : i32
        %lt3A_303 = arith.cmpi slt, %add3A_301, %lt3A_302 : i32
        %convert_element_type3A_304 = arith.extui %lt3A_303 : i1 to i32
        %cond3A_305 = arith.constant 0 : i32
        %cond3A_306 = arith.cmpi ne, %convert_element_type3A_304, %cond3A_305 : i32
        scf.if %cond3A_306 {
          %add3A_316 = arith.constant 2 : i32
          %add3A_317 = arith.addi %add3A_175, %add3A_316 : i32
          %dma_wait3A_318 = arith.constant 2 : i32
          %dma_wait3A_319 = arith.constant 0 : i32
          %dma_wait3A_320 = arith.constant 0 : i32
          %dma_wait3A_321 = tpu.memref_slice %arg7[%dma_wait3A_318, %dma_wait3A_319, %dma_wait3A_320] : memref<4x64x128xf32, #tpu.memory_space<vmem>> -> memref<1x64x128xf32, #tpu.memory_space<vmem>>
          %dma_wait3A_322 = tpu.memref_squeeze %dma_wait3A_321 : memref<1x64x128xf32, #tpu.memory_space<vmem>> -> memref<64x128xf32, #tpu.memory_space<vmem>>
          %dma_wait3A_323 = arith.constant 0 : i32
          %dma_wait3A_324 = tpu.memref_slice %arg6[%add3A_317, %dma_wait3A_323] : memref<40x64xi32, #tpu.memory_space<vmem>> -> memref<1x64xi32, #tpu.memory_space<vmem>>
          %dma_wait3A_325 = tpu.memref_squeeze %dma_wait3A_324 : memref<1x64xi32, #tpu.memory_space<vmem>> -> memref<64xi32, #tpu.memory_space<vmem>>
          %dma_wait3A_326 = arith.constant 0 : i32
          %dma_wait3A_327 = arith.constant 0 : i32
          %dma_wait3A_328 = tpu.memref_slice %arg8[%dma_wait3A_326, %dma_wait3A_327] : memref<10240x128xf32, #tpu.memory_space<vmem_shared>> -> memref<10240x128xf32, #tpu.memory_space<vmem_shared>>
          tpu.wait_indirect_dma semaphore(%arg15 : memref<!tpu.dma_semaphore, #tpu.memory_space<semaphore_mem>>) src(%dma_wait3A_322 : memref<64x128xf32, #tpu.memory_space<vmem>>) dst(%dma_wait3A_328 : memref<10240x128xf32, #tpu.memory_space<vmem_shared>>)
          %add3A_329 = arith.constant 4 : i32
          %add3A_330 = arith.addi %add3A_175, %add3A_329 : i32
          %add3A_331 = arith.constant 2 : i32
          %add3A_332 = arith.addi %add3A_330, %add3A_331 : i32
          %dma_start3A_333 = arith.constant 2 : i32
          %dma_start3A_334 = arith.constant 0 : i32
          %dma_start3A_335 = arith.constant 0 : i32
          %dma_start3A_336 = tpu.memref_slice %arg7[%dma_start3A_333, %dma_start3A_334, %dma_start3A_335] : memref<4x64x128xf32, #tpu.memory_space<vmem>> -> memref<1x64x128xf32, #tpu.memory_space<vmem>>
          %dma_start3A_337 = tpu.memref_squeeze %dma_start3A_336 : memref<1x64x128xf32, #tpu.memory_space<vmem>> -> memref<64x128xf32, #tpu.memory_space<vmem>>
          %dma_start3A_338 = arith.constant 0 : i32
          %dma_start3A_339 = tpu.memref_slice %arg5[%add3A_332, %dma_start3A_338] : memref<40x64xi32, #tpu.memory_space<vmem>> -> memref<1x64xi32, #tpu.memory_space<vmem>>
          %dma_start3A_340 = tpu.memref_squeeze %dma_start3A_339 : memref<1x64xi32, #tpu.memory_space<vmem>> -> memref<64xi32, #tpu.memory_space<vmem>>
          %dma_start3A_341 = arith.constant 0 : i32
          %dma_start3A_342 = arith.constant 0 : i32
          %dma_start3A_343 = tpu.memref_slice %arg2[%dma_start3A_341, %dma_start3A_342] : memref<10000x128xf32, #tpu.memory_space<hbm>> -> memref<10000x128xf32, #tpu.memory_space<hbm>>
          tpu.enqueue_indirect_dma source(%dma_start3A_343 : memref<10000x128xf32, #tpu.memory_space<hbm>>) target(%dma_start3A_337 : memref<64x128xf32, #tpu.memory_space<vmem>>) offsets(%dma_start3A_340 : memref<64xi32, #tpu.memory_space<vmem>>) semaphore(%arg11 : memref<!tpu.dma_semaphore, #tpu.memory_space<semaphore_mem>>)
        } else {
        }
        %add3A_307 = arith.constant 4 : i32
        %add3A_308 = arith.addi %add3A_175, %add3A_307 : i32
        %add3A_309 = arith.constant 3 : i32
        %add3A_310 = arith.addi %add3A_308, %add3A_309 : i32
        %lt3A_311 = arith.constant 40 : i32
        %lt3A_312 = arith.cmpi slt, %add3A_310, %lt3A_311 : i32
        %convert_element_type3A_313 = arith.extui %lt3A_312 : i1 to i32
        %cond3A_314 = arith.constant 0 : i32
        %cond3A_315 = arith.cmpi ne, %convert_element_type3A_313, %cond3A_314 : i32
        scf.if %cond3A_315 {
          %add3A_316 = arith.constant 3 : i32
          %add3A_317 = arith.addi %add3A_175, %add3A_316 : i32
          %dma_wait3A_318 = arith.constant 3 : i32
          %dma_wait3A_319 = arith.constant 0 : i32
          %dma_wait3A_320 = arith.constant 0 : i32
          %dma_wait3A_321 = tpu.memref_slice %arg7[%dma_wait3A_318, %dma_wait3A_319, %dma_wait3A_320] : memref<4x64x128xf32, #tpu.memory_space<vmem>> -> memref<1x64x128xf32, #tpu.memory_space<vmem>>
          %dma_wait3A_322 = tpu.memref_squeeze %dma_wait3A_321 : memref<1x64x128xf32, #tpu.memory_space<vmem>> -> memref<64x128xf32, #tpu.memory_space<vmem>>
          %dma_wait3A_323 = arith.constant 0 : i32
          %dma_wait3A_324 = tpu.memref_slice %arg6[%add3A_317, %dma_wait3A_323] : memref<40x64xi32, #tpu.memory_space<vmem>> -> memref<1x64xi32, #tpu.memory_space<vmem>>
          %dma_wait3A_325 = tpu.memref_squeeze %dma_wait3A_324 : memref<1x64xi32, #tpu.memory_space<vmem>> -> memref<64xi32, #tpu.memory_space<vmem>>
          %dma_wait3A_326 = arith.constant 0 : i32
          %dma_wait3A_327 = arith.constant 0 : i32
          %dma_wait3A_328 = tpu.memref_slice %arg8[%dma_wait3A_326, %dma_wait3A_327] : memref<10240x128xf32, #tpu.memory_space<vmem_shared>> -> memref<10240x128xf32, #tpu.memory_space<vmem_shared>>
          tpu.wait_indirect_dma semaphore(%arg16 : memref<!tpu.dma_semaphore, #tpu.memory_space<semaphore_mem>>) src(%dma_wait3A_322 : memref<64x128xf32, #tpu.memory_space<vmem>>) dst(%dma_wait3A_328 : memref<10240x128xf32, #tpu.memory_space<vmem_shared>>)
          %add3A_329 = arith.constant 4 : i32
          %add3A_330 = arith.addi %add3A_175, %add3A_329 : i32
          %add3A_331 = arith.constant 3 : i32
          %add3A_332 = arith.addi %add3A_330, %add3A_331 : i32
          %dma_start3A_333 = arith.constant 3 : i32
          %dma_start3A_334 = arith.constant 0 : i32
          %dma_start3A_335 = arith.constant 0 : i32
          %dma_start3A_336 = tpu.memref_slice %arg7[%dma_start3A_333, %dma_start3A_334, %dma_start3A_335] : memref<4x64x128xf32, #tpu.memory_space<vmem>> -> memref<1x64x128xf32, #tpu.memory_space<vmem>>
          %dma_start3A_337 = tpu.memref_squeeze %dma_start3A_336 : memref<1x64x128xf32, #tpu.memory_space<vmem>> -> memref<64x128xf32, #tpu.memory_space<vmem>>
          %dma_start3A_338 = arith.constant 0 : i32
          %dma_start3A_339 = tpu.memref_slice %arg5[%add3A_332, %dma_start3A_338] : memref<40x64xi32, #tpu.memory_space<vmem>> -> memref<1x64xi32, #tpu.memory_space<vmem>>
          %dma_start3A_340 = tpu.memref_squeeze %dma_start3A_339 : memref<1x64xi32, #tpu.memory_space<vmem>> -> memref<64xi32, #tpu.memory_space<vmem>>
          %dma_start3A_341 = arith.constant 0 : i32
          %dma_start3A_342 = arith.constant 0 : i32
          %dma_start3A_343 = tpu.memref_slice %arg2[%dma_start3A_341, %dma_start3A_342] : memref<10000x128xf32, #tpu.memory_space<hbm>> -> memref<10000x128xf32, #tpu.memory_space<hbm>>
          tpu.enqueue_indirect_dma source(%dma_start3A_343 : memref<10000x128xf32, #tpu.memory_space<hbm>>) target(%dma_start3A_337 : memref<64x128xf32, #tpu.memory_space<vmem>>) offsets(%dma_start3A_340 : memref<64xi32, #tpu.memory_space<vmem>>) semaphore(%arg12 : memref<!tpu.dma_semaphore, #tpu.memory_space<semaphore_mem>>)
        } else {
        }
      }
      %scan3A_122 = arith.constant 10 : i32
      %dma_wait3A_123 = arith.constant 0 : i32
      %dma_wait3A_124 = arith.constant 36 : i32
      %dma_wait3A_125 = arith.constant 0 : i32
      %dma_wait3A_126 = arith.constant 0 : i32
      %dma_wait3A_127 = tpu.memref_slice %arg7[%dma_wait3A_123, %dma_wait3A_125, %dma_wait3A_126] : memref<4x64x128xf32, #tpu.memory_space<vmem>> -> memref<1x64x128xf32, #tpu.memory_space<vmem>>
      %dma_wait3A_128 = tpu.memref_squeeze %dma_wait3A_127 : memref<1x64x128xf32, #tpu.memory_space<vmem>> -> memref<64x128xf32, #tpu.memory_space<vmem>>
      %dma_wait3A_129 = arith.constant 0 : i32
      %dma_wait3A_130 = tpu.memref_slice %arg6[%dma_wait3A_124, %dma_wait3A_129] : memref<40x64xi32, #tpu.memory_space<vmem>> -> memref<1x64xi32, #tpu.memory_space<vmem>>
      %dma_wait3A_131 = tpu.memref_squeeze %dma_wait3A_130 : memref<1x64xi32, #tpu.memory_space<vmem>> -> memref<64xi32, #tpu.memory_space<vmem>>
      %dma_wait3A_132 = arith.constant 0 : i32
      %dma_wait3A_133 = arith.constant 0 : i32
      %dma_wait3A_134 = tpu.memref_slice %arg8[%dma_wait3A_132, %dma_wait3A_133] : memref<10240x128xf32, #tpu.memory_space<vmem_shared>> -> memref<10240x128xf32, #tpu.memory_space<vmem_shared>>
      tpu.wait_indirect_dma semaphore(%arg13 : memref<!tpu.dma_semaphore, #tpu.memory_space<semaphore_mem>>) src(%dma_wait3A_128 : memref<64x128xf32, #tpu.memory_space<vmem>>) dst(%dma_wait3A_134 : memref<10240x128xf32, #tpu.memory_space<vmem_shared>>)
      %dma_wait3A_135 = arith.constant 1 : i32
      %dma_wait3A_136 = arith.constant 37 : i32
      %dma_wait3A_137 = arith.constant 0 : i32
      %dma_wait3A_138 = arith.constant 0 : i32
      %dma_wait3A_139 = tpu.memref_slice %arg7[%dma_wait3A_135, %dma_wait3A_137, %dma_wait3A_138] : memref<4x64x128xf32, #tpu.memory_space<vmem>> -> memref<1x64x128xf32, #tpu.memory_space<vmem>>
      %dma_wait3A_140 = tpu.memref_squeeze %dma_wait3A_139 : memref<1x64x128xf32, #tpu.memory_space<vmem>> -> memref<64x128xf32, #tpu.memory_space<vmem>>
      %dma_wait3A_141 = arith.constant 0 : i32
      %dma_wait3A_142 = tpu.memref_slice %arg6[%dma_wait3A_136, %dma_wait3A_141] : memref<40x64xi32, #tpu.memory_space<vmem>> -> memref<1x64xi32, #tpu.memory_space<vmem>>
      %dma_wait3A_143 = tpu.memref_squeeze %dma_wait3A_142 : memref<1x64xi32, #tpu.memory_space<vmem>> -> memref<64xi32, #tpu.memory_space<vmem>>
      %dma_wait3A_144 = arith.constant 0 : i32
      %dma_wait3A_145 = arith.constant 0 : i32
      %dma_wait3A_146 = tpu.memref_slice %arg8[%dma_wait3A_144, %dma_wait3A_145] : memref<10240x128xf32, #tpu.memory_space<vmem_shared>> -> memref<10240x128xf32, #tpu.memory_space<vmem_shared>>
      tpu.wait_indirect_dma semaphore(%arg14 : memref<!tpu.dma_semaphore, #tpu.memory_space<semaphore_mem>>) src(%dma_wait3A_140 : memref<64x128xf32, #tpu.memory_space<vmem>>) dst(%dma_wait3A_146 : memref<10240x128xf32, #tpu.memory_space<vmem_shared>>)
      %dma_wait3A_147 = arith.constant 2 : i32
      %dma_wait3A_148 = arith.constant 38 : i32
      %dma_wait3A_149 = arith.constant 0 : i32
      %dma_wait3A_150 = arith.constant 0 : i32
      %dma_wait3A_151 = tpu.memref_slice %arg7[%dma_wait3A_147, %dma_wait3A_149, %dma_wait3A_150] : memref<4x64x128xf32, #tpu.memory_space<vmem>> -> memref<1x64x128xf32, #tpu.memory_space<vmem>>
      %dma_wait3A_152 = tpu.memref_squeeze %dma_wait3A_151 : memref<1x64x128xf32, #tpu.memory_space<vmem>> -> memref<64x128xf32, #tpu.memory_space<vmem>>
      %dma_wait3A_153 = arith.constant 0 : i32
      %dma_wait3A_154 = tpu.memref_slice %arg6[%dma_wait3A_148, %dma_wait3A_153] : memref<40x64xi32, #tpu.memory_space<vmem>> -> memref<1x64xi32, #tpu.memory_space<vmem>>
      %dma_wait3A_155 = tpu.memref_squeeze %dma_wait3A_154 : memref<1x64xi32, #tpu.memory_space<vmem>> -> memref<64xi32, #tpu.memory_space<vmem>>
      %dma_wait3A_156 = arith.constant 0 : i32
      %dma_wait3A_157 = arith.constant 0 : i32
      %dma_wait3A_158 = tpu.memref_slice %arg8[%dma_wait3A_156, %dma_wait3A_157] : memref<10240x128xf32, #tpu.memory_space<vmem_shared>> -> memref<10240x128xf32, #tpu.memory_space<vmem_shared>>
      tpu.wait_indirect_dma semaphore(%arg15 : memref<!tpu.dma_semaphore, #tpu.memory_space<semaphore_mem>>) src(%dma_wait3A_152 : memref<64x128xf32, #tpu.memory_space<vmem>>) dst(%dma_wait3A_158 : memref<10240x128xf32, #tpu.memory_space<vmem_shared>>)
      %dma_wait3A_159 = arith.constant 3 : i32
      %dma_wait3A_160 = arith.constant 39 : i32
      %dma_wait3A_161 = arith.constant 0 : i32
      %dma_wait3A_162 = arith.constant 0 : i32
      %dma_wait3A_163 = tpu.memref_slice %arg7[%dma_wait3A_159, %dma_wait3A_161, %dma_wait3A_162] : memref<4x64x128xf32, #tpu.memory_space<vmem>> -> memref<1x64x128xf32, #tpu.memory_space<vmem>>
      %dma_wait3A_164 = tpu.memref_squeeze %dma_wait3A_163 : memref<1x64x128xf32, #tpu.memory_space<vmem>> -> memref<64x128xf32, #tpu.memory_space<vmem>>
      %dma_wait3A_165 = arith.constant 0 : i32
      %dma_wait3A_166 = tpu.memref_slice %arg6[%dma_wait3A_160, %dma_wait3A_165] : memref<40x64xi32, #tpu.memory_space<vmem>> -> memref<1x64xi32, #tpu.memory_space<vmem>>
      %dma_wait3A_167 = tpu.memref_squeeze %dma_wait3A_166 : memref<1x64xi32, #tpu.memory_space<vmem>> -> memref<64xi32, #tpu.memory_space<vmem>>
      %dma_wait3A_168 = arith.constant 0 : i32
      %dma_wait3A_169 = arith.constant 0 : i32
      %dma_wait3A_170 = tpu.memref_slice %arg8[%dma_wait3A_168, %dma_wait3A_169] : memref<10240x128xf32, #tpu.memory_space<vmem_shared>> -> memref<10240x128xf32, #tpu.memory_space<vmem_shared>>
      tpu.wait_indirect_dma semaphore(%arg16 : memref<!tpu.dma_semaphore, #tpu.memory_space<semaphore_mem>>) src(%dma_wait3A_164 : memref<64x128xf32, #tpu.memory_space<vmem>>) dst(%dma_wait3A_170 : memref<10240x128xf32, #tpu.memory_space<vmem_shared>>)
    } else {
    }
    %add3A_28 = arith.constant 96 : i32
    %add3A_29 = arith.addi %add3A_28, %add3A : i32
    %lt3A_30 = arith.constant 125 : i32
    %lt3A_31 = arith.cmpi slt, %add3A_29, %lt3A_30 : i32
    %convert_element_type3A_32 = arith.extui %lt3A_31 : i1 to i32
    %cond3A_33 = arith.constant 0 : i32
    %cond3A_34 = arith.cmpi ne, %convert_element_type3A_32, %cond3A_33 : i32
    scf.if %cond3A_34 {
      %add3A_40 = arith.constant 96 : i32
      %add3A_41 = arith.addi %add3A_40, %add3A : i32
      %mul3A_42 = arith.constant 40 : i32
      %mul3A_43 = arith.muli %add3A_41, %mul3A_42 : i32
      %dma_start3A = arith.constant 0 : i32
      %dma_start3A_44 = arith.constant 0 : i32
      %dma_start3A_45 = tpu.memref_slice %arg3[%dma_start3A, %mul3A_43, %dma_start3A_44] : memref<2x5000x64xi32, #tpu.memory_space<hbm>> -> memref<1x40x64xi32, #tpu.memory_space<hbm>>
      %dma_start3A_46 = tpu.memref_squeeze %dma_start3A_45 : memref<1x40x64xi32, #tpu.memory_space<hbm>> -> memref<40x64xi32, #tpu.memory_space<hbm>>
      %dma_start3A_47 = arith.constant 0 : i32
      %dma_start3A_48 = tpu.memref_slice %arg3[%dma_start3A, %mul3A_43, %dma_start3A_47] : memref<2x5000x64xi32, #tpu.memory_space<hbm>> -> memref<1x40x64xi32, #tpu.memory_space<hbm>>
      %dma_start3A_49 = tpu.memref_squeeze %dma_start3A_48 : memref<1x40x64xi32, #tpu.memory_space<hbm>> -> memref<40x64xi32, #tpu.memory_space<hbm>>
      tpu.enqueue_dma source(%dma_start3A_49 : memref<40x64xi32, #tpu.memory_space<hbm>>) target(%arg5 : memref<40x64xi32, #tpu.memory_space<vmem>>) target_semaphore(%arg9 : memref<!tpu.dma_semaphore, #tpu.memory_space<semaphore_mem>>)
      %dma_start3A_50 = arith.constant 1 : i32
      %dma_start3A_51 = arith.constant 0 : i32
      %dma_start3A_52 = tpu.memref_slice %arg3[%dma_start3A_50, %mul3A_43, %dma_start3A_51] : memref<2x5000x64xi32, #tpu.memory_space<hbm>> -> memref<1x40x64xi32, #tpu.memory_space<hbm>>
      %dma_start3A_53 = tpu.memref_squeeze %dma_start3A_52 : memref<1x40x64xi32, #tpu.memory_space<hbm>> -> memref<40x64xi32, #tpu.memory_space<hbm>>
      %dma_start3A_54 = arith.constant 0 : i32
      %dma_start3A_55 = tpu.memref_slice %arg3[%dma_start3A_50, %mul3A_43, %dma_start3A_54] : memref<2x5000x64xi32, #tpu.memory_space<hbm>> -> memref<1x40x64xi32, #tpu.memory_space<hbm>>
      %dma_start3A_56 = tpu.memref_squeeze %dma_start3A_55 : memref<1x40x64xi32, #tpu.memory_space<hbm>> -> memref<40x64xi32, #tpu.memory_space<hbm>>
      tpu.enqueue_dma source(%dma_start3A_56 : memref<40x64xi32, #tpu.memory_space<hbm>>) target(%arg6 : memref<40x64xi32, #tpu.memory_space<vmem>>) target_semaphore(%arg10 : memref<!tpu.dma_semaphore, #tpu.memory_space<semaphore_mem>>)
      %dma_wait3A = arith.constant 0 : i32
      %dma_wait3A_57 = arith.constant 0 : i32
      %dma_wait3A_58 = tpu.memref_slice %arg3[%dma_wait3A, %mul3A_43, %dma_wait3A_57] : memref<2x5000x64xi32, #tpu.memory_space<hbm>> -> memref<1x40x64xi32, #tpu.memory_space<hbm>>
      %dma_wait3A_59 = tpu.memref_squeeze %dma_wait3A_58 : memref<1x40x64xi32, #tpu.memory_space<hbm>> -> memref<40x64xi32, #tpu.memory_space<hbm>>
      %dma_wait3A_60 = arith.constant 0 : i32
      %dma_wait3A_61 = tpu.memref_slice %arg3[%dma_wait3A, %mul3A_43, %dma_wait3A_60] : memref<2x5000x64xi32, #tpu.memory_space<hbm>> -> memref<1x40x64xi32, #tpu.memory_space<hbm>>
      %dma_wait3A_62 = tpu.memref_squeeze %dma_wait3A_61 : memref<1x40x64xi32, #tpu.memory_space<hbm>> -> memref<40x64xi32, #tpu.memory_space<hbm>>
      tpu.wait_dma2 semaphore(%arg9 : memref<!tpu.dma_semaphore, #tpu.memory_space<semaphore_mem>>) src(%dma_wait3A_62 : memref<40x64xi32, #tpu.memory_space<hbm>>) dst(%arg5 : memref<40x64xi32, #tpu.memory_space<vmem>>)
      %dma_wait3A_63 = arith.constant 1 : i32
      %dma_wait3A_64 = arith.constant 0 : i32
      %dma_wait3A_65 = tpu.memref_slice %arg3[%dma_wait3A_63, %mul3A_43, %dma_wait3A_64] : memref<2x5000x64xi32, #tpu.memory_space<hbm>> -> memref<1x40x64xi32, #tpu.memory_space<hbm>>
      %dma_wait3A_66 = tpu.memref_squeeze %dma_wait3A_65 : memref<1x40x64xi32, #tpu.memory_space<hbm>> -> memref<40x64xi32, #tpu.memory_space<hbm>>
      %dma_wait3A_67 = arith.constant 0 : i32
      %dma_wait3A_68 = tpu.memref_slice %arg3[%dma_wait3A_63, %mul3A_43, %dma_wait3A_67] : memref<2x5000x64xi32, #tpu.memory_space<hbm>> -> memref<1x40x64xi32, #tpu.memory_space<hbm>>
      %dma_wait3A_69 = tpu.memref_squeeze %dma_wait3A_68 : memref<1x40x64xi32, #tpu.memory_space<hbm>> -> memref<40x64xi32, #tpu.memory_space<hbm>>
      tpu.wait_dma2 semaphore(%arg10 : memref<!tpu.dma_semaphore, #tpu.memory_space<semaphore_mem>>) src(%dma_wait3A_69 : memref<40x64xi32, #tpu.memory_space<hbm>>) dst(%arg6 : memref<40x64xi32, #tpu.memory_space<vmem>>)
      %dma_start3A_70 = arith.constant 0 : i32
      %dma_start3A_71 = arith.constant 0 : i32
      %dma_start3A_72 = arith.constant 0 : i32
      %dma_start3A_73 = arith.constant 0 : i32
      %dma_start3A_74 = tpu.memref_slice %arg7[%dma_start3A_71, %dma_start3A_72, %dma_start3A_73] : memref<4x64x128xf32, #tpu.memory_space<vmem>> -> memref<1x64x128xf32, #tpu.memory_space<vmem>>
      %dma_start3A_75 = tpu.memref_squeeze %dma_start3A_74 : memref<1x64x128xf32, #tpu.memory_space<vmem>> -> memref<64x128xf32, #tpu.memory_space<vmem>>
      %dma_start3A_76 = arith.constant 0 : i32
      %dma_start3A_77 = tpu.memref_slice %arg5[%dma_start3A_70, %dma_start3A_76] : memref<40x64xi32, #tpu.memory_space<vmem>> -> memref<1x64xi32, #tpu.memory_space<vmem>>
      %dma_start3A_78 = tpu.memref_squeeze %dma_start3A_77 : memref<1x64xi32, #tpu.memory_space<vmem>> -> memref<64xi32, #tpu.memory_space<vmem>>
      %dma_start3A_79 = arith.constant 0 : i32
      %dma_start3A_80 = arith.constant 0 : i32
      %dma_start3A_81 = tpu.memref_slice %arg2[%dma_start3A_79, %dma_start3A_80] : memref<10000x128xf32, #tpu.memory_space<hbm>> -> memref<10000x128xf32, #tpu.memory_space<hbm>>
      tpu.enqueue_indirect_dma source(%dma_start3A_81 : memref<10000x128xf32, #tpu.memory_space<hbm>>) target(%dma_start3A_75 : memref<64x128xf32, #tpu.memory_space<vmem>>) offsets(%dma_start3A_78 : memref<64xi32, #tpu.memory_space<vmem>>) semaphore(%arg9 : memref<!tpu.dma_semaphore, #tpu.memory_space<semaphore_mem>>)
      %dma_start3A_82 = arith.constant 1 : i32
      %dma_start3A_83 = arith.constant 1 : i32
      %dma_start3A_84 = arith.constant 0 : i32
      %dma_start3A_85 = arith.constant 0 : i32
      %dma_start3A_86 = tpu.memref_slice %arg7[%dma_start3A_83, %dma_start3A_84, %dma_start3A_85] : memref<4x64x128xf32, #tpu.memory_space<vmem>> -> memref<1x64x128xf32, #tpu.memory_space<vmem>>
      %dma_start3A_87 = tpu.memref_squeeze %dma_start3A_86 : memref<1x64x128xf32, #tpu.memory_space<vmem>> -> memref<64x128xf32, #tpu.memory_space<vmem>>
      %dma_start3A_88 = arith.constant 0 : i32
      %dma_start3A_89 = tpu.memref_slice %arg5[%dma_start3A_82, %dma_start3A_88] : memref<40x64xi32, #tpu.memory_space<vmem>> -> memref<1x64xi32, #tpu.memory_space<vmem>>
      %dma_start3A_90 = tpu.memref_squeeze %dma_start3A_89 : memref<1x64xi32, #tpu.memory_space<vmem>> -> memref<64xi32, #tpu.memory_space<vmem>>
      %dma_start3A_91 = arith.constant 0 : i32
      %dma_start3A_92 = arith.constant 0 : i32
      %dma_start3A_93 = tpu.memref_slice %arg2[%dma_start3A_91, %dma_start3A_92] : memref<10000x128xf32, #tpu.memory_space<hbm>> -> memref<10000x128xf32, #tpu.memory_space<hbm>>
      tpu.enqueue_indirect_dma source(%dma_start3A_93 : memref<10000x128xf32, #tpu.memory_space<hbm>>) target(%dma_start3A_87 : memref<64x128xf32, #tpu.memory_space<vmem>>) offsets(%dma_start3A_90 : memref<64xi32, #tpu.memory_space<vmem>>) semaphore(%arg10 : memref<!tpu.dma_semaphore, #tpu.memory_space<semaphore_mem>>)
      %dma_start3A_94 = arith.constant 2 : i32
      %dma_start3A_95 = arith.constant 2 : i32
      %dma_start3A_96 = arith.constant 0 : i32
      %dma_start3A_97 = arith.constant 0 : i32
      %dma_start3A_98 = tpu.memref_slice %arg7[%dma_start3A_95, %dma_start3A_96, %dma_start3A_97] : memref<4x64x128xf32, #tpu.memory_space<vmem>> -> memref<1x64x128xf32, #tpu.memory_space<vmem>>
      %dma_start3A_99 = tpu.memref_squeeze %dma_start3A_98 : memref<1x64x128xf32, #tpu.memory_space<vmem>> -> memref<64x128xf32, #tpu.memory_space<vmem>>
      %dma_start3A_100 = arith.constant 0 : i32
      %dma_start3A_101 = tpu.memref_slice %arg5[%dma_start3A_94, %dma_start3A_100] : memref<40x64xi32, #tpu.memory_space<vmem>> -> memref<1x64xi32, #tpu.memory_space<vmem>>
      %dma_start3A_102 = tpu.memref_squeeze %dma_start3A_101 : memref<1x64xi32, #tpu.memory_space<vmem>> -> memref<64xi32, #tpu.memory_space<vmem>>
      %dma_start3A_103 = arith.constant 0 : i32
      %dma_start3A_104 = arith.constant 0 : i32
      %dma_start3A_105 = tpu.memref_slice %arg2[%dma_start3A_103, %dma_start3A_104] : memref<10000x128xf32, #tpu.memory_space<hbm>> -> memref<10000x128xf32, #tpu.memory_space<hbm>>
      tpu.enqueue_indirect_dma source(%dma_start3A_105 : memref<10000x128xf32, #tpu.memory_space<hbm>>) target(%dma_start3A_99 : memref<64x128xf32, #tpu.memory_space<vmem>>) offsets(%dma_start3A_102 : memref<64xi32, #tpu.memory_space<vmem>>) semaphore(%arg11 : memref<!tpu.dma_semaphore, #tpu.memory_space<semaphore_mem>>)
      %dma_start3A_106 = arith.constant 3 : i32
      %dma_start3A_107 = arith.constant 3 : i32
      %dma_start3A_108 = arith.constant 0 : i32
      %dma_start3A_109 = arith.constant 0 : i32
      %dma_start3A_110 = tpu.memref_slice %arg7[%dma_start3A_107, %dma_start3A_108, %dma_start3A_109] : memref<4x64x128xf32, #tpu.memory_space<vmem>> -> memref<1x64x128xf32, #tpu.memory_space<vmem>>
      %dma_start3A_111 = tpu.memref_squeeze %dma_start3A_110 : memref<1x64x128xf32, #tpu.memory_space<vmem>> -> memref<64x128xf32, #tpu.memory_space<vmem>>
      %dma_start3A_112 = arith.constant 0 : i32
      %dma_start3A_113 = tpu.memref_slice %arg5[%dma_start3A_106, %dma_start3A_112] : memref<40x64xi32, #tpu.memory_space<vmem>> -> memref<1x64xi32, #tpu.memory_space<vmem>>
      %dma_start3A_114 = tpu.memref_squeeze %dma_start3A_113 : memref<1x64xi32, #tpu.memory_space<vmem>> -> memref<64xi32, #tpu.memory_space<vmem>>
      %dma_start3A_115 = arith.constant 0 : i32
      %dma_start3A_116 = arith.constant 0 : i32
      %dma_start3A_117 = tpu.memref_slice %arg2[%dma_start3A_115, %dma_start3A_116] : memref<10000x128xf32, #tpu.memory_space<hbm>> -> memref<10000x128xf32, #tpu.memory_space<hbm>>
      tpu.enqueue_indirect_dma source(%dma_start3A_117 : memref<10000x128xf32, #tpu.memory_space<hbm>>) target(%dma_start3A_111 : memref<64x128xf32, #tpu.memory_space<vmem>>) offsets(%dma_start3A_114 : memref<64xi32, #tpu.memory_space<vmem>>) semaphore(%arg12 : memref<!tpu.dma_semaphore, #tpu.memory_space<semaphore_mem>>)
      %scan3A_118 = arith.constant 0 : i32
      %scan3A_119 = arith.constant 10 : i32
      %scan3A_120 = arith.addi %scan3A_118, %scan3A_119 : i32
      %scan3A_121 = arith.constant 1 : i32
      scf.for %scan3A_171 = %scan3A_118 to %scan3A_120 step %scan3A_121  : i32 {
        %mul3A_172 = arith.constant 4 : i32
        %mul3A_173 = arith.muli %scan3A_171, %mul3A_172 : i32
        %add3A_174 = arith.constant 0 : i32
        %add3A_175 = arith.addi %add3A_174, %mul3A_173 : i32
        %add3A_176 = arith.constant 0 : i32
        %add3A_177 = arith.addi %add3A_175, %add3A_176 : i32
        %dma_wait3A_178 = arith.constant 0 : i32
        %dma_wait3A_179 = arith.constant 0 : i32
        %dma_wait3A_180 = arith.constant 0 : i32
        %dma_wait3A_181 = tpu.memref_slice %arg7[%dma_wait3A_178, %dma_wait3A_179, %dma_wait3A_180] : memref<4x64x128xf32, #tpu.memory_space<vmem>> -> memref<1x64x128xf32, #tpu.memory_space<vmem>>
        %dma_wait3A_182 = tpu.memref_squeeze %dma_wait3A_181 : memref<1x64x128xf32, #tpu.memory_space<vmem>> -> memref<64x128xf32, #tpu.memory_space<vmem>>
        %dma_wait3A_183 = arith.constant 0 : i32
        %dma_wait3A_184 = tpu.memref_slice %arg5[%add3A_177, %dma_wait3A_183] : memref<40x64xi32, #tpu.memory_space<vmem>> -> memref<1x64xi32, #tpu.memory_space<vmem>>
        %dma_wait3A_185 = tpu.memref_squeeze %dma_wait3A_184 : memref<1x64xi32, #tpu.memory_space<vmem>> -> memref<64xi32, #tpu.memory_space<vmem>>
        %dma_wait3A_186 = arith.constant 0 : i32
        %dma_wait3A_187 = arith.constant 0 : i32
        %dma_wait3A_188 = tpu.memref_slice %arg2[%dma_wait3A_186, %dma_wait3A_187] : memref<10000x128xf32, #tpu.memory_space<hbm>> -> memref<10000x128xf32, #tpu.memory_space<hbm>>
        tpu.wait_indirect_dma semaphore(%arg9 : memref<!tpu.dma_semaphore, #tpu.memory_space<semaphore_mem>>) src(%dma_wait3A_188 : memref<10000x128xf32, #tpu.memory_space<hbm>>) dst(%dma_wait3A_182 : memref<64x128xf32, #tpu.memory_space<vmem>>)
        %add3A_189 = arith.constant 0 : i32
        %add3A_190 = arith.addi %add3A_175, %add3A_189 : i32
        %dma_start3A_191 = arith.constant 0 : i32
        %dma_start3A_192 = arith.constant 0 : i32
        %dma_start3A_193 = arith.constant 0 : i32
        %dma_start3A_194 = tpu.memref_slice %arg7[%dma_start3A_191, %dma_start3A_192, %dma_start3A_193] : memref<4x64x128xf32, #tpu.memory_space<vmem>> -> memref<1x64x128xf32, #tpu.memory_space<vmem>>
        %dma_start3A_195 = tpu.memref_squeeze %dma_start3A_194 : memref<1x64x128xf32, #tpu.memory_space<vmem>> -> memref<64x128xf32, #tpu.memory_space<vmem>>
        %dma_start3A_196 = arith.constant 0 : i32
        %dma_start3A_197 = tpu.memref_slice %arg6[%add3A_190, %dma_start3A_196] : memref<40x64xi32, #tpu.memory_space<vmem>> -> memref<1x64xi32, #tpu.memory_space<vmem>>
        %dma_start3A_198 = tpu.memref_squeeze %dma_start3A_197 : memref<1x64xi32, #tpu.memory_space<vmem>> -> memref<64xi32, #tpu.memory_space<vmem>>
        %dma_start3A_199 = arith.constant 0 : i32
        %dma_start3A_200 = arith.constant 0 : i32
        %dma_start3A_201 = tpu.memref_slice %arg8[%dma_start3A_199, %dma_start3A_200] : memref<10240x128xf32, #tpu.memory_space<vmem_shared>> -> memref<10240x128xf32, #tpu.memory_space<vmem_shared>>
        tpu.enqueue_indirect_dma source(%dma_start3A_195 : memref<64x128xf32, #tpu.memory_space<vmem>>) target(%dma_start3A_201 : memref<10240x128xf32, #tpu.memory_space<vmem_shared>>) offsets(%dma_start3A_198 : memref<64xi32, #tpu.memory_space<vmem>>) semaphore(%arg13 : memref<!tpu.dma_semaphore, #tpu.memory_space<semaphore_mem>>) {add = true}
        %add3A_202 = arith.constant 1 : i32
        %add3A_203 = arith.addi %add3A_175, %add3A_202 : i32
        %dma_wait3A_204 = arith.constant 1 : i32
        %dma_wait3A_205 = arith.constant 0 : i32
        %dma_wait3A_206 = arith.constant 0 : i32
        %dma_wait3A_207 = tpu.memref_slice %arg7[%dma_wait3A_204, %dma_wait3A_205, %dma_wait3A_206] : memref<4x64x128xf32, #tpu.memory_space<vmem>> -> memref<1x64x128xf32, #tpu.memory_space<vmem>>
        %dma_wait3A_208 = tpu.memref_squeeze %dma_wait3A_207 : memref<1x64x128xf32, #tpu.memory_space<vmem>> -> memref<64x128xf32, #tpu.memory_space<vmem>>
        %dma_wait3A_209 = arith.constant 0 : i32
        %dma_wait3A_210 = tpu.memref_slice %arg5[%add3A_203, %dma_wait3A_209] : memref<40x64xi32, #tpu.memory_space<vmem>> -> memref<1x64xi32, #tpu.memory_space<vmem>>
        %dma_wait3A_211 = tpu.memref_squeeze %dma_wait3A_210 : memref<1x64xi32, #tpu.memory_space<vmem>> -> memref<64xi32, #tpu.memory_space<vmem>>
        %dma_wait3A_212 = arith.constant 0 : i32
        %dma_wait3A_213 = arith.constant 0 : i32
        %dma_wait3A_214 = tpu.memref_slice %arg2[%dma_wait3A_212, %dma_wait3A_213] : memref<10000x128xf32, #tpu.memory_space<hbm>> -> memref<10000x128xf32, #tpu.memory_space<hbm>>
        tpu.wait_indirect_dma semaphore(%arg10 : memref<!tpu.dma_semaphore, #tpu.memory_space<semaphore_mem>>) src(%dma_wait3A_214 : memref<10000x128xf32, #tpu.memory_space<hbm>>) dst(%dma_wait3A_208 : memref<64x128xf32, #tpu.memory_space<vmem>>)
        %add3A_215 = arith.constant 1 : i32
        %add3A_216 = arith.addi %add3A_175, %add3A_215 : i32
        %dma_start3A_217 = arith.constant 1 : i32
        %dma_start3A_218 = arith.constant 0 : i32
        %dma_start3A_219 = arith.constant 0 : i32
        %dma_start3A_220 = tpu.memref_slice %arg7[%dma_start3A_217, %dma_start3A_218, %dma_start3A_219] : memref<4x64x128xf32, #tpu.memory_space<vmem>> -> memref<1x64x128xf32, #tpu.memory_space<vmem>>
        %dma_start3A_221 = tpu.memref_squeeze %dma_start3A_220 : memref<1x64x128xf32, #tpu.memory_space<vmem>> -> memref<64x128xf32, #tpu.memory_space<vmem>>
        %dma_start3A_222 = arith.constant 0 : i32
        %dma_start3A_223 = tpu.memref_slice %arg6[%add3A_216, %dma_start3A_222] : memref<40x64xi32, #tpu.memory_space<vmem>> -> memref<1x64xi32, #tpu.memory_space<vmem>>
        %dma_start3A_224 = tpu.memref_squeeze %dma_start3A_223 : memref<1x64xi32, #tpu.memory_space<vmem>> -> memref<64xi32, #tpu.memory_space<vmem>>
        %dma_start3A_225 = arith.constant 0 : i32
        %dma_start3A_226 = arith.constant 0 : i32
        %dma_start3A_227 = tpu.memref_slice %arg8[%dma_start3A_225, %dma_start3A_226] : memref<10240x128xf32, #tpu.memory_space<vmem_shared>> -> memref<10240x128xf32, #tpu.memory_space<vmem_shared>>
        tpu.enqueue_indirect_dma source(%dma_start3A_221 : memref<64x128xf32, #tpu.memory_space<vmem>>) target(%dma_start3A_227 : memref<10240x128xf32, #tpu.memory_space<vmem_shared>>) offsets(%dma_start3A_224 : memref<64xi32, #tpu.memory_space<vmem>>) semaphore(%arg14 : memref<!tpu.dma_semaphore, #tpu.memory_space<semaphore_mem>>) {add = true}
        %add3A_228 = arith.constant 2 : i32
        %add3A_229 = arith.addi %add3A_175, %add3A_228 : i32
        %dma_wait3A_230 = arith.constant 2 : i32
        %dma_wait3A_231 = arith.constant 0 : i32
        %dma_wait3A_232 = arith.constant 0 : i32
        %dma_wait3A_233 = tpu.memref_slice %arg7[%dma_wait3A_230, %dma_wait3A_231, %dma_wait3A_232] : memref<4x64x128xf32, #tpu.memory_space<vmem>> -> memref<1x64x128xf32, #tpu.memory_space<vmem>>
        %dma_wait3A_234 = tpu.memref_squeeze %dma_wait3A_233 : memref<1x64x128xf32, #tpu.memory_space<vmem>> -> memref<64x128xf32, #tpu.memory_space<vmem>>
        %dma_wait3A_235 = arith.constant 0 : i32
        %dma_wait3A_236 = tpu.memref_slice %arg5[%add3A_229, %dma_wait3A_235] : memref<40x64xi32, #tpu.memory_space<vmem>> -> memref<1x64xi32, #tpu.memory_space<vmem>>
        %dma_wait3A_237 = tpu.memref_squeeze %dma_wait3A_236 : memref<1x64xi32, #tpu.memory_space<vmem>> -> memref<64xi32, #tpu.memory_space<vmem>>
        %dma_wait3A_238 = arith.constant 0 : i32
        %dma_wait3A_239 = arith.constant 0 : i32
        %dma_wait3A_240 = tpu.memref_slice %arg2[%dma_wait3A_238, %dma_wait3A_239] : memref<10000x128xf32, #tpu.memory_space<hbm>> -> memref<10000x128xf32, #tpu.memory_space<hbm>>
        tpu.wait_indirect_dma semaphore(%arg11 : memref<!tpu.dma_semaphore, #tpu.memory_space<semaphore_mem>>) src(%dma_wait3A_240 : memref<10000x128xf32, #tpu.memory_space<hbm>>) dst(%dma_wait3A_234 : memref<64x128xf32, #tpu.memory_space<vmem>>)
        %add3A_241 = arith.constant 2 : i32
        %add3A_242 = arith.addi %add3A_175, %add3A_241 : i32
        %dma_start3A_243 = arith.constant 2 : i32
        %dma_start3A_244 = arith.constant 0 : i32
        %dma_start3A_245 = arith.constant 0 : i32
        %dma_start3A_246 = tpu.memref_slice %arg7[%dma_start3A_243, %dma_start3A_244, %dma_start3A_245] : memref<4x64x128xf32, #tpu.memory_space<vmem>> -> memref<1x64x128xf32, #tpu.memory_space<vmem>>
        %dma_start3A_247 = tpu.memref_squeeze %dma_start3A_246 : memref<1x64x128xf32, #tpu.memory_space<vmem>> -> memref<64x128xf32, #tpu.memory_space<vmem>>
        %dma_start3A_248 = arith.constant 0 : i32
        %dma_start3A_249 = tpu.memref_slice %arg6[%add3A_242, %dma_start3A_248] : memref<40x64xi32, #tpu.memory_space<vmem>> -> memref<1x64xi32, #tpu.memory_space<vmem>>
        %dma_start3A_250 = tpu.memref_squeeze %dma_start3A_249 : memref<1x64xi32, #tpu.memory_space<vmem>> -> memref<64xi32, #tpu.memory_space<vmem>>
        %dma_start3A_251 = arith.constant 0 : i32
        %dma_start3A_252 = arith.constant 0 : i32
        %dma_start3A_253 = tpu.memref_slice %arg8[%dma_start3A_251, %dma_start3A_252] : memref<10240x128xf32, #tpu.memory_space<vmem_shared>> -> memref<10240x128xf32, #tpu.memory_space<vmem_shared>>
        tpu.enqueue_indirect_dma source(%dma_start3A_247 : memref<64x128xf32, #tpu.memory_space<vmem>>) target(%dma_start3A_253 : memref<10240x128xf32, #tpu.memory_space<vmem_shared>>) offsets(%dma_start3A_250 : memref<64xi32, #tpu.memory_space<vmem>>) semaphore(%arg15 : memref<!tpu.dma_semaphore, #tpu.memory_space<semaphore_mem>>) {add = true}
        %add3A_254 = arith.constant 3 : i32
        %add3A_255 = arith.addi %add3A_175, %add3A_254 : i32
        %dma_wait3A_256 = arith.constant 3 : i32
        %dma_wait3A_257 = arith.constant 0 : i32
        %dma_wait3A_258 = arith.constant 0 : i32
        %dma_wait3A_259 = tpu.memref_slice %arg7[%dma_wait3A_256, %dma_wait3A_257, %dma_wait3A_258] : memref<4x64x128xf32, #tpu.memory_space<vmem>> -> memref<1x64x128xf32, #tpu.memory_space<vmem>>
        %dma_wait3A_260 = tpu.memref_squeeze %dma_wait3A_259 : memref<1x64x128xf32, #tpu.memory_space<vmem>> -> memref<64x128xf32, #tpu.memory_space<vmem>>
        %dma_wait3A_261 = arith.constant 0 : i32
        %dma_wait3A_262 = tpu.memref_slice %arg5[%add3A_255, %dma_wait3A_261] : memref<40x64xi32, #tpu.memory_space<vmem>> -> memref<1x64xi32, #tpu.memory_space<vmem>>
        %dma_wait3A_263 = tpu.memref_squeeze %dma_wait3A_262 : memref<1x64xi32, #tpu.memory_space<vmem>> -> memref<64xi32, #tpu.memory_space<vmem>>
        %dma_wait3A_264 = arith.constant 0 : i32
        %dma_wait3A_265 = arith.constant 0 : i32
        %dma_wait3A_266 = tpu.memref_slice %arg2[%dma_wait3A_264, %dma_wait3A_265] : memref<10000x128xf32, #tpu.memory_space<hbm>> -> memref<10000x128xf32, #tpu.memory_space<hbm>>
        tpu.wait_indirect_dma semaphore(%arg12 : memref<!tpu.dma_semaphore, #tpu.memory_space<semaphore_mem>>) src(%dma_wait3A_266 : memref<10000x128xf32, #tpu.memory_space<hbm>>) dst(%dma_wait3A_260 : memref<64x128xf32, #tpu.memory_space<vmem>>)
        %add3A_267 = arith.constant 3 : i32
        %add3A_268 = arith.addi %add3A_175, %add3A_267 : i32
        %dma_start3A_269 = arith.constant 3 : i32
        %dma_start3A_270 = arith.constant 0 : i32
        %dma_start3A_271 = arith.constant 0 : i32
        %dma_start3A_272 = tpu.memref_slice %arg7[%dma_start3A_269, %dma_start3A_270, %dma_start3A_271] : memref<4x64x128xf32, #tpu.memory_space<vmem>> -> memref<1x64x128xf32, #tpu.memory_space<vmem>>
        %dma_start3A_273 = tpu.memref_squeeze %dma_start3A_272 : memref<1x64x128xf32, #tpu.memory_space<vmem>> -> memref<64x128xf32, #tpu.memory_space<vmem>>
        %dma_start3A_274 = arith.constant 0 : i32
        %dma_start3A_275 = tpu.memref_slice %arg6[%add3A_268, %dma_start3A_274] : memref<40x64xi32, #tpu.memory_space<vmem>> -> memref<1x64xi32, #tpu.memory_space<vmem>>
        %dma_start3A_276 = tpu.memref_squeeze %dma_start3A_275 : memref<1x64xi32, #tpu.memory_space<vmem>> -> memref<64xi32, #tpu.memory_space<vmem>>
        %dma_start3A_277 = arith.constant 0 : i32
        %dma_start3A_278 = arith.constant 0 : i32
        %dma_start3A_279 = tpu.memref_slice %arg8[%dma_start3A_277, %dma_start3A_278] : memref<10240x128xf32, #tpu.memory_space<vmem_shared>> -> memref<10240x128xf32, #tpu.memory_space<vmem_shared>>
        tpu.enqueue_indirect_dma source(%dma_start3A_273 : memref<64x128xf32, #tpu.memory_space<vmem>>) target(%dma_start3A_279 : memref<10240x128xf32, #tpu.memory_space<vmem_shared>>) offsets(%dma_start3A_276 : memref<64xi32, #tpu.memory_space<vmem>>) semaphore(%arg16 : memref<!tpu.dma_semaphore, #tpu.memory_space<semaphore_mem>>) {add = true}
        %add3A_280 = arith.constant 4 : i32
        %add3A_281 = arith.addi %add3A_175, %add3A_280 : i32
        %add3A_282 = arith.constant 0 : i32
        %add3A_283 = arith.addi %add3A_281, %add3A_282 : i32
        %lt3A_284 = arith.constant 40 : i32
        %lt3A_285 = arith.cmpi slt, %add3A_283, %lt3A_284 : i32
        %convert_element_type3A_286 = arith.extui %lt3A_285 : i1 to i32
        %cond3A_287 = arith.constant 0 : i32
        %cond3A_288 = arith.cmpi ne, %convert_element_type3A_286, %cond3A_287 : i32
        scf.if %cond3A_288 {
          %add3A_316 = arith.constant 0 : i32
          %add3A_317 = arith.addi %add3A_175, %add3A_316 : i32
          %dma_wait3A_318 = arith.constant 0 : i32
          %dma_wait3A_319 = arith.constant 0 : i32
          %dma_wait3A_320 = arith.constant 0 : i32
          %dma_wait3A_321 = tpu.memref_slice %arg7[%dma_wait3A_318, %dma_wait3A_319, %dma_wait3A_320] : memref<4x64x128xf32, #tpu.memory_space<vmem>> -> memref<1x64x128xf32, #tpu.memory_space<vmem>>
          %dma_wait3A_322 = tpu.memref_squeeze %dma_wait3A_321 : memref<1x64x128xf32, #tpu.memory_space<vmem>> -> memref<64x128xf32, #tpu.memory_space<vmem>>
          %dma_wait3A_323 = arith.constant 0 : i32
          %dma_wait3A_324 = tpu.memref_slice %arg6[%add3A_317, %dma_wait3A_323] : memref<40x64xi32, #tpu.memory_space<vmem>> -> memref<1x64xi32, #tpu.memory_space<vmem>>
          %dma_wait3A_325 = tpu.memref_squeeze %dma_wait3A_324 : memref<1x64xi32, #tpu.memory_space<vmem>> -> memref<64xi32, #tpu.memory_space<vmem>>
          %dma_wait3A_326 = arith.constant 0 : i32
          %dma_wait3A_327 = arith.constant 0 : i32
          %dma_wait3A_328 = tpu.memref_slice %arg8[%dma_wait3A_326, %dma_wait3A_327] : memref<10240x128xf32, #tpu.memory_space<vmem_shared>> -> memref<10240x128xf32, #tpu.memory_space<vmem_shared>>
          tpu.wait_indirect_dma semaphore(%arg13 : memref<!tpu.dma_semaphore, #tpu.memory_space<semaphore_mem>>) src(%dma_wait3A_322 : memref<64x128xf32, #tpu.memory_space<vmem>>) dst(%dma_wait3A_328 : memref<10240x128xf32, #tpu.memory_space<vmem_shared>>)
          %add3A_329 = arith.constant 4 : i32
          %add3A_330 = arith.addi %add3A_175, %add3A_329 : i32
          %add3A_331 = arith.constant 0 : i32
          %add3A_332 = arith.addi %add3A_330, %add3A_331 : i32
          %dma_start3A_333 = arith.constant 0 : i32
          %dma_start3A_334 = arith.constant 0 : i32
          %dma_start3A_335 = arith.constant 0 : i32
          %dma_start3A_336 = tpu.memref_slice %arg7[%dma_start3A_333, %dma_start3A_334, %dma_start3A_335] : memref<4x64x128xf32, #tpu.memory_space<vmem>> -> memref<1x64x128xf32, #tpu.memory_space<vmem>>
          %dma_start3A_337 = tpu.memref_squeeze %dma_start3A_336 : memref<1x64x128xf32, #tpu.memory_space<vmem>> -> memref<64x128xf32, #tpu.memory_space<vmem>>
          %dma_start3A_338 = arith.constant 0 : i32
          %dma_start3A_339 = tpu.memref_slice %arg5[%add3A_332, %dma_start3A_338] : memref<40x64xi32, #tpu.memory_space<vmem>> -> memref<1x64xi32, #tpu.memory_space<vmem>>
          %dma_start3A_340 = tpu.memref_squeeze %dma_start3A_339 : memref<1x64xi32, #tpu.memory_space<vmem>> -> memref<64xi32, #tpu.memory_space<vmem>>
          %dma_start3A_341 = arith.constant 0 : i32
          %dma_start3A_342 = arith.constant 0 : i32
          %dma_start3A_343 = tpu.memref_slice %arg2[%dma_start3A_341, %dma_start3A_342] : memref<10000x128xf32, #tpu.memory_space<hbm>> -> memref<10000x128xf32, #tpu.memory_space<hbm>>
          tpu.enqueue_indirect_dma source(%dma_start3A_343 : memref<10000x128xf32, #tpu.memory_space<hbm>>) target(%dma_start3A_337 : memref<64x128xf32, #tpu.memory_space<vmem>>) offsets(%dma_start3A_340 : memref<64xi32, #tpu.memory_space<vmem>>) semaphore(%arg9 : memref<!tpu.dma_semaphore, #tpu.memory_space<semaphore_mem>>)
        } else {
        }
        %add3A_289 = arith.constant 4 : i32
        %add3A_290 = arith.addi %add3A_175, %add3A_289 : i32
        %add3A_291 = arith.constant 1 : i32
        %add3A_292 = arith.addi %add3A_290, %add3A_291 : i32
        %lt3A_293 = arith.constant 40 : i32
        %lt3A_294 = arith.cmpi slt, %add3A_292, %lt3A_293 : i32
        %convert_element_type3A_295 = arith.extui %lt3A_294 : i1 to i32
        %cond3A_296 = arith.constant 0 : i32
        %cond3A_297 = arith.cmpi ne, %convert_element_type3A_295, %cond3A_296 : i32
        scf.if %cond3A_297 {
          %add3A_316 = arith.constant 1 : i32
          %add3A_317 = arith.addi %add3A_175, %add3A_316 : i32
          %dma_wait3A_318 = arith.constant 1 : i32
          %dma_wait3A_319 = arith.constant 0 : i32
          %dma_wait3A_320 = arith.constant 0 : i32
          %dma_wait3A_321 = tpu.memref_slice %arg7[%dma_wait3A_318, %dma_wait3A_319, %dma_wait3A_320] : memref<4x64x128xf32, #tpu.memory_space<vmem>> -> memref<1x64x128xf32, #tpu.memory_space<vmem>>
          %dma_wait3A_322 = tpu.memref_squeeze %dma_wait3A_321 : memref<1x64x128xf32, #tpu.memory_space<vmem>> -> memref<64x128xf32, #tpu.memory_space<vmem>>
          %dma_wait3A_323 = arith.constant 0 : i32
          %dma_wait3A_324 = tpu.memref_slice %arg6[%add3A_317, %dma_wait3A_323] : memref<40x64xi32, #tpu.memory_space<vmem>> -> memref<1x64xi32, #tpu.memory_space<vmem>>
          %dma_wait3A_325 = tpu.memref_squeeze %dma_wait3A_324 : memref<1x64xi32, #tpu.memory_space<vmem>> -> memref<64xi32, #tpu.memory_space<vmem>>
          %dma_wait3A_326 = arith.constant 0 : i32
          %dma_wait3A_327 = arith.constant 0 : i32
          %dma_wait3A_328 = tpu.memref_slice %arg8[%dma_wait3A_326, %dma_wait3A_327] : memref<10240x128xf32, #tpu.memory_space<vmem_shared>> -> memref<10240x128xf32, #tpu.memory_space<vmem_shared>>
          tpu.wait_indirect_dma semaphore(%arg14 : memref<!tpu.dma_semaphore, #tpu.memory_space<semaphore_mem>>) src(%dma_wait3A_322 : memref<64x128xf32, #tpu.memory_space<vmem>>) dst(%dma_wait3A_328 : memref<10240x128xf32, #tpu.memory_space<vmem_shared>>)
          %add3A_329 = arith.constant 4 : i32
          %add3A_330 = arith.addi %add3A_175, %add3A_329 : i32
          %add3A_331 = arith.constant 1 : i32
          %add3A_332 = arith.addi %add3A_330, %add3A_331 : i32
          %dma_start3A_333 = arith.constant 1 : i32
          %dma_start3A_334 = arith.constant 0 : i32
          %dma_start3A_335 = arith.constant 0 : i32
          %dma_start3A_336 = tpu.memref_slice %arg7[%dma_start3A_333, %dma_start3A_334, %dma_start3A_335] : memref<4x64x128xf32, #tpu.memory_space<vmem>> -> memref<1x64x128xf32, #tpu.memory_space<vmem>>
          %dma_start3A_337 = tpu.memref_squeeze %dma_start3A_336 : memref<1x64x128xf32, #tpu.memory_space<vmem>> -> memref<64x128xf32, #tpu.memory_space<vmem>>
          %dma_start3A_338 = arith.constant 0 : i32
          %dma_start3A_339 = tpu.memref_slice %arg5[%add3A_332, %dma_start3A_338] : memref<40x64xi32, #tpu.memory_space<vmem>> -> memref<1x64xi32, #tpu.memory_space<vmem>>
          %dma_start3A_340 = tpu.memref_squeeze %dma_start3A_339 : memref<1x64xi32, #tpu.memory_space<vmem>> -> memref<64xi32, #tpu.memory_space<vmem>>
          %dma_start3A_341 = arith.constant 0 : i32
          %dma_start3A_342 = arith.constant 0 : i32
          %dma_start3A_343 = tpu.memref_slice %arg2[%dma_start3A_341, %dma_start3A_342] : memref<10000x128xf32, #tpu.memory_space<hbm>> -> memref<10000x128xf32, #tpu.memory_space<hbm>>
          tpu.enqueue_indirect_dma source(%dma_start3A_343 : memref<10000x128xf32, #tpu.memory_space<hbm>>) target(%dma_start3A_337 : memref<64x128xf32, #tpu.memory_space<vmem>>) offsets(%dma_start3A_340 : memref<64xi32, #tpu.memory_space<vmem>>) semaphore(%arg10 : memref<!tpu.dma_semaphore, #tpu.memory_space<semaphore_mem>>)
        } else {
        }
        %add3A_298 = arith.constant 4 : i32
        %add3A_299 = arith.addi %add3A_175, %add3A_298 : i32
        %add3A_300 = arith.constant 2 : i32
        %add3A_301 = arith.addi %add3A_299, %add3A_300 : i32
        %lt3A_302 = arith.constant 40 : i32
        %lt3A_303 = arith.cmpi slt, %add3A_301, %lt3A_302 : i32
        %convert_element_type3A_304 = arith.extui %lt3A_303 : i1 to i32
        %cond3A_305 = arith.constant 0 : i32
        %cond3A_306 = arith.cmpi ne, %convert_element_type3A_304, %cond3A_305 : i32
        scf.if %cond3A_306 {
          %add3A_316 = arith.constant 2 : i32
          %add3A_317 = arith.addi %add3A_175, %add3A_316 : i32
          %dma_wait3A_318 = arith.constant 2 : i32
          %dma_wait3A_319 = arith.constant 0 : i32
          %dma_wait3A_320 = arith.constant 0 : i32
          %dma_wait3A_321 = tpu.memref_slice %arg7[%dma_wait3A_318, %dma_wait3A_319, %dma_wait3A_320] : memref<4x64x128xf32, #tpu.memory_space<vmem>> -> memref<1x64x128xf32, #tpu.memory_space<vmem>>
          %dma_wait3A_322 = tpu.memref_squeeze %dma_wait3A_321 : memref<1x64x128xf32, #tpu.memory_space<vmem>> -> memref<64x128xf32, #tpu.memory_space<vmem>>
          %dma_wait3A_323 = arith.constant 0 : i32
          %dma_wait3A_324 = tpu.memref_slice %arg6[%add3A_317, %dma_wait3A_323] : memref<40x64xi32, #tpu.memory_space<vmem>> -> memref<1x64xi32, #tpu.memory_space<vmem>>
          %dma_wait3A_325 = tpu.memref_squeeze %dma_wait3A_324 : memref<1x64xi32, #tpu.memory_space<vmem>> -> memref<64xi32, #tpu.memory_space<vmem>>
          %dma_wait3A_326 = arith.constant 0 : i32
          %dma_wait3A_327 = arith.constant 0 : i32
          %dma_wait3A_328 = tpu.memref_slice %arg8[%dma_wait3A_326, %dma_wait3A_327] : memref<10240x128xf32, #tpu.memory_space<vmem_shared>> -> memref<10240x128xf32, #tpu.memory_space<vmem_shared>>
          tpu.wait_indirect_dma semaphore(%arg15 : memref<!tpu.dma_semaphore, #tpu.memory_space<semaphore_mem>>) src(%dma_wait3A_322 : memref<64x128xf32, #tpu.memory_space<vmem>>) dst(%dma_wait3A_328 : memref<10240x128xf32, #tpu.memory_space<vmem_shared>>)
          %add3A_329 = arith.constant 4 : i32
          %add3A_330 = arith.addi %add3A_175, %add3A_329 : i32
          %add3A_331 = arith.constant 2 : i32
          %add3A_332 = arith.addi %add3A_330, %add3A_331 : i32
          %dma_start3A_333 = arith.constant 2 : i32
          %dma_start3A_334 = arith.constant 0 : i32
          %dma_start3A_335 = arith.constant 0 : i32
          %dma_start3A_336 = tpu.memref_slice %arg7[%dma_start3A_333, %dma_start3A_334, %dma_start3A_335] : memref<4x64x128xf32, #tpu.memory_space<vmem>> -> memref<1x64x128xf32, #tpu.memory_space<vmem>>
          %dma_start3A_337 = tpu.memref_squeeze %dma_start3A_336 : memref<1x64x128xf32, #tpu.memory_space<vmem>> -> memref<64x128xf32, #tpu.memory_space<vmem>>
          %dma_start3A_338 = arith.constant 0 : i32
          %dma_start3A_339 = tpu.memref_slice %arg5[%add3A_332, %dma_start3A_338] : memref<40x64xi32, #tpu.memory_space<vmem>> -> memref<1x64xi32, #tpu.memory_space<vmem>>
          %dma_start3A_340 = tpu.memref_squeeze %dma_start3A_339 : memref<1x64xi32, #tpu.memory_space<vmem>> -> memref<64xi32, #tpu.memory_space<vmem>>
          %dma_start3A_341 = arith.constant 0 : i32
          %dma_start3A_342 = arith.constant 0 : i32
          %dma_start3A_343 = tpu.memref_slice %arg2[%dma_start3A_341, %dma_start3A_342] : memref<10000x128xf32, #tpu.memory_space<hbm>> -> memref<10000x128xf32, #tpu.memory_space<hbm>>
          tpu.enqueue_indirect_dma source(%dma_start3A_343 : memref<10000x128xf32, #tpu.memory_space<hbm>>) target(%dma_start3A_337 : memref<64x128xf32, #tpu.memory_space<vmem>>) offsets(%dma_start3A_340 : memref<64xi32, #tpu.memory_space<vmem>>) semaphore(%arg11 : memref<!tpu.dma_semaphore, #tpu.memory_space<semaphore_mem>>)
        } else {
        }
        %add3A_307 = arith.constant 4 : i32
        %add3A_308 = arith.addi %add3A_175, %add3A_307 : i32
        %add3A_309 = arith.constant 3 : i32
        %add3A_310 = arith.addi %add3A_308, %add3A_309 : i32
        %lt3A_311 = arith.constant 40 : i32
        %lt3A_312 = arith.cmpi slt, %add3A_310, %lt3A_311 : i32
        %convert_element_type3A_313 = arith.extui %lt3A_312 : i1 to i32
        %cond3A_314 = arith.constant 0 : i32
        %cond3A_315 = arith.cmpi ne, %convert_element_type3A_313, %cond3A_314 : i32
        scf.if %cond3A_315 {
          %add3A_316 = arith.constant 3 : i32
          %add3A_317 = arith.addi %add3A_175, %add3A_316 : i32
          %dma_wait3A_318 = arith.constant 3 : i32
          %dma_wait3A_319 = arith.constant 0 : i32
          %dma_wait3A_320 = arith.constant 0 : i32
          %dma_wait3A_321 = tpu.memref_slice %arg7[%dma_wait3A_318, %dma_wait3A_319, %dma_wait3A_320] : memref<4x64x128xf32, #tpu.memory_space<vmem>> -> memref<1x64x128xf32, #tpu.memory_space<vmem>>
          %dma_wait3A_322 = tpu.memref_squeeze %dma_wait3A_321 : memref<1x64x128xf32, #tpu.memory_space<vmem>> -> memref<64x128xf32, #tpu.memory_space<vmem>>
          %dma_wait3A_323 = arith.constant 0 : i32
          %dma_wait3A_324 = tpu.memref_slice %arg6[%add3A_317, %dma_wait3A_323] : memref<40x64xi32, #tpu.memory_space<vmem>> -> memref<1x64xi32, #tpu.memory_space<vmem>>
          %dma_wait3A_325 = tpu.memref_squeeze %dma_wait3A_324 : memref<1x64xi32, #tpu.memory_space<vmem>> -> memref<64xi32, #tpu.memory_space<vmem>>
          %dma_wait3A_326 = arith.constant 0 : i32
          %dma_wait3A_327 = arith.constant 0 : i32
          %dma_wait3A_328 = tpu.memref_slice %arg8[%dma_wait3A_326, %dma_wait3A_327] : memref<10240x128xf32, #tpu.memory_space<vmem_shared>> -> memref<10240x128xf32, #tpu.memory_space<vmem_shared>>
          tpu.wait_indirect_dma semaphore(%arg16 : memref<!tpu.dma_semaphore, #tpu.memory_space<semaphore_mem>>) src(%dma_wait3A_322 : memref<64x128xf32, #tpu.memory_space<vmem>>) dst(%dma_wait3A_328 : memref<10240x128xf32, #tpu.memory_space<vmem_shared>>)
          %add3A_329 = arith.constant 4 : i32
          %add3A_330 = arith.addi %add3A_175, %add3A_329 : i32
          %add3A_331 = arith.constant 3 : i32
          %add3A_332 = arith.addi %add3A_330, %add3A_331 : i32
          %dma_start3A_333 = arith.constant 3 : i32
          %dma_start3A_334 = arith.constant 0 : i32
          %dma_start3A_335 = arith.constant 0 : i32
          %dma_start3A_336 = tpu.memref_slice %arg7[%dma_start3A_333, %dma_start3A_334, %dma_start3A_335] : memref<4x64x128xf32, #tpu.memory_space<vmem>> -> memref<1x64x128xf32, #tpu.memory_space<vmem>>
          %dma_start3A_337 = tpu.memref_squeeze %dma_start3A_336 : memref<1x64x128xf32, #tpu.memory_space<vmem>> -> memref<64x128xf32, #tpu.memory_space<vmem>>
          %dma_start3A_338 = arith.constant 0 : i32
          %dma_start3A_339 = tpu.memref_slice %arg5[%add3A_332, %dma_start3A_338] : memref<40x64xi32, #tpu.memory_space<vmem>> -> memref<1x64xi32, #tpu.memory_space<vmem>>
          %dma_start3A_340 = tpu.memref_squeeze %dma_start3A_339 : memref<1x64xi32, #tpu.memory_space<vmem>> -> memref<64xi32, #tpu.memory_space<vmem>>
          %dma_start3A_341 = arith.constant 0 : i32
          %dma_start3A_342 = arith.constant 0 : i32
          %dma_start3A_343 = tpu.memref_slice %arg2[%dma_start3A_341, %dma_start3A_342] : memref<10000x128xf32, #tpu.memory_space<hbm>> -> memref<10000x128xf32, #tpu.memory_space<hbm>>
          tpu.enqueue_indirect_dma source(%dma_start3A_343 : memref<10000x128xf32, #tpu.memory_space<hbm>>) target(%dma_start3A_337 : memref<64x128xf32, #tpu.memory_space<vmem>>) offsets(%dma_start3A_340 : memref<64xi32, #tpu.memory_space<vmem>>) semaphore(%arg12 : memref<!tpu.dma_semaphore, #tpu.memory_space<semaphore_mem>>)
        } else {
        }
      }
      %scan3A_122 = arith.constant 10 : i32
      %dma_wait3A_123 = arith.constant 0 : i32
      %dma_wait3A_124 = arith.constant 36 : i32
      %dma_wait3A_125 = arith.constant 0 : i32
      %dma_wait3A_126 = arith.constant 0 : i32
      %dma_wait3A_127 = tpu.memref_slice %arg7[%dma_wait3A_123, %dma_wait3A_125, %dma_wait3A_126] : memref<4x64x128xf32, #tpu.memory_space<vmem>> -> memref<1x64x128xf32, #tpu.memory_space<vmem>>
      %dma_wait3A_128 = tpu.memref_squeeze %dma_wait3A_127 : memref<1x64x128xf32, #tpu.memory_space<vmem>> -> memref<64x128xf32, #tpu.memory_space<vmem>>
      %dma_wait3A_129 = arith.constant 0 : i32
      %dma_wait3A_130 = tpu.memref_slice %arg6[%dma_wait3A_124, %dma_wait3A_129] : memref<40x64xi32, #tpu.memory_space<vmem>> -> memref<1x64xi32, #tpu.memory_space<vmem>>
      %dma_wait3A_131 = tpu.memref_squeeze %dma_wait3A_130 : memref<1x64xi32, #tpu.memory_space<vmem>> -> memref<64xi32, #tpu.memory_space<vmem>>
      %dma_wait3A_132 = arith.constant 0 : i32
      %dma_wait3A_133 = arith.constant 0 : i32
      %dma_wait3A_134 = tpu.memref_slice %arg8[%dma_wait3A_132, %dma_wait3A_133] : memref<10240x128xf32, #tpu.memory_space<vmem_shared>> -> memref<10240x128xf32, #tpu.memory_space<vmem_shared>>
      tpu.wait_indirect_dma semaphore(%arg13 : memref<!tpu.dma_semaphore, #tpu.memory_space<semaphore_mem>>) src(%dma_wait3A_128 : memref<64x128xf32, #tpu.memory_space<vmem>>) dst(%dma_wait3A_134 : memref<10240x128xf32, #tpu.memory_space<vmem_shared>>)
      %dma_wait3A_135 = arith.constant 1 : i32
      %dma_wait3A_136 = arith.constant 37 : i32
      %dma_wait3A_137 = arith.constant 0 : i32
      %dma_wait3A_138 = arith.constant 0 : i32
      %dma_wait3A_139 = tpu.memref_slice %arg7[%dma_wait3A_135, %dma_wait3A_137, %dma_wait3A_138] : memref<4x64x128xf32, #tpu.memory_space<vmem>> -> memref<1x64x128xf32, #tpu.memory_space<vmem>>
      %dma_wait3A_140 = tpu.memref_squeeze %dma_wait3A_139 : memref<1x64x128xf32, #tpu.memory_space<vmem>> -> memref<64x128xf32, #tpu.memory_space<vmem>>
      %dma_wait3A_141 = arith.constant 0 : i32
      %dma_wait3A_142 = tpu.memref_slice %arg6[%dma_wait3A_136, %dma_wait3A_141] : memref<40x64xi32, #tpu.memory_space<vmem>> -> memref<1x64xi32, #tpu.memory_space<vmem>>
      %dma_wait3A_143 = tpu.memref_squeeze %dma_wait3A_142 : memref<1x64xi32, #tpu.memory_space<vmem>> -> memref<64xi32, #tpu.memory_space<vmem>>
      %dma_wait3A_144 = arith.constant 0 : i32
      %dma_wait3A_145 = arith.constant 0 : i32
      %dma_wait3A_146 = tpu.memref_slice %arg8[%dma_wait3A_144, %dma_wait3A_145] : memref<10240x128xf32, #tpu.memory_space<vmem_shared>> -> memref<10240x128xf32, #tpu.memory_space<vmem_shared>>
      tpu.wait_indirect_dma semaphore(%arg14 : memref<!tpu.dma_semaphore, #tpu.memory_space<semaphore_mem>>) src(%dma_wait3A_140 : memref<64x128xf32, #tpu.memory_space<vmem>>) dst(%dma_wait3A_146 : memref<10240x128xf32, #tpu.memory_space<vmem_shared>>)
      %dma_wait3A_147 = arith.constant 2 : i32
      %dma_wait3A_148 = arith.constant 38 : i32
      %dma_wait3A_149 = arith.constant 0 : i32
      %dma_wait3A_150 = arith.constant 0 : i32
      %dma_wait3A_151 = tpu.memref_slice %arg7[%dma_wait3A_147, %dma_wait3A_149, %dma_wait3A_150] : memref<4x64x128xf32, #tpu.memory_space<vmem>> -> memref<1x64x128xf32, #tpu.memory_space<vmem>>
      %dma_wait3A_152 = tpu.memref_squeeze %dma_wait3A_151 : memref<1x64x128xf32, #tpu.memory_space<vmem>> -> memref<64x128xf32, #tpu.memory_space<vmem>>
      %dma_wait3A_153 = arith.constant 0 : i32
      %dma_wait3A_154 = tpu.memref_slice %arg6[%dma_wait3A_148, %dma_wait3A_153] : memref<40x64xi32, #tpu.memory_space<vmem>> -> memref<1x64xi32, #tpu.memory_space<vmem>>
      %dma_wait3A_155 = tpu.memref_squeeze %dma_wait3A_154 : memref<1x64xi32, #tpu.memory_space<vmem>> -> memref<64xi32, #tpu.memory_space<vmem>>
      %dma_wait3A_156 = arith.constant 0 : i32
      %dma_wait3A_157 = arith.constant 0 : i32
      %dma_wait3A_158 = tpu.memref_slice %arg8[%dma_wait3A_156, %dma_wait3A_157] : memref<10240x128xf32, #tpu.memory_space<vmem_shared>> -> memref<10240x128xf32, #tpu.memory_space<vmem_shared>>
      tpu.wait_indirect_dma semaphore(%arg15 : memref<!tpu.dma_semaphore, #tpu.memory_space<semaphore_mem>>) src(%dma_wait3A_152 : memref<64x128xf32, #tpu.memory_space<vmem>>) dst(%dma_wait3A_158 : memref<10240x128xf32, #tpu.memory_space<vmem_shared>>)
      %dma_wait3A_159 = arith.constant 3 : i32
      %dma_wait3A_160 = arith.constant 39 : i32
      %dma_wait3A_161 = arith.constant 0 : i32
      %dma_wait3A_162 = arith.constant 0 : i32
      %dma_wait3A_163 = tpu.memref_slice %arg7[%dma_wait3A_159, %dma_wait3A_161, %dma_wait3A_162] : memref<4x64x128xf32, #tpu.memory_space<vmem>> -> memref<1x64x128xf32, #tpu.memory_space<vmem>>
      %dma_wait3A_164 = tpu.memref_squeeze %dma_wait3A_163 : memref<1x64x128xf32, #tpu.memory_space<vmem>> -> memref<64x128xf32, #tpu.memory_space<vmem>>
      %dma_wait3A_165 = arith.constant 0 : i32
      %dma_wait3A_166 = tpu.memref_slice %arg6[%dma_wait3A_160, %dma_wait3A_165] : memref<40x64xi32, #tpu.memory_space<vmem>> -> memref<1x64xi32, #tpu.memory_space<vmem>>
      %dma_wait3A_167 = tpu.memref_squeeze %dma_wait3A_166 : memref<1x64xi32, #tpu.memory_space<vmem>> -> memref<64xi32, #tpu.memory_space<vmem>>
      %dma_wait3A_168 = arith.constant 0 : i32
      %dma_wait3A_169 = arith.constant 0 : i32
      %dma_wait3A_170 = tpu.memref_slice %arg8[%dma_wait3A_168, %dma_wait3A_169] : memref<10240x128xf32, #tpu.memory_space<vmem_shared>> -> memref<10240x128xf32, #tpu.memory_space<vmem_shared>>
      tpu.wait_indirect_dma semaphore(%arg16 : memref<!tpu.dma_semaphore, #tpu.memory_space<semaphore_mem>>) src(%dma_wait3A_164 : memref<64x128xf32, #tpu.memory_space<vmem>>) dst(%dma_wait3A_170 : memref<10240x128xf32, #tpu.memory_space<vmem_shared>>)
    } else {
    }
    %barrier3A_35 = arith.constant 0 : index
    tpu.barrier barrier_id(%barrier3A_35)
    %mul3A_36 = arith.constant 640 : i32
    %mul3A_37 = arith.muli %arg1, %mul3A_36 : i32
    %mul3A_38 = arith.constant 640 : i32
    %mul3A_39 = arith.muli %arg1, %mul3A_38 : i32
    "tpu.region"() ({
      %run_scoped3A = tpu.sem_alloc : memref<!tpu.dma_semaphore, #tpu.memory_space<semaphore_mem>>
      %dma_start3A = arith.constant 0 : i32
      %dma_start3A_40 = tpu.memref_slice %arg4[%arg0, %mul3A_39, %dma_start3A] : memref<2x10240x128xf32, #tpu.memory_space<hbm>> -> memref<1x640x128xf32, #tpu.memory_space<hbm>>
      %dma_start3A_41 = tpu.memref_squeeze %dma_start3A_40 : memref<1x640x128xf32, #tpu.memory_space<hbm>> -> memref<640x128xf32, #tpu.memory_space<hbm>>
      %dma_start3A_42 = arith.constant 0 : i32
      %dma_start3A_43 = tpu.memref_slice %arg8[%mul3A_37, %dma_start3A_42] : memref<10240x128xf32, #tpu.memory_space<vmem_shared>> -> memref<640x128xf32, #tpu.memory_space<vmem_shared>>
      tpu.enqueue_dma source(%dma_start3A_43 : memref<640x128xf32, #tpu.memory_space<vmem_shared>>) target(%dma_start3A_41 : memref<640x128xf32, #tpu.memory_space<hbm>>) target_semaphore(%run_scoped3A : memref<!tpu.dma_semaphore, #tpu.memory_space<semaphore_mem>>)
      %dma_wait3A = arith.constant 0 : i32
      %dma_wait3A_44 = tpu.memref_slice %arg4[%arg0, %mul3A_39, %dma_wait3A] : memref<2x10240x128xf32, #tpu.memory_space<hbm>> -> memref<1x640x128xf32, #tpu.memory_space<hbm>>
      %dma_wait3A_45 = tpu.memref_squeeze %dma_wait3A_44 : memref<1x640x128xf32, #tpu.memory_space<hbm>> -> memref<640x128xf32, #tpu.memory_space<hbm>>
      %dma_wait3A_46 = arith.constant 0 : i32
      %dma_wait3A_47 = tpu.memref_slice %arg8[%mul3A_37, %dma_wait3A_46] : memref<10240x128xf32, #tpu.memory_space<vmem_shared>> -> memref<640x128xf32, #tpu.memory_space<vmem_shared>>
      tpu.wait_dma2 semaphore(%run_scoped3A : memref<!tpu.dma_semaphore, #tpu.memory_space<semaphore_mem>>) src(%dma_wait3A_47 : memref<640x128xf32, #tpu.memory_space<vmem_shared>>) dst(%dma_wait3A_45 : memref<640x128xf32, #tpu.memory_space<hbm>>)
      tpu.yield
    }) : () -> ()
    return
  }
}

module attributes {stable_mosaic.version = 14 : i64} {
  func.func @_tc_body(%arg0: i32, %arg1: memref<2000x128xf32, #tpu.memory_space<vmem>>, %arg2: memref<2x2000x128xf32, #tpu.memory_space<vmem>>, %arg3: memref<1x1x2000xi32, #tpu.memory_space<vmem>>, %arg4: memref<128x128xf32, #tpu.memory_space<vmem>>, %arg5: memref<1x128xf32, #tpu.memory_space<vmem>>, %arg6: memref<128x128xf32, #tpu.memory_space<vmem>>, %arg7: memref<1x128xf32, #tpu.memory_space<vmem>>, %arg8: memref<128x128xf32, #tpu.memory_space<vmem>>, %arg9: memref<1x128xf32, #tpu.memory_space<vmem>>, %arg10: memref<128x128xf32, #tpu.memory_space<vmem>>, %arg11: memref<1x128xf32, #tpu.memory_space<vmem>>, %arg12: memref<128x128xf32, #tpu.memory_space<vmem>>, %arg13: memref<1x128xf32, #tpu.memory_space<vmem>>, %arg14: memref<512x128xf32, #tpu.memory_space<vmem>>, %arg15: memref<512x128xf32, #tpu.memory_space<vmem>>, %arg16: memref<512x1xf32, #tpu.memory_space<vmem>>) attributes {dimension_semantics = [#tpu.dimension_semantics<arbitrary>], iteration_bounds = array<i64: 5>, scalar_prefetch = 0 : i64, scratch_operands = 2 : i64, tpu.core_type = #tpu.core_type<tc>, window_params = [{transform_indices = @transform_0, window_bounds = array<i64: 2000, 128>}, {transform_indices = @transform_1, window_bounds = array<i64: 2, 2000, 128>}, {transform_indices = @transform_2, window_bounds = array<i64: 1, 1, 2000>}, {pipeline_mode = #tpu.pipeline_mode<synchronous>, transform_indices = @transform_3, window_bounds = array<i64: 128, 128>}, {pipeline_mode = #tpu.pipeline_mode<synchronous>, transform_indices = @transform_4, window_bounds = array<i64: 1, 128>}, {pipeline_mode = #tpu.pipeline_mode<synchronous>, transform_indices = @transform_5, window_bounds = array<i64: 128, 128>}, {pipeline_mode = #tpu.pipeline_mode<synchronous>, transform_indices = @transform_6, window_bounds = array<i64: 1, 128>}, {pipeline_mode = #tpu.pipeline_mode<synchronous>, transform_indices = @transform_7, window_bounds = array<i64: 128, 128>}, {pipeline_mode = #tpu.pipeline_mode<synchronous>, transform_indices = @transform_8, window_bounds = array<i64: 1, 128>}, {pipeline_mode = #tpu.pipeline_mode<synchronous>, transform_indices = @transform_9, window_bounds = array<i64: 128, 128>}, {pipeline_mode = #tpu.pipeline_mode<synchronous>, transform_indices = @transform_10, window_bounds = array<i64: 1, 128>}, {pipeline_mode = #tpu.pipeline_mode<synchronous>, transform_indices = @transform_11, window_bounds = array<i64: 128, 128>}, {pipeline_mode = #tpu.pipeline_mode<synchronous>, transform_indices = @transform_12, window_bounds = array<i64: 1, 128>}, {pipeline_mode = #tpu.pipeline_mode<synchronous>, transform_indices = @transform_13, window_bounds = array<i64: 512, 128>}]} {
    %eq3A = arith.constant 0 : i32
    %eq3A_0 = arith.cmpi eq, %arg0, %eq3A : i32
    %convert_element_type3A = arith.extui %eq3A_0 : i1 to i32
    %cond3A = arith.constant 0 : i32
    %cond3A_1 = arith.cmpi ne, %convert_element_type3A, %cond3A : i32
    scf.if %cond3A_1 {
      %broadcast_in_dim3A_93 = arith.constant 0.000000e+00 : f32
      %broadcast_in_dim3A_94 = vector.broadcast %broadcast_in_dim3A_93 : f32 to vector<512x128xf32>
      %swap3A_95 = arith.constant 0 : index
      %swap3A_96 = arith.constant 0 : index
      %swap3A_97 = vector.load %arg15[%swap3A_95, %swap3A_96] : memref<512x128xf32, #tpu.memory_space<vmem>>, vector<512x128xf32>
      tpu.vector_store %arg15[%swap3A_95, %swap3A_96], %broadcast_in_dim3A_94 {strides = array<i32>} : memref<512x128xf32, #tpu.memory_space<vmem>>, vector<512x128xf32>,
      %broadcast_in_dim3A_98 = arith.constant 0.000000e+00 : f32
      %broadcast_in_dim3A_99 = vector.broadcast %broadcast_in_dim3A_98 : f32 to vector<512x1xf32>
      %swap3A_100 = arith.constant 0 : index
      %swap3A_101 = arith.constant 0 : index
      %swap3A_102 = vector.load %arg16[%swap3A_100, %swap3A_101] : memref<512x1xf32, #tpu.memory_space<vmem>>, vector<512x1xf32>
      tpu.vector_store %arg16[%swap3A_100, %swap3A_101], %broadcast_in_dim3A_99 {strides = array<i32>} : memref<512x1xf32, #tpu.memory_space<vmem>>, vector<512x1xf32>,
    } else {
    }
    %get3A = arith.constant 0 : index
    %get3A_2 = arith.constant 0 : index
    %get3A_3 = vector.load %arg1[%get3A, %get3A_2] : memref<2000x128xf32, #tpu.memory_space<vmem>>, vector<2000x128xf32>
    %get3A_4 = arith.constant 0 : index
    %get3A_5 = arith.constant 0 : index
    %get3A_6 = arith.constant 0 : index
    %get3A_7 = vector.load %arg2[%get3A_4, %get3A_5, %get3A_6] : memref<2x2000x128xf32, #tpu.memory_space<vmem>>, vector<1x2000x128xf32>
    %get3A_8 = vector.shape_cast %get3A_7 : vector<1x2000x128xf32> to vector<2000x128xf32>
    %add3A = arith.addf %get3A_3, %get3A_8 : vector<2000x128xf32>
    %get3A_9 = arith.constant 1 : index
    %get3A_10 = arith.constant 0 : index
    %get3A_11 = arith.constant 0 : index
    %get3A_12 = vector.load %arg2[%get3A_9, %get3A_10, %get3A_11] : memref<2x2000x128xf32, #tpu.memory_space<vmem>>, vector<1x2000x128xf32>
    %get3A_13 = vector.shape_cast %get3A_12 : vector<1x2000x128xf32> to vector<2000x128xf32>
    %add3A_14 = arith.addf %add3A, %get3A_13 : vector<2000x128xf32>
    %get3A_15 = arith.constant 0 : index
    %get3A_16 = arith.constant 0 : index
    %get3A_17 = vector.load %arg4[%get3A_15, %get3A_16] : memref<128x128xf32, #tpu.memory_space<vmem>>, vector<128x128xf32>
    %dot_general3A = arith.constant dense<0.000000e+00> : vector<2000x128xf32>
    %dot_general3A_18 = tpu.matmul %add3A_14, %get3A_17, %dot_general3A {dimension_numbers = #tpu.dot_dimension_numbers<[1], [0], [0], [1], [0, 0, 1, 1], [], []>, transpose_lhs_hint = false} : vector<2000x128xf32>, vector<128x128xf32>, vector<2000x128xf32> -> vector<2000x128xf32>
    %get3A_19 = arith.constant 0 : index
    %get3A_20 = arith.constant 0 : index
    %get3A_21 = vector.load %arg5[%get3A_19, %get3A_20] : memref<1x128xf32, #tpu.memory_space<vmem>>, vector<1x128xf32>
    %add3A_22 = vector.broadcast %get3A_21 : vector<1x128xf32> to vector<2000x128xf32>
    %add3A_23 = arith.addf %dot_general3A_18, %add3A_22 : vector<2000x128xf32>
    %gt3A = arith.constant 0.000000e+00 : f32
    %gt3A_24 = vector.broadcast %gt3A : f32 to vector<2000x128xf32>
    %gt3A_25 = arith.cmpf ogt, %add3A_23, %gt3A_24 : vector<2000x128xf32>
    %mul3A = arith.constant 1.500000e+00 : f32
    %mul3A_26 = vector.broadcast %mul3A : f32 to vector<2000x128xf32>
    %mul3A_27 = arith.mulf %mul3A_26, %add3A_23 : vector<2000x128xf32>
    %select_n3A = arith.select %gt3A_25, %add3A_23, %mul3A_27 : vector<2000x128xi1>, vector<2000x128xf32>
    %get3A_28 = arith.constant 0 : index
    %get3A_29 = arith.constant 0 : index
    %get3A_30 = vector.load %arg6[%get3A_28, %get3A_29] : memref<128x128xf32, #tpu.memory_space<vmem>>, vector<128x128xf32>
    %dot_general3A_31 = arith.constant dense<0.000000e+00> : vector<2000x128xf32>
    %dot_general3A_32 = tpu.matmul %select_n3A, %get3A_30, %dot_general3A_31 {dimension_numbers = #tpu.dot_dimension_numbers<[1], [0], [0], [1], [0, 0, 1, 1], [], []>, transpose_lhs_hint = false} : vector<2000x128xf32>, vector<128x128xf32>, vector<2000x128xf32> -> vector<2000x128xf32>
    %get3A_33 = arith.constant 0 : index
    %get3A_34 = arith.constant 0 : index
    %get3A_35 = vector.load %arg7[%get3A_33, %get3A_34] : memref<1x128xf32, #tpu.memory_space<vmem>>, vector<1x128xf32>
    %add3A_36 = vector.broadcast %get3A_35 : vector<1x128xf32> to vector<2000x128xf32>
    %add3A_37 = arith.addf %dot_general3A_32, %add3A_36 : vector<2000x128xf32>
    %max3A = arith.constant 0.000000e+00 : f32
    %max3A_38 = vector.broadcast %max3A : f32 to vector<2000x128xf32>
    %max3A_39 = arith.maximumf %add3A_37, %max3A_38 : vector<2000x128xf32>
    %get3A_40 = arith.constant 0 : index
    %get3A_41 = arith.constant 0 : index
    %get3A_42 = vector.load %arg8[%get3A_40, %get3A_41] : memref<128x128xf32, #tpu.memory_space<vmem>>, vector<128x128xf32>
    %dot_general3A_43 = arith.constant dense<0.000000e+00> : vector<2000x128xf32>
    %dot_general3A_44 = tpu.matmul %max3A_39, %get3A_42, %dot_general3A_43 {dimension_numbers = #tpu.dot_dimension_numbers<[1], [0], [0], [1], [0, 0, 1, 1], [], []>, transpose_lhs_hint = false} : vector<2000x128xf32>, vector<128x128xf32>, vector<2000x128xf32> -> vector<2000x128xf32>
    %get3A_45 = arith.constant 0 : index
    %get3A_46 = arith.constant 0 : index
    %get3A_47 = vector.load %arg9[%get3A_45, %get3A_46] : memref<1x128xf32, #tpu.memory_space<vmem>>, vector<1x128xf32>
    %add3A_48 = vector.broadcast %get3A_47 : vector<1x128xf32> to vector<2000x128xf32>
    %add3A_49 = arith.addf %dot_general3A_44, %add3A_48 : vector<2000x128xf32>
    %max3A_50 = arith.constant 0.000000e+00 : f32
    %max3A_51 = vector.broadcast %max3A_50 : f32 to vector<2000x128xf32>
    %max3A_52 = arith.maximumf %add3A_49, %max3A_51 : vector<2000x128xf32>
    %get3A_53 = arith.constant 0 : index
    %get3A_54 = arith.constant 0 : index
    %get3A_55 = vector.load %arg10[%get3A_53, %get3A_54] : memref<128x128xf32, #tpu.memory_space<vmem>>, vector<128x128xf32>
    %dot_general3A_56 = arith.constant dense<0.000000e+00> : vector<2000x128xf32>
    %dot_general3A_57 = tpu.matmul %max3A_52, %get3A_55, %dot_general3A_56 {dimension_numbers = #tpu.dot_dimension_numbers<[1], [0], [0], [1], [0, 0, 1, 1], [], []>, transpose_lhs_hint = false} : vector<2000x128xf32>, vector<128x128xf32>, vector<2000x128xf32> -> vector<2000x128xf32>
    %get3A_58 = arith.constant 0 : index
    %get3A_59 = arith.constant 0 : index
    %get3A_60 = vector.load %arg11[%get3A_58, %get3A_59] : memref<1x128xf32, #tpu.memory_space<vmem>>, vector<1x128xf32>
    %add3A_61 = vector.broadcast %get3A_60 : vector<1x128xf32> to vector<2000x128xf32>
    %add3A_62 = arith.addf %dot_general3A_57, %add3A_61 : vector<2000x128xf32>
    %iota3A = tpu.iota {dimensions = array<i32: 0>} : vector<512x2000xi32>
    %get3A_63 = arith.constant 0 : index
    %get3A_64 = arith.constant 0 : index
    %get3A_65 = arith.constant 0 : index
    %get3A_66 = vector.load %arg3[%get3A_63, %get3A_64, %get3A_65] : memref<1x1x2000xi32, #tpu.memory_space<vmem>>, vector<1x1x2000xi32>
    %get3A_67 = vector.shape_cast %get3A_66 : vector<1x1x2000xi32> to vector<1x2000xi32>
    %eq3A_68 = vector.broadcast %get3A_67 : vector<1x2000xi32> to vector<512x2000xi32>
    %eq3A_69 = arith.cmpi eq, %iota3A, %eq3A_68 : vector<512x2000xi32>
    %convert_element_type3A_70 = arith.extui %eq3A_69 : vector<512x2000xi1> to vector<512x2000xi32>
    %convert_element_type3A_71 = arith.sitofp %convert_element_type3A_70 : vector<512x2000xi32> to vector<512x2000xf32>
    %get3A_72 = arith.constant 0 : index
    %get3A_73 = arith.constant 0 : index
    %get3A_74 = vector.load %arg15[%get3A_72, %get3A_73] : memref<512x128xf32, #tpu.memory_space<vmem>>, vector<512x128xf32>
    %dot_general3A_75 = arith.constant dense<0.000000e+00> : vector<512x128xf32>
    %dot_general3A_76 = tpu.matmul %convert_element_type3A_71, %add3A_62, %dot_general3A_75 {dimension_numbers = #tpu.dot_dimension_numbers<[1], [0], [0], [1], [0, 0, 1, 1], [], []>, transpose_lhs_hint = false} : vector<512x2000xf32>, vector<2000x128xf32>, vector<512x128xf32> -> vector<512x128xf32>
    %add3A_77 = arith.addf %get3A_74, %dot_general3A_76 : vector<512x128xf32>
    %swap3A = arith.constant 0 : index
    %swap3A_78 = arith.constant 0 : index
    %swap3A_79 = vector.load %arg15[%swap3A, %swap3A_78] : memref<512x128xf32, #tpu.memory_space<vmem>>, vector<512x128xf32>
    tpu.vector_store %arg15[%swap3A, %swap3A_78], %add3A_77 {strides = array<i32>} : memref<512x128xf32, #tpu.memory_space<vmem>>, vector<512x128xf32>,
    %get3A_80 = arith.constant 0 : index
    %get3A_81 = arith.constant 0 : index
    %get3A_82 = vector.load %arg16[%get3A_80, %get3A_81] : memref<512x1xf32, #tpu.memory_space<vmem>>, vector<512x1xf32>
    %reduce_sum3A = arith.constant dense<0.000000e+00> : vector<512xf32>
    %reduce_sum3A_83 = vector.multi_reduction <add>, %convert_element_type3A_71, %reduce_sum3A [1] : vector<512x2000xf32> to vector<512xf32>
    %broadcast_in_dim3A = vector.shape_cast %reduce_sum3A_83 : vector<512xf32> to vector<512x1xf32>
    %add3A_84 = arith.addf %get3A_82, %broadcast_in_dim3A : vector<512x1xf32>
    %swap3A_85 = arith.constant 0 : index
    %swap3A_86 = arith.constant 0 : index
    %swap3A_87 = vector.load %arg16[%swap3A_85, %swap3A_86] : memref<512x1xf32, #tpu.memory_space<vmem>>, vector<512x1xf32>
    tpu.vector_store %arg16[%swap3A_85, %swap3A_86], %add3A_84 {strides = array<i32>} : memref<512x1xf32, #tpu.memory_space<vmem>>, vector<512x1xf32>,
    %eq3A_88 = arith.constant 4 : i32
    %eq3A_89 = arith.cmpi eq, %arg0, %eq3A_88 : i32
    %convert_element_type3A_90 = arith.extui %eq3A_89 : i1 to i32
    %cond3A_91 = arith.constant 0 : i32
    %cond3A_92 = arith.cmpi ne, %convert_element_type3A_90, %cond3A_91 : i32
    scf.if %cond3A_92 {
      %get3A_93 = arith.constant 0 : index
      %get3A_94 = arith.constant 0 : index
      %get3A_95 = vector.load %arg15[%get3A_93, %get3A_94] : memref<512x128xf32, #tpu.memory_space<vmem>>, vector<512x128xf32>
      %get3A_96 = arith.constant 0 : index
      %get3A_97 = arith.constant 0 : index
      %get3A_98 = vector.load %arg16[%get3A_96, %get3A_97] : memref<512x1xf32, #tpu.memory_space<vmem>>, vector<512x1xf32>
      %max3A_99 = arith.constant 1.000000e+00 : f32
      %max3A_100 = vector.broadcast %max3A_99 : f32 to vector<512x1xf32>
      %max3A_101 = arith.maximumf %get3A_98, %max3A_100 : vector<512x1xf32>
      %div3A = vector.broadcast %max3A_101 : vector<512x1xf32> to vector<512x128xf32>
      %div3A_102 = arith.divf %get3A_95, %div3A : vector<512x128xf32>
      %get3A_103 = arith.constant 0 : index
      %get3A_104 = arith.constant 0 : index
      %get3A_105 = vector.load %arg12[%get3A_103, %get3A_104] : memref<128x128xf32, #tpu.memory_space<vmem>>, vector<128x128xf32>
      %dot_general3A_106 = arith.constant dense<0.000000e+00> : vector<512x128xf32>
      %dot_general3A_107 = tpu.matmul %div3A_102, %get3A_105, %dot_general3A_106 {dimension_numbers = #tpu.dot_dimension_numbers<[1], [0], [0], [1], [0, 0, 1, 1], [], []>, transpose_lhs_hint = false} : vector<512x128xf32>, vector<128x128xf32>, vector<512x128xf32> -> vector<512x128xf32>
      %get3A_108 = arith.constant 0 : index
      %get3A_109 = arith.constant 0 : index
      %get3A_110 = vector.load %arg13[%get3A_108, %get3A_109] : memref<1x128xf32, #tpu.memory_space<vmem>>, vector<1x128xf32>
      %add3A_111 = vector.broadcast %get3A_110 : vector<1x128xf32> to vector<512x128xf32>
      %add3A_112 = arith.addf %dot_general3A_107, %add3A_111 : vector<512x128xf32>
      %mul3A_113 = arith.mulf %add3A_112, %add3A_112 : vector<512x128xf32>
      %reduce_sum3A_114 = arith.constant dense<0.000000e+00> : vector<512xf32>
      %reduce_sum3A_115 = vector.multi_reduction <add>, %mul3A_113, %reduce_sum3A_114 [1] : vector<512x128xf32> to vector<512xf32>
      %broadcast_in_dim3A_116 = vector.shape_cast %reduce_sum3A_115 : vector<512xf32> to vector<512x1xf32>
      %sqrt3A = math.sqrt %broadcast_in_dim3A_116 : vector<512x1xf32>
      %max3A_117 = arith.constant 9.99999996E-13 : f32
      %max3A_118 = vector.broadcast %max3A_117 : f32 to vector<512x1xf32>
      %max3A_119 = arith.maximumf %sqrt3A, %max3A_118 : vector<512x1xf32>
      %div3A_120 = vector.broadcast %max3A_119 : vector<512x1xf32> to vector<512x128xf32>
      %div3A_121 = arith.divf %add3A_112, %div3A_120 : vector<512x128xf32>
      %swap3A_122 = arith.constant 0 : index
      %swap3A_123 = arith.constant 0 : index
      %swap3A_124 = vector.load %arg14[%swap3A_122, %swap3A_123] : memref<512x128xf32, #tpu.memory_space<vmem>>, vector<512x128xf32>
      tpu.vector_store %arg14[%swap3A_122, %swap3A_123], %div3A_121 {strides = array<i32>} : memref<512x128xf32, #tpu.memory_space<vmem>>, vector<512x128xf32>,
    } else {
    }
    return
  }
  func.func @transform_0(%arg0: i32) -> (i32, i32) {
    %c0_i32 = arith.constant 0 : i32
    %c0_i32_0 = arith.constant 0 : i32
    return %arg0, %c0_i32 : i32, i32
  }
  func.func @transform_1(%arg0: i32) -> (i32, i32, i32) {
    %c0_i32 = arith.constant 0 : i32
    %c0_i32_0 = arith.constant 0 : i32
    %c0_i32_1 = arith.constant 0 : i32
    return %c0_i32, %arg0, %c0_i32_0 : i32, i32, i32
  }
  func.func @transform_2(%arg0: i32) -> (i32, i32, i32) {
    %c0_i32 = arith.constant 0 : i32
    %c0_i32_0 = arith.constant 0 : i32
    %c0_i32_1 = arith.constant 0 : i32
    return %arg0, %c0_i32, %c0_i32_0 : i32, i32, i32
  }
  func.func @transform_3(%arg0: i32) -> (i32, i32) {
    %c0_i32 = arith.constant 0 : i32
    %c0_i32_0 = arith.constant 0 : i32
    %c0_i32_1 = arith.constant 0 : i32
    return %c0_i32, %c0_i32_0 : i32, i32
  }
  func.func @transform_4(%arg0: i32) -> (i32, i32) {
    %c0_i32 = arith.constant 0 : i32
    %c0_i32_0 = arith.constant 0 : i32
    %c0_i32_1 = arith.constant 0 : i32
    return %c0_i32, %c0_i32_0 : i32, i32
  }
  func.func @transform_5(%arg0: i32) -> (i32, i32) {
    %c0_i32 = arith.constant 0 : i32
    %c0_i32_0 = arith.constant 0 : i32
    %c0_i32_1 = arith.constant 0 : i32
    return %c0_i32, %c0_i32_0 : i32, i32
  }
  func.func @transform_6(%arg0: i32) -> (i32, i32) {
    %c0_i32 = arith.constant 0 : i32
    %c0_i32_0 = arith.constant 0 : i32
    %c0_i32_1 = arith.constant 0 : i32
    return %c0_i32, %c0_i32_0 : i32, i32
  }
  func.func @transform_7(%arg0: i32) -> (i32, i32) {
    %c0_i32 = arith.constant 0 : i32
    %c0_i32_0 = arith.constant 0 : i32
    %c0_i32_1 = arith.constant 0 : i32
    return %c0_i32, %c0_i32_0 : i32, i32
  }
  func.func @transform_8(%arg0: i32) -> (i32, i32) {
    %c0_i32 = arith.constant 0 : i32
    %c0_i32_0 = arith.constant 0 : i32
    %c0_i32_1 = arith.constant 0 : i32
    return %c0_i32, %c0_i32_0 : i32, i32
  }
  func.func @transform_9(%arg0: i32) -> (i32, i32) {
    %c0_i32 = arith.constant 0 : i32
    %c0_i32_0 = arith.constant 0 : i32
    %c0_i32_1 = arith.constant 0 : i32
    return %c0_i32, %c0_i32_0 : i32, i32
  }
  func.func @transform_10(%arg0: i32) -> (i32, i32) {
    %c0_i32 = arith.constant 0 : i32
    %c0_i32_0 = arith.constant 0 : i32
    %c0_i32_1 = arith.constant 0 : i32
    return %c0_i32, %c0_i32_0 : i32, i32
  }
  func.func @transform_11(%arg0: i32) -> (i32, i32) {
    %c0_i32 = arith.constant 0 : i32
    %c0_i32_0 = arith.constant 0 : i32
    %c0_i32_1 = arith.constant 0 : i32
    return %c0_i32, %c0_i32_0 : i32, i32
  }
  func.func @transform_12(%arg0: i32) -> (i32, i32) {
    %c0_i32 = arith.constant 0 : i32
    %c0_i32_0 = arith.constant 0 : i32
    %c0_i32_1 = arith.constant 0 : i32
    return %c0_i32, %c0_i32_0 : i32, i32
  }
  func.func @transform_13(%arg0: i32) -> (i32, i32) {
    %c0_i32 = arith.constant 0 : i32
    %c0_i32_0 = arith.constant 0 : i32
    %c0_i32_1 = arith.constant 0 : i32
    return %c0_i32, %c0_i32_0 : i32, i32
  }
}

</mosaic_0001>

<sc_bundles>
// kernel: kernel.4.cloned.1.call-start
scs
__scs_entry_jumppad:
0x0: {  	(pc) =	sbr.rel $0x88, $3  }
0x1: {  	(tag) =	ssettag $0x0;
	lr =	simm.s32 $0x1  }
0x2: {  	[smem:$0x3F94] =	sst lr;
	_ =	strace $0xD0000000  }
0x3: {  	_ = 	snop  }
0x4: {  	_ = 	snop  }
0x5: {  	_ = 	snop  }
0x6: {  	_ = 	snop  }
0x7: {  	_ = 	snop  }
__scs_overlays_trampoline_lowered:
0x8: {  	[smem:$0x3FA3] =	sst s0  }
0x9: {  	[smem:$0x3FA4] =	sst s1  }
0xa: {  	[smem:$0x3FA5] =	sst s2  }
0xb: {  	[smem:$0x3FA6] =	sst s3  }
0xc: {  	[smem:$0x3FA7] =	sst s4  }
0xd: {  	[smem:$0x3FA8] =	sst s5  }
0xe: {  	[smem:$0x3FA9] =	sst s6  }
0xf: {  	[smem:$0x3FAA] =	sst s7  }
0x10: {  	[smem:$0x3FAB] =	sst s8  }
0x11: {  	[smem:$0x3FAC] =	sst s9;
	s0 =	simm.s32 @!p0 $0x0  }
0x12: {  	s1 =	sld [smem:$0x3F92];
	s0 =	simm.s32 @p0 $0x1  }
0x13: {  	[smem:$0x3FAD] =	sst s0;
	s0 =	simm.s32 @!p1 $0x0  }
0x14: {  	s2 =	sld [smem:$0x3F91];
	s0 =	simm.s32 @p1 $0x1  }
0x15: {  	[smem:$0x3FAE] =	sst s0;
	s0 =	simm.s32 @!p2 $0x0  }
0x16: {  	s3 =	sld [smem:$0x3FDB];
	s0 =	simm.s32 @p2 $0x1  }
0x17: {  	s4 =	simm.s32 $0x1BF5;
	[smem:$0x3FB0] =	sst s0  }
0x18: {  	s0 =	sld [smem:$0x3F93];
	_ =	swait.ge [sflag:s4], $0x0  }
0x19: {  	s7 =	sld [smem:$0x3F94]  }
0x1a: {  	s8 =	sadd.s32 $0xFFFFE003, lr  }
0x1b: {  	s9 =	sadd.s32 $0xFFFFFEF7, lr;
	s5 =	simm.s32 $0xFFFFFFFF;
	p2 =	slt.u32 s8, $0xFFFFF086  }
0x1c: {  	p1 =	slt.u32 s9, $0xF7A;
	s5 =	simm.s32 @!p2 $0x0  }
0x1d: {  	s5 =	simm.s32 @p1 $0x1;
	p0 =	seq.s32 s7, s2  }
0x1e: {  	s7 =	smul.u32 @!p0 $0xF7A, s2;
	p2 =	seq.s32 @!p0 s5, $0x0  }
0x1f: {  	s9 =	smul.u32 $0xF7A, s1;
	s8 =	simm.s32 @!p0 $0x1BF5;
	p2 =	por !p2, p0  }
0x20: {  	[sflag:s8] =	ssyncset.s32 @!p0 $0xFFFFF086;
	s6 =	sadd.s32 @!p0 s3, s7;
	s7 =	simm.s32 @!p0 $0x108  }
0x21: {  	s3 =	sadd.s32 s3, s9;
	s6 =	sadd.s32 @!p0 $0x88, s6;
	s7 =	simm.s32 @p2 $0x1082  }
0x22: {  	[simem:s7], [sflag:s8] =	dma.local @!p0 [hbm:s6], $0xF7A  }
0x23: {  	s9 =	sor.u32 $0xD0000000, s2;
	s6 =	simm.s32 $0x108;
	_ =	swait.ge @!p0 [sflag:s8], $0x0  }
0x24: {  	s3 =	sadd.s32 $0x88, s3;
	s6 =	simm.s32 @!p1 $0x1082;
	[sflag:s4] =	ssyncset.s32 $0xFFFFF086  }
0x25: {  	[simem:s6], [sflag:s4] =	dma.local [hbm:s3], $0xF7A  }
0x26: {  	[smem:$0x3F94] =	sst s1;
	(tag) =	ssettag s2;
	_ =	strace s9  }
0x27: {  	s1 =	sld [smem:$0x3FA4]  }
0x28: {  	s2 =	sld [smem:$0x3FA5]  }
0x29: {  	s4 =	sld [smem:$0x3FA7]  }
0x2a: {  	p0 =	seq.s32 s5, $0x0;
	s5 =	sld [smem:$0x3FA8]  }
0x2b: {  	s6 =	sld [smem:$0x3FA9]  }
0x2c: {  	s7 =	sld [smem:$0x3FAA]  }
0x2d: {  	s3 =	simm.s32 $0x108;
	s8 =	sld [smem:$0x3FAB]  }
0x2e: {  	s3 =	simm.s32 @!p0 $0x1082;
	s9 =	sld [smem:$0x3FAC]  }
0x2f: {  	lr =	sadd.s32 s0, s3;
	s0 =	sld [smem:$0x3FA3]  }
0x30: {  	s3 =	sld [smem:$0x3FA6]  }
0x31: {  	[smem:$0x3FAF] =	sst s10  }
0x32: {  	s10 =	sld [smem:$0x3FAD];
	_ =	sdelay $0x3  }
0x33: {  	p0 =	seq.s32 s10, $0x1;
	s10 =	sld [smem:$0x3FAF];
	_ =	sdelay $0x3  }
0x34: {  	[smem:$0x3FAF] =	sst s10  }
0x35: {  	s10 =	sld [smem:$0x3FAE];
	_ =	sdelay $0x3  }
0x36: {  	p1 =	seq.s32 s10, $0x1;
	s10 =	sld [smem:$0x3FAF];
	_ =	sdelay $0x3  }
0x37: {  	[smem:$0x3FAF] =	sst s10  }
0x38: {  	s10 =	sld [smem:$0x3FB0]  }
0x39: {  	_ = 	snop;
	(pc) =	sbr.ind lr, $3  }
0x3a: {  	_ = 	snop  }
0x3b: {  	_ = 	snop  }
0x3c: {  	p2 =	seq.s32 s10, $0x1;
	s10 =	sld [smem:$0x3FAF]  }
0x3d: {  	_ =	shalt  }
0x3e: {  	_ =	shalt  }
0x3f: {  	_ =	shalt  }
0x40: {  	_ =	shalt  }
0x41: {  	_ =	shalt  }
0x42: {  	_ =	shalt  }
0x43: {  	_ =	shalt  }
0x44: {  	_ =	shalt  }
0x45: {  	_ =	shalt  }
0x46: {  	_ =	shalt  }
0x47: {  	_ =	shalt  }
0x48: {  	_ =	shalt  }
0x49: {  	_ =	shalt  }
0x4a: {  	_ =	shalt  }
0x4b: {  	_ =	shalt  }
0x4c: {  	_ =	shalt  }
0x4d: {  	_ =	shalt  }
0x4e: {  	_ =	shalt  }
0x4f: {  	_ =	shalt  }
0x50: {  	_ =	shalt  }
0x51: {  	_ =	shalt  }
0x52: {  	_ =	shalt  }
0x53: {  	_ =	shalt  }
0x54: {  	_ =	shalt  }
0x55: {  	_ =	shalt  }
0x56: {  	_ =	shalt  }
0x57: {  	_ =	shalt  }
0x58: {  	_ =	shalt  }
0x59: {  	_ =	shalt  }
0x5a: {  	_ =	shalt  }
0x5b: {  	_ =	shalt  }
0x5c: {  	_ =	shalt  }
0x5d: {  	_ =	shalt  }
0x5e: {  	_ =	shalt  }
0x5f: {  	_ =	shalt  }
0x60: {  	_ =	shalt  }
0x61: {  	_ =	shalt  }
0x62: {  	_ =	shalt  }
0x63: {  	_ =	shalt  }
0x64: {  	_ =	shalt  }
0x65: {  	_ =	shalt  }
0x66: {  	_ =	shalt  }
0x67: {  	_ =	shalt  }
0x68: {  	_ =	shalt  }
0x69: {  	_ =	shalt  }
0x6a: {  	_ =	shalt  }
0x6b: {  	_ =	shalt  }
0x6c: {  	_ =	shalt  }
0x6d: {  	_ =	shalt  }
0x6e: {  	_ =	shalt  }
0x6f: {  	_ =	shalt  }
0x70: {  	_ =	shalt  }
0x71: {  	_ =	shalt  }
0x72: {  	_ =	shalt  }
0x73: {  	_ =	shalt  }
0x74: {  	_ =	shalt  }
0x75: {  	_ =	shalt  }
0x76: {  	_ =	shalt  }
0x77: {  	_ =	shalt  }
0x78: {  	_ =	shalt  }
0x79: {  	_ =	shalt  }
0x7a: {  	_ =	shalt  }
0x7b: {  	_ =	shalt  }
0x7c: {  	_ =	shalt  }
0x7d: {  	_ =	shalt  }
0x7e: {  	_ =	shalt  }
0x7f: {  	_ =	shalt  }
0x80: {  	_ =	shalt  }
0x81: {  	_ =	shalt  }
0x82: {  	_ =	shalt  }
0x83: {  	_ =	shalt  }
0x84: {  	_ =	shalt  }
0x85: {  	_ =	shalt  }
0x86: {  	_ =	shalt  }
0x87: {  	_ =	shalt  }
.Lfunc_end0:
.L_simem_size_0:
called_computation_lowered:
.L_overlay_start_0:
0x88: {  	s2 =	sld [smem:$0x3FD9]  }
0x89: {  	s3 =	sld [smem:$0x3FFE];
	_ =	sdelay $0x1  }
0x8a: {  	s1 =	srdreg.scid  }
0x8b: {  	s0 =	sand.u32 $0x1, s1  }
0x8c: {  	s17 =	sshll.u32 s0, $0xA;
	s2 =	sadd.s32 s3, s2  }
0x8d: {  	s2 =	sadd.s32 s2, s17  }
0x8e: {  	[smem:$0x3FBB] =	sst s2  }
0x8f: {  	_ = 	snop  }
0x90: {  	s2 =	sld [smem:$0x3FC9];
	(tm) =	ssettm $0x1  }
0x91: {  	s18 =	sld [smem:$0x3FFB];
	_ =	sdelay $0x3  }
0x92: {  	_ =	strace s18  }
0x93: {  	s3 =	sld [smem:$0x3FFC];
	_ =	sdelay $0x3  }
0x94: {  	_ =	strace s3  }
0x95: {  	s3 =	sld [smem:$0x3FFD];
	_ =	sdelay $0x3  }
0x96: {  	_ =	strace s3  }
0x97: {  	_ =	strace $0x8FFFFFFF  }
0x98: {  	s19 =	sld [smem:$0x3FDB];
	_ =	sdelay $0x1  }
0x99: {  	s4 =	simm.s32 $_scs_section_size  }
0x9a: {  	s5 =	simm.s32 $_size__tile_overlayer_lowered;
	s6 =	simm.s32 $_tile_overlayer_lowered  }
0x9b: {  	s22 =	simm.s32 $0x1BFF;
	s21 =	sshll.u32 s6, $0x1;
	s3 =	sadd.s32 s4, s19  }
0x9c: {  	s7 =	simm.s32 $0x0;
	s20 =	sshll.u32 s5, $0x1;
	s5 =	sadd.s32 s21, s3  }
0x9d: {  	[timem:s7], [sflag:s22] =	dma.local [hbm:s5], s20  }
0x9e: {  	_ =	swait.ge [sflag:s22], s20  }
0x9f: {  	s4 =	ssub.s32 $0x0, s20;
	[sflag:s22] =	ssyncset.done $0x0  }
0xa0: {  	[sflag:s22] =	ssyncadd.s32 s4;
	_ =	sdelay $0x1  }
0xa1: {  	s23 =	simm.s32 $0x1B8B  }
0xa2: {  	_ =	swait.ge [sflag:s23], $0x1  }
0xa3: {  	[sflag:s23] =	ssyncset.done $0x0  }
0xa4: {  	s25 =	simm.s32 $0x1B8E;
	s24 =	sld [smem:$0x3FFE];
	[sflag:s23] =	ssyncadd.s32 $0xFFFFFFFF  }
0xa5: {  	s26 =	simm.s32 $execute0_lowered;
	[smem:$0x3FD2] =	sst s25  }
0xa6: {  	s5 =	sshll.u32 s26, $0x1;
	_ =	strace $0x80000046;
	[dreg:$0x1] =	wrdreg $0xFFFFFFFF  }
0xa7: {  	s28 =	simm.s32 $_size_execute0_lowered;
	s3 =	sadd.s32 s3, s5;
	[dreg:$0x0] =	wrdreg $0x0  }
0xa8: {  	s5 =	sshll.u32 s28, $0x1;
	[dreg:$0x2] =	wrdreg s3  }
0xa9: {  	[dreg:$0x3] =	wrdreg s5  }
0xaa: {  	[dreg:$0x4] =	wrdreg $0xC0  }
0xab: {  	_ =	task [dreg:s7], $0x5FFFF  }
0xac: {  	[dreg:$0x1] =	wrdreg $0xFFFFFFFF  }
0xad: {  	[dreg:$0x0] =	wrdreg $0x60  }
0xae: {  	[dreg:$0x2] =	wrdreg s2  }
0xaf: {  	[dreg:$0x3] =	wrdreg s24  }
0xb0: {  	[dreg:$0x4] =	wrdreg $0xA8000  }
0xb1: {  	[dreg:$0x5] =	wrdreg $0x9  }
0xb2: {  	_ =	task.clear_ibuf [dreg:s7], $0x6FFFF;
	_ =	strace $0x90000046  }
0xb3: {  	s29 =	simm.s32 $0x9;
	_ =	strace $0x80000048  }
0xb4: {  	_ =	swait.ge [sflag:s29], $0x1  }
0xb5: {  	[sflag:s29] =	ssyncadd.s32 $0xFFFFFFFF  }
0xb6: {  	_ =	strace $0x90000048  }
0xb7: {  	_ =	sfence  }
0xb8: {  	s30 =	sld [smem:$0x0];
	_ =	sdelay $0x2  }
0xb9: {  	s31 =	sshll.u32 s1, $0xD;
	s1 =	sshrl.u32 s1, $0x2  }
0xba: {  	s3 =	sand.u32 $0x4000, s31;
	s1 =	sadd.s32 s1, s30  }
0xbb: {  	s0 =	sor.u32 s3, s0;
	s1 =	sshll.u32 s1, $0x11  }
0xbc: {  	s0 =	sor.u32 s1, s0  }
0xbd: {  	s0 =	sadd.s32 $0x8F2B, s0  }
0xbe: {  	[sflag:s0] =	ssyncadd.remote.s32 $0x1  }
0xbf: {  	_ =	sfence.sel $0xFFFF  }
0xc0: {  	[dreg:$0x0] =	wrdreg $0xFFFFFFFF;
	(pc) =	sbr.abs _section_cstart, $3  }
0xc1: {  	[dreg:$0x1] =	wrdreg $0xFFFFFFFF  }
0xc2: {  	_ =	task.clear_ibuf [dreg:s7], $0x2FFFF;
	_ =	strace $0x9FFFFFFF  }
0xc3: {  	(tm) =	ssettm $0x7FFFFFFF  }
tec
execute0_lowered:
.L_overlay_start_1:
0x0: {  	(tag) =	ssettag $0x1  }
0x1: {  	s2 =	srdreg.scid  }
0x2: {  	s2 =	sand.u32 $0x1, s2  }
0x3: {  	s1 =	rddreg [dreg:$0x0];
	s9 =	stileid.u32;
	s5 =	sshll.u32 s2, $0x4  }
0x4: {  	s0 =	rddreg [dreg:$0x1];
	s6 =	smul.u32 $0x140000, s2;
	s5 =	sor.u32 s9, s5  }
0x5: {  	s3 =	rddreg [dreg:$0x2];
	s2 =	ssub.s32 $0x2, s2;
	s8 =	smul.u32 $0x1400, s5  }
0x6: {  	s4 =	simm.s32 $0x0;
	s7 =	smul.u32 $0x14000, s9;
	s28 =	sshrl.u32 s2, $0x1  }
0x7: {  	[smem:$0x7FF] =	sst s4;
	s2 =	ssub.s32 s2, s28;
	s26 =	sshrl.u32 s8, $0x3  }
0x8: {  	s6 =	sadd.s32 s7, s6;
	s15 =	smax.u32 s2, $0x1;
	s7 =	sadd.s32 s26, s0  }
0x9: {  	_ =	strace $0x80000047;
	[dreg:$0xd] =	wrdreg s15;
	s29 =	sadd.s32 $0x2400, s7  }
0xa: {  	s8 =	sadd.s32 $0x15C80, s7;
	[dreg:$0x4] =	wrdreg s29  }
0xb: {  	s9 =	smul.u32 $0x50000, s9;
	s10 =	sadd.s32 $0x7400, s7;
	[dreg:$0x5] =	wrdreg s8  }
0xc: {  	p0 =	sgt.u32 s5, $0x1C;
	s11 =	sadd.s32 $0x1AC80, s7;
	[dreg:$0x6] =	wrdreg s10  }
0xd: {  	s5 =	simm.s32 $0x2;
	s12 =	sadd.s32 $0xC400, s7;
	[dreg:$0x7] =	wrdreg s11  }
0xe: {  	s6 =	sshrl.u32 s6, $0x3;
	s13 =	sadd.s32 $0x1FC80, s7;
	[dreg:$0x8] =	wrdreg s12  }
0xf: {  	s0 =	sadd.s32 s6, s0;
	s14 =	sadd.s32 $0x11400, s7;
	[dreg:$0x9] =	wrdreg s13  }
0x10: {  	s6 =	sshrl.u32 s9, $0x2;
	s7 =	sadd.s32 $0x24C80, s7;
	[dreg:$0xa] =	wrdreg s14  }
0x11: {  	s0 =	sadd.s32 $0x29600, s0;
	[dreg:$0xb] =	wrdreg s7;
	s14 =	sadd.s32 s6, s3  }
0x12: {  	s2 =	simm.s32 $0x1;
	[dreg:$0xc] =	wrdreg s0;
	s16 =	sadd.s32 $0x1400, s14  }
0x13: {  	s15 =	simm.s32 $0x8800;
	s17 =	sadd.s32 $0x2800, s14;
	[dreg:$0xe] =	wrdreg s16  }
0x14: {  	s9 =	simm.s32 $0x100;
	s18 =	sadd.s32 $0x3C00, s14;
	[dreg:$0xf] =	wrdreg s17  }
0x15: {  	s0 =	simm.s32 $0x2800;
	s19 =	sadd.s32 $0x5000, s14;
	[dreg:$0x10] =	wrdreg s18  }
0x16: {  	s11 =	simm.s32 $0x9;
	s20 =	sadd.s32 $0x6400, s14;
	[dreg:$0x11] =	wrdreg s19  }
0x17: {  	s12 =	simm.s32 $0x1400;
	s21 =	sadd.s32 $0x7800, s14;
	[dreg:$0x12] =	wrdreg s20  }
0x18: {  	s6 =	simm.s32 $0x40;
	s22 =	sadd.s32 $0x8C00, s14;
	[dreg:$0x13] =	wrdreg s21  }
0x19: {  	s7 =	simm.s32 $0x80;
	s23 =	sadd.s32 $0xA000, s14;
	[dreg:$0x14] =	wrdreg s22  }
0x1a: {  	s8 =	simm.s32 $0x4800;
	s24 =	sadd.s32 $0xB400, s14;
	[dreg:$0x15] =	wrdreg s23  }
0x1b: {  	s10 =	simm.s32 $0x6800;
	s25 =	sadd.s32 $0xC800, s14;
	[dreg:$0x16] =	wrdreg s24  }
0x1c: {  	s13 =	simm.s32 $0x180;
	s26 =	sadd.s32 $0xDC00, s14;
	[dreg:$0x17] =	wrdreg s25  }
0x1d: {  	s28 =	sadd.s32 $0xF000, s14;
	s29 =	sadd.s32 $0x10400, s14;
	[dreg:$0x18] =	wrdreg s26  }
.Ltmp0:
0x1e: {  	s30 =	sadd.s32 $0x11800, s14;
	[dreg:$0x19] =	wrdreg s28;
	(pc) =	sbr.rel .LBB2_1-.Ltmp0, $4  }
0x1f: {  	s31 =	sadd.s32 $0x12C00, s14;
	[dreg:$0x1a] =	wrdreg s29;
	s16 =	simm.s32 $0x3  }
0x20: {  	s17 =	simm.s32 $0x4;
	s18 =	simm.s32 $0x5;
	s19 =	simm.s32 $0x6  }
0x21: {  	s20 =	simm.s32 $0x7;
	s21 =	simm.s32 $0x8;
	s22 =	simm.s32 $0x2600  }
0x22: {  	v0 =	vimm.f32 $0.0e+00;
	s23 =	simm.s32 $0x2680;
	s24 =	simm.s32 $0x2700;
	s25 =	simm.s32 $0x2780  }
.LBB2_12:
0x23: {  	[tilespmem:s15], [sflag:$0x4] =	stream.indirect.gather [hbm4b:s1+s6], $0x80, s28, s6, $0xb8;
	[tilespmem:$0x1E800] =	vst v63  }
0x24: {  	_ =	swait.ge [sflag:s2], $0x2000  }
0x25: {  	[sflag:s2] =	ssyncset.done $0x0  }
0x26: {  	[sflag:s2] =	ssyncadd.s32 $0xFFFFE000  }
0x27: {  	[spmem:s3] =	stream.indirect.scatter.add.f32 [tilespmem:s0], [sflag:$0x5], $0x80, s22, s6, $0xb8;
	[tilespmem:$0x1E800] =	vst v63  }
0x28: {  	_ =	swait.ge [sflag:s5], $0x2000  }
0x29: {  	[sflag:s5] =	ssyncset.done $0x0  }
0x2a: {  	[sflag:s5] =	ssyncadd.s32 $0xFFFFE000  }
0x2b: {  	[spmem:s3] =	stream.indirect.scatter.add.f32 [tilespmem:s8], [sflag:$0x6], $0x80, s23, s6, $0xb8;
	[tilespmem:$0x1E800] =	vst v63  }
0x2c: {  	_ =	swait.ge [sflag:s16], $0x2000  }
0x2d: {  	[sflag:s16] =	ssyncset.done $0x0  }
0x2e: {  	[sflag:s16] =	ssyncadd.s32 $0xFFFFE000  }
0x2f: {  	[spmem:s3] =	stream.indirect.scatter.add.f32 [tilespmem:s10], [sflag:$0x7], $0x80, s24, s6, $0xb8;
	[tilespmem:$0x1E800] =	vst v63  }
0x30: {  	_ =	swait.ge [sflag:s17], $0x2000  }
0x31: {  	[sflag:s17] =	ssyncset.done $0x0  }
0x32: {  	[sflag:s17] =	ssyncadd.s32 $0xFFFFE000  }
0x33: {  	[spmem:s3] =	stream.indirect.scatter.add.f32 [tilespmem:s15], [sflag:$0x8], $0x80, s25, s6, $0xb8;
	[tilespmem:$0x1E800] =	vst v63  }
0x34: {  	_ =	swait.ge [sflag:s18], $0x2000  }
0x35: {  	[sflag:s18] =	ssyncset.done $0x0  }
0x36: {  	[sflag:s18] =	ssyncadd.s32 $0xFFFFE000  }
0x37: {  	_ =	swait.ge [sflag:s19], $0x2000  }
0x38: {  	[sflag:s19] =	ssyncset.done $0x0  }
0x39: {  	[sflag:s19] =	ssyncadd.s32 $0xFFFFE000  }
0x3a: {  	_ =	swait.ge [sflag:s20], $0x2000  }
0x3b: {  	[sflag:s20] =	ssyncset.done $0x0  }
0x3c: {  	[sflag:s20] =	ssyncadd.s32 $0xFFFFE000  }
0x3d: {  	_ =	swait.ge [sflag:s21], $0x2000  }
0x3e: {  	[sflag:s21] =	ssyncset.done $0x0  }
0x3f: {  	[sflag:s21] =	ssyncadd.s32 $0xFFFFE000  }
.LBB2_13:
0x40: {  	s26 =	stileid.u32  }
0x41: {  	[bflag:$0x0] =	sbarrier.arrive $0xFFFF;
	s26 =	sshll.u32 s26, $0x6  }
0x42: {  	s28 =	sshrl.u32 s14, $0x3;
	s29 =	rddreg [dreg:$0xc];
	s26 =	sor.u32 $0x1C09, s26  }
0x43: {  	[hbm:s29], [sflag:s26] =	dma.local [spmem:s28], $0x2800  }
0x44: {  	_ =	swait.ge [sflag:s11], $0x2800  }
0x45: {  	s4 =	sadd.s32 $0x1, s4;
	s29 =	rddreg [dreg:$0xd]  }
0x46: {  	p1 =	sne.s32 s4, s29  }
.Ltmp1:
0x47: {  	_ = 	snop;
	(pc) =	sbr.rel @!p1 .LBB2_14-.Ltmp1, $3  }
0x48: {  	_ =	sdelay $0x1  }
0x49: {  	[sflag:s11] =	ssyncset.done $0x0  }
0x4a: {  	[sflag:s11] =	ssyncadd.s32 $0xFFFFD800  }
.LBB2_1:
0x4b: {  	s26 =	simm.s32 $0x0;
	s28 =	simm.s32 $0x200  }
.LBB2_2:
0x4c: {  	p1 =	sne.s32 s28, $0x7E00;
	[tilespmem:s26+$0x2870] =	vst v0  }
0x4d: {  	[tilespmem:s26+$0x2800] =	vst v0  }
0x4e: {  	[tilespmem:s26+$0x2810] =	vst v0  }
.Ltmp2:
0x4f: {  	[tilespmem:s26+$0x2820] =	vst v0;
	(pc) =	sbr.rel @p1 .LBB2_2-.Ltmp2, $4  }
0x50: {  	[tilespmem:s26+$0x2830] =	vst v0  }
0x51: {  	[tilespmem:s26+$0x2840] =	vst v0  }
0x52: {  	[tilespmem:s26+$0x2850] =	vst v0  }
0x53: {  	[tilespmem:s26+$0x2860] =	vst v0;
	s26 =	sshra.s32 s28, $0x2;
	s28 =	sadd.s32 $0x200, s28  }
0x54: {  	[tilespmem:s26+$0x2870] =	vst v0  }
0x55: {  	[tilespmem:s26+$0x2800] =	vst v0  }
0x56: {  	[tilespmem:s26+$0x2810] =	vst v0  }
0x57: {  	[tilespmem:s26+$0x2820] =	vst v0  }
0x58: {  	[tilespmem:s26+$0x2830] =	vst v0  }
0x59: {  	[tilespmem:s26+$0x2840] =	vst v0  }
0x5a: {  	[tilespmem:s26+$0x2850] =	vst v0  }
0x5b: {  	[tilespmem:s26+$0x2860] =	vst v0  }
0x5c: {  	[spmem:s14] =	stream.linear.scatter [tilespmem:s0], [sflag:$0x9], $0x1400, $0x38;
	[tilespmem:$0x1E800] =	vst v63  }
0x5d: {  	_ =	swait.ge [sflag:s11], $0x1400  }
0x5e: {  	[sflag:s11] =	ssyncset.done $0x0  }
0x5f: {  	s29 =	rddreg [dreg:$0xe];
	[sflag:s11] =	ssyncadd.s32 $0xFFFFEC00  }
0x60: {  	[spmem:s29] =	stream.linear.scatter [tilespmem:s0], [sflag:$0x9], $0x1400, $0x38;
	[tilespmem:$0x1E800] =	vst v63  }
0x61: {  	_ =	swait.ge [sflag:s11], $0x1400  }
0x62: {  	[sflag:s11] =	ssyncset.done $0x0  }
0x63: {  	s29 =	rddreg [dreg:$0xf];
	[sflag:s11] =	ssyncadd.s32 $0xFFFFEC00  }
0x64: {  	[spmem:s29] =	stream.linear.scatter [tilespmem:s0], [sflag:$0x9], $0x1400, $0x38;
	[tilespmem:$0x1E800] =	vst v63  }
0x65: {  	_ =	swait.ge [sflag:s11], $0x1400  }
0x66: {  	[sflag:s11] =	ssyncset.done $0x0  }
0x67: {  	s29 =	rddreg [dreg:$0x10];
	[sflag:s11] =	ssyncadd.s32 $0xFFFFEC00  }
0x68: {  	[spmem:s29] =	stream.linear.scatter [tilespmem:s0], [sflag:$0x9], $0x1400, $0x38;
	[tilespmem:$0x1E800] =	vst v63  }
0x69: {  	_ =	swait.ge [sflag:s11], $0x1400  }
0x6a: {  	[sflag:s11] =	ssyncset.done $0x0  }
0x6b: {  	s29 =	rddreg [dreg:$0x11];
	[sflag:s11] =	ssyncadd.s32 $0xFFFFEC00  }
0x6c: {  	[spmem:s29] =	stream.linear.scatter [tilespmem:s0], [sflag:$0x9], $0x1400, $0x38;
	[tilespmem:$0x1E800] =	vst v63  }
0x6d: {  	_ =	swait.ge [sflag:s11], $0x1400  }
0x6e: {  	[sflag:s11] =	ssyncset.done $0x0  }
0x6f: {  	s29 =	rddreg [dreg:$0x12];
	[sflag:s11] =	ssyncadd.s32 $0xFFFFEC00  }
0x70: {  	[spmem:s29] =	stream.linear.scatter [tilespmem:s0], [sflag:$0x9], $0x1400, $0x38;
	[tilespmem:$0x1E800] =	vst v63  }
0x71: {  	_ =	swait.ge [sflag:s11], $0x1400  }
0x72: {  	[sflag:s11] =	ssyncset.done $0x0  }
0x73: {  	s29 =	rddreg [dreg:$0x13];
	[sflag:s11] =	ssyncadd.s32 $0xFFFFEC00  }
0x74: {  	[spmem:s29] =	stream.linear.scatter [tilespmem:s0], [sflag:$0x9], $0x1400, $0x38;
	[tilespmem:$0x1E800] =	vst v63  }
0x75: {  	_ =	swait.ge [sflag:s11], $0x1400  }
0x76: {  	[sflag:s11] =	ssyncset.done $0x0  }
0x77: {  	s29 =	rddreg [dreg:$0x14];
	[sflag:s11] =	ssyncadd.s32 $0xFFFFEC00  }
0x78: {  	[spmem:s29] =	stream.linear.scatter [tilespmem:s0], [sflag:$0x9], $0x1400, $0x38;
	[tilespmem:$0x1E800] =	vst v63  }
0x79: {  	_ =	swait.ge [sflag:s11], $0x1400  }
0x7a: {  	[sflag:s11] =	ssyncset.done $0x0  }
0x7b: {  	s29 =	rddreg [dreg:$0x15];
	[sflag:s11] =	ssyncadd.s32 $0xFFFFEC00  }
0x7c: {  	[spmem:s29] =	stream.linear.scatter [tilespmem:s0], [sflag:$0x9], $0x1400, $0x38;
	[tilespmem:$0x1E800] =	vst v63  }
0x7d: {  	_ =	swait.ge [sflag:s11], $0x1400  }
0x7e: {  	[sflag:s11] =	ssyncset.done $0x0  }
0x7f: {  	s29 =	rddreg [dreg:$0x16];
	[sflag:s11] =	ssyncadd.s32 $0xFFFFEC00  }
0x80: {  	[spmem:s29] =	stream.linear.scatter [tilespmem:s0], [sflag:$0x9], $0x1400, $0x38;
	[tilespmem:$0x1E800] =	vst v63  }
0x81: {  	_ =	swait.ge [sflag:s11], $0x1400  }
0x82: {  	[sflag:s11] =	ssyncset.done $0x0  }
0x83: {  	s29 =	rddreg [dreg:$0x17];
	[sflag:s11] =	ssyncadd.s32 $0xFFFFEC00  }
0x84: {  	[spmem:s29] =	stream.linear.scatter [tilespmem:s0], [sflag:$0x9], $0x1400, $0x38;
	[tilespmem:$0x1E800] =	vst v63  }
0x85: {  	_ =	swait.ge [sflag:s11], $0x1400  }
0x86: {  	[sflag:s11] =	ssyncset.done $0x0  }
0x87: {  	s29 =	rddreg [dreg:$0x18];
	[sflag:s11] =	ssyncadd.s32 $0xFFFFEC00  }
0x88: {  	[spmem:s29] =	stream.linear.scatter [tilespmem:s0], [sflag:$0x9], $0x1400, $0x38;
	[tilespmem:$0x1E800] =	vst v63  }
0x89: {  	_ =	swait.ge [sflag:s11], $0x1400  }
0x8a: {  	[sflag:s11] =	ssyncset.done $0x0  }
0x8b: {  	s29 =	rddreg [dreg:$0x19];
	[sflag:s11] =	ssyncadd.s32 $0xFFFFEC00  }
0x8c: {  	[spmem:s29] =	stream.linear.scatter [tilespmem:s0], [sflag:$0x9], $0x1400, $0x38;
	[tilespmem:$0x1E800] =	vst v63  }
0x8d: {  	_ =	swait.ge [sflag:s11], $0x1400  }
0x8e: {  	[sflag:s11] =	ssyncset.done $0x0  }
0x8f: {  	s29 =	rddreg [dreg:$0x1a];
	[sflag:s11] =	ssyncadd.s32 $0xFFFFEC00  }
0x90: {  	[spmem:s29] =	stream.linear.scatter [tilespmem:s0], [sflag:$0x9], $0x1400, $0x38;
	[tilespmem:$0x1E800] =	vst v63  }
0x91: {  	_ =	swait.ge [sflag:s11], $0x1400  }
0x92: {  	[sflag:s11] =	ssyncset.done $0x0  }
0x93: {  	[sflag:s11] =	ssyncadd.s32 $0xFFFFEC00  }
0x94: {  	[spmem:s30] =	stream.linear.scatter [tilespmem:s0], [sflag:$0x9], $0x1400, $0x38;
	[tilespmem:$0x1E800] =	vst v63  }
0x95: {  	_ =	swait.ge [sflag:s11], $0x1400  }
0x96: {  	[sflag:s11] =	ssyncset.done $0x0  }
0x97: {  	[sflag:s11] =	ssyncadd.s32 $0xFFFFEC00  }
0x98: {  	[spmem:s31] =	stream.linear.scatter [tilespmem:s0], [sflag:$0x9], $0x1400, $0x38;
	[tilespmem:$0x1E800] =	vst v63  }
0x99: {  	_ =	swait.ge [sflag:s11], $0x1400  }
0x9a: {  	[sflag:s11] =	ssyncset.done $0x0  }
0x9b: {  	[sflag:s11] =	ssyncadd.s32 $0xFFFFEC00  }
0x9c: {  	[bflag:$0x0] =	sbarrier.arrive $0xFFFF  }
0x9d: {  	s29 =	simm.s32 $0x0;
	s28 =	rddreg [dreg:$0x4]  }
0x9e: {  	[tilespmem:s29], [sflag:$0x1] =	stream.linear.gather [hbm4b:s28+s29], $0x1400, $0x38;
	[tilespmem:$0x1E800] =	vst v63  }
0x9f: {  	s28 =	rddreg [dreg:$0x5]  }
0xa0: {  	[tilespmem:s12], [sflag:$0x2] =	stream.linear.gather [hbm4b:s28+s29], $0x1400, $0x38;
	[tilespmem:$0x1E800] =	vst v63  }
0xa1: {  	_ =	swait.ge [sflag:s2], $0x1400  }
0xa2: {  	[sflag:s2] =	ssyncset.done $0x0  }
0xa3: {  	[sflag:s2] =	ssyncadd.s32 $0xFFFFEC00  }
0xa4: {  	_ =	swait.ge [sflag:s5], $0x1400  }
0xa5: {  	[sflag:s5] =	ssyncset.done $0x0  }
0xa6: {  	[sflag:s5] =	ssyncadd.s32 $0xFFFFEC00  }
0xa7: {  	[tilespmem:s0], [sflag:$0x1] =	stream.indirect.gather [hbm4b:s1+s6], $0x80, s29, s6, $0xb8;
	[tilespmem:$0x1E800] =	vst v63  }
0xa8: {  	_ = 	snop  }
0xa9: {  	[tilespmem:s8], [sflag:$0x2] =	stream.indirect.gather [hbm4b:s1+s6], $0x80, s7, s6, $0xb8;
	[tilespmem:$0x1E800] =	vst v63  }
0xaa: {  	_ = 	snop  }
0xab: {  	[tilespmem:s10], [sflag:$0x3] =	stream.indirect.gather [hbm4b:s1+s6], $0x80, s9, s6, $0xb8;
	[tilespmem:$0x1E800] =	vst v63  }
0xac: {  	_ = 	snop  }
0xad: {  	[tilespmem:s15], [sflag:$0x4] =	stream.indirect.gather [hbm4b:s1+s6], $0x80, s13, s6, $0xb8;
	[tilespmem:$0x1E800] =	vst v63  }
0xae: {  	_ =	swait.ge [sflag:s2], $0x2000  }
0xaf: {  	[sflag:s2] =	ssyncset.done $0x0  }
0xb0: {  	s29 =	simm.s32 $0x1400;
	[sflag:s2] =	ssyncadd.s32 $0xFFFFE000  }
0xb1: {  	[spmem:s3] =	stream.indirect.scatter.add.f32 [tilespmem:s0], [sflag:$0x5], $0x80, s29, s6, $0xb8;
	[tilespmem:$0x1E800] =	vst v63  }
0xb2: {  	_ =	swait.ge [sflag:s5], $0x2000  }
0xb3: {  	[sflag:s5] =	ssyncset.done $0x0  }
0xb4: {  	s29 =	simm.s32 $0x1480;
	[sflag:s5] =	ssyncadd.s32 $0xFFFFE000  }
0xb5: {  	[spmem:s3] =	stream.indirect.scatter.add.f32 [tilespmem:s8], [sflag:$0x6], $0x80, s29, s6, $0xb8;
	[tilespmem:$0x1E800] =	vst v63  }
0xb6: {  	_ =	swait.ge [sflag:s16], $0x2000  }
0xb7: {  	[sflag:s16] =	ssyncset.done $0x0  }
0xb8: {  	s29 =	simm.s32 $0x1500;
	[sflag:s16] =	ssyncadd.s32 $0xFFFFE000  }
0xb9: {  	[spmem:s3] =	stream.indirect.scatter.add.f32 [tilespmem:s10], [sflag:$0x7], $0x80, s29, s6, $0xb8;
	[tilespmem:$0x1E800] =	vst v63  }
0xba: {  	_ =	swait.ge [sflag:s17], $0x2000  }
0xbb: {  	[sflag:s17] =	ssyncset.done $0x0  }
0xbc: {  	s29 =	simm.s32 $0x1580;
	[sflag:s17] =	ssyncadd.s32 $0xFFFFE000  }
0xbd: {  	[spmem:s3] =	stream.indirect.scatter.add.f32 [tilespmem:s15], [sflag:$0x8], $0x80, s29, s6, $0xb8;
	[tilespmem:$0x1E800] =	vst v63  }
0xbe: {  	_ =	swait.ge [sflag:s18], $0x2000  }
0xbf: {  	[sflag:s18] =	ssyncset.done $0x0  }
0xc0: {  	s29 =	simm.s32 $0x200;
	[sflag:s18] =	ssyncadd.s32 $0xFFFFE000  }
0xc1: {  	[tilespmem:s0], [sflag:$0x1] =	stream.indirect.gather [hbm4b:s1+s6], $0x80, s29, s6, $0xb8;
	[tilespmem:$0x1E800] =	vst v63  }
0xc2: {  	_ =	swait.ge [sflag:s19], $0x2000  }
0xc3: {  	[sflag:s19] =	ssyncset.done $0x0  }
0xc4: {  	s29 =	simm.s32 $0x280;
	[sflag:s19] =	ssyncadd.s32 $0xFFFFE000  }
0xc5: {  	[tilespmem:s8], [sflag:$0x2] =	stream.indirect.gather [hbm4b:s1+s6], $0x80, s29, s6, $0xb8;
	[tilespmem:$0x1E800] =	vst v63  }
0xc6: {  	_ =	swait.ge [sflag:s20], $0x2000  }
0xc7: {  	[sflag:s20] =	ssyncset.done $0x0  }
0xc8: {  	s29 =	simm.s32 $0x300;
	[sflag:s20] =	ssyncadd.s32 $0xFFFFE000  }
0xc9: {  	[tilespmem:s10], [sflag:$0x3] =	stream.indirect.gather [hbm4b:s1+s6], $0x80, s29, s6, $0xb8;
	[tilespmem:$0x1E800] =	vst v63  }
0xca: {  	_ =	swait.ge [sflag:s21], $0x2000  }
0xcb: {  	[sflag:s21] =	ssyncset.done $0x0  }
0xcc: {  	s26 =	simm.s32 $0x800;
	s28 =	simm.s32 $0x380;
	[sflag:s21] =	ssyncadd.s32 $0xFFFFE000  }
.LBB2_4:
0xcd: {  	[tilespmem:s15], [sflag:$0x4] =	stream.indirect.gather [hbm4b:s1+s6], $0x80, s28, s6, $0xb8;
	[tilespmem:$0x1E800] =	vst v63  }
0xce: {  	s28 =	smov.u32 s26  }
0xcf: {  	p1 =	sne.s32 s26, $0x4000;
	s26 =	sadd.s32 $0x800, s26;
	_ =	swait.ge [sflag:s2], $0x2000  }
0xd0: {  	s28 =	sshra.s32 s28, $0x2;
	[sflag:s2] =	ssyncset.done $0x0  }
0xd1: {  	s29 =	sadd.s32 $0x1400, s28;
	[sflag:s2] =	ssyncadd.s32 $0xFFFFE000  }
0xd2: {  	[spmem:s3] =	stream.indirect.scatter.add.f32 [tilespmem:s0], [sflag:$0x5], $0x80, s29, s6, $0xb8;
	[tilespmem:$0x1E800] =	vst v63  }
0xd3: {  	_ =	swait.ge [sflag:s5], $0x2000  }
0xd4: {  	[sflag:s5] =	ssyncset.done $0x0  }
0xd5: {  	s29 =	sadd.s32 $0x1480, s28;
	[sflag:s5] =	ssyncadd.s32 $0xFFFFE000  }
0xd6: {  	[spmem:s3] =	stream.indirect.scatter.add.f32 [tilespmem:s8], [sflag:$0x6], $0x80, s29, s6, $0xb8;
	[tilespmem:$0x1E800] =	vst v63  }
0xd7: {  	_ =	swait.ge [sflag:s16], $0x2000  }
0xd8: {  	[sflag:s16] =	ssyncset.done $0x0  }
0xd9: {  	s29 =	sadd.s32 $0x1500, s28;
	[sflag:s16] =	ssyncadd.s32 $0xFFFFE000  }
0xda: {  	[spmem:s3] =	stream.indirect.scatter.add.f32 [tilespmem:s10], [sflag:$0x7], $0x80, s29, s6, $0xb8;
	[tilespmem:$0x1E800] =	vst v63  }
0xdb: {  	_ =	swait.ge [sflag:s17], $0x2000  }
0xdc: {  	[sflag:s17] =	ssyncset.done $0x0  }
0xdd: {  	s29 =	sadd.s32 $0x1580, s28;
	[sflag:s17] =	ssyncadd.s32 $0xFFFFE000  }
0xde: {  	[spmem:s3] =	stream.indirect.scatter.add.f32 [tilespmem:s15], [sflag:$0x8], $0x80, s29, s6, $0xb8;
	[tilespmem:$0x1E800] =	vst v63  }
0xdf: {  	_ =	swait.ge [sflag:s18], $0x2000  }
0xe0: {  	[sflag:s18] =	ssyncset.done $0x0  }
0xe1: {  	s29 =	sadd.s32 $0x200, s28;
	[sflag:s18] =	ssyncadd.s32 $0xFFFFE000  }
0xe2: {  	[tilespmem:s0], [sflag:$0x1] =	stream.indirect.gather [hbm4b:s1+s6], $0x80, s29, s6, $0xb8;
	[tilespmem:$0x1E800] =	vst v63  }
0xe3: {  	_ =	swait.ge [sflag:s19], $0x2000  }
0xe4: {  	[sflag:s19] =	ssyncset.done $0x0  }
0xe5: {  	s29 =	sadd.s32 $0x280, s28;
	[sflag:s19] =	ssyncadd.s32 $0xFFFFE000  }
0xe6: {  	[tilespmem:s8], [sflag:$0x2] =	stream.indirect.gather [hbm4b:s1+s6], $0x80, s29, s6, $0xb8;
	[tilespmem:$0x1E800] =	vst v63  }
0xe7: {  	_ =	swait.ge [sflag:s20], $0x2000  }
0xe8: {  	[sflag:s20] =	ssyncset.done $0x0  }
.Ltmp3:
0xe9: {  	s29 =	sadd.s32 $0x300, s28;
	[sflag:s20] =	ssyncadd.s32 $0xFFFFE000;
	(pc) =	sbr.rel @p1 .LBB2_4-.Ltmp3, $4  }
0xea: {  	[tilespmem:s10], [sflag:$0x3] =	stream.indirect.gather [hbm4b:s1+s6], $0x80, s29, s6, $0xb8;
	[tilespmem:$0x1E800] =	vst v63  }
0xeb: {  	_ =	swait.ge [sflag:s21], $0x2000  }
0xec: {  	[sflag:s21] =	ssyncset.done $0x0  }
0xed: {  	s28 =	sadd.s32 $0x380, s28;
	[sflag:s21] =	ssyncadd.s32 $0xFFFFE000  }
0xee: {  	[tilespmem:s15], [sflag:$0x4] =	stream.indirect.gather [hbm4b:s1+s6], $0x80, s28, s6, $0xb8;
	[tilespmem:$0x1E800] =	vst v63  }
0xef: {  	_ =	swait.ge [sflag:s2], $0x2000  }
0xf0: {  	[sflag:s2] =	ssyncset.done $0x0  }
0xf1: {  	[sflag:s2] =	ssyncadd.s32 $0xFFFFE000  }
0xf2: {  	[spmem:s3] =	stream.indirect.scatter.add.f32 [tilespmem:s0], [sflag:$0x5], $0x80, s22, s6, $0xb8;
	[tilespmem:$0x1E800] =	vst v63  }
0xf3: {  	_ =	swait.ge [sflag:s5], $0x2000  }
0xf4: {  	[sflag:s5] =	ssyncset.done $0x0  }
0xf5: {  	[sflag:s5] =	ssyncadd.s32 $0xFFFFE000  }
0xf6: {  	[spmem:s3] =	stream.indirect.scatter.add.f32 [tilespmem:s8], [sflag:$0x6], $0x80, s23, s6, $0xb8;
	[tilespmem:$0x1E800] =	vst v63  }
0xf7: {  	_ =	swait.ge [sflag:s16], $0x2000  }
0xf8: {  	[sflag:s16] =	ssyncset.done $0x0  }
0xf9: {  	[sflag:s16] =	ssyncadd.s32 $0xFFFFE000  }
0xfa: {  	[spmem:s3] =	stream.indirect.scatter.add.f32 [tilespmem:s10], [sflag:$0x7], $0x80, s24, s6, $0xb8;
	[tilespmem:$0x1E800] =	vst v63  }
0xfb: {  	_ =	swait.ge [sflag:s17], $0x2000  }
0xfc: {  	[sflag:s17] =	ssyncset.done $0x0  }
0xfd: {  	[sflag:s17] =	ssyncadd.s32 $0xFFFFE000  }
0xfe: {  	[spmem:s3] =	stream.indirect.scatter.add.f32 [tilespmem:s15], [sflag:$0x8], $0x80, s25, s6, $0xb8;
	[tilespmem:$0x1E800] =	vst v63  }
0xff: {  	_ =	swait.ge [sflag:s18], $0x2000  }
0x100: {  	[sflag:s18] =	ssyncset.done $0x0  }
0x101: {  	[sflag:s18] =	ssyncadd.s32 $0xFFFFE000  }
0x102: {  	_ =	swait.ge [sflag:s19], $0x2000  }
0x103: {  	[sflag:s19] =	ssyncset.done $0x0  }
0x104: {  	[sflag:s19] =	ssyncadd.s32 $0xFFFFE000  }
0x105: {  	_ =	swait.ge [sflag:s20], $0x2000  }
0x106: {  	[sflag:s20] =	ssyncset.done $0x0  }
0x107: {  	[sflag:s20] =	ssyncadd.s32 $0xFFFFE000  }
0x108: {  	_ =	swait.ge [sflag:s21], $0x2000  }
0x109: {  	[sflag:s21] =	ssyncset.done $0x0  }
0x10a: {  	s26 =	simm.s32 $0x0;
	s28 =	rddreg [dreg:$0x6];
	[sflag:s21] =	ssyncadd.s32 $0xFFFFE000  }
0x10b: {  	[tilespmem:s26], [sflag:$0x1] =	stream.linear.gather [hbm4b:s28+s26], $0x1400, $0x38;
	[tilespmem:$0x1E800] =	vst v63  }
0x10c: {  	s28 =	rddreg [dreg:$0x7]  }
0x10d: {  	[tilespmem:s12], [sflag:$0x2] =	stream.linear.gather [hbm4b:s28+s26], $0x1400, $0x38;
	[tilespmem:$0x1E800] =	vst v63  }
0x10e: {  	_ =	swait.ge [sflag:s2], $0x1400  }
0x10f: {  	[sflag:s2] =	ssyncset.done $0x0  }
0x110: {  	[sflag:s2] =	ssyncadd.s32 $0xFFFFEC00  }
0x111: {  	_ =	swait.ge [sflag:s5], $0x1400  }
0x112: {  	[sflag:s5] =	ssyncset.done $0x0  }
0x113: {  	[sflag:s5] =	ssyncadd.s32 $0xFFFFEC00  }
0x114: {  	[tilespmem:s0], [sflag:$0x1] =	stream.indirect.gather [hbm4b:s1+s6], $0x80, s26, s6, $0xb8;
	[tilespmem:$0x1E800] =	vst v63  }
0x115: {  	_ = 	snop  }
0x116: {  	[tilespmem:s8], [sflag:$0x2] =	stream.indirect.gather [hbm4b:s1+s6], $0x80, s7, s6, $0xb8;
	[tilespmem:$0x1E800] =	vst v63  }
0x117: {  	_ = 	snop  }
0x118: {  	[tilespmem:s10], [sflag:$0x3] =	stream.indirect.gather [hbm4b:s1+s6], $0x80, s9, s6, $0xb8;
	[tilespmem:$0x1E800] =	vst v63  }
0x119: {  	_ = 	snop  }
0x11a: {  	[tilespmem:s15], [sflag:$0x4] =	stream.indirect.gather [hbm4b:s1+s6], $0x80, s13, s6, $0xb8;
	[tilespmem:$0x1E800] =	vst v63  }
0x11b: {  	_ =	swait.ge [sflag:s2], $0x2000  }
0x11c: {  	[sflag:s2] =	ssyncset.done $0x0  }
0x11d: {  	s29 =	simm.s32 $0x1400;
	[sflag:s2] =	ssyncadd.s32 $0xFFFFE000  }
0x11e: {  	[spmem:s3] =	stream.indirect.scatter.add.f32 [tilespmem:s0], [sflag:$0x5], $0x80, s29, s6, $0xb8;
	[tilespmem:$0x1E800] =	vst v63  }
0x11f: {  	_ =	swait.ge [sflag:s5], $0x2000  }
0x120: {  	[sflag:s5] =	ssyncset.done $0x0  }
0x121: {  	s29 =	simm.s32 $0x1480;
	[sflag:s5] =	ssyncadd.s32 $0xFFFFE000  }
0x122: {  	[spmem:s3] =	stream.indirect.scatter.add.f32 [tilespmem:s8], [sflag:$0x6], $0x80, s29, s6, $0xb8;
	[tilespmem:$0x1E800] =	vst v63  }
0x123: {  	_ =	swait.ge [sflag:s16], $0x2000  }
0x124: {  	[sflag:s16] =	ssyncset.done $0x0  }
0x125: {  	s29 =	simm.s32 $0x1500;
	[sflag:s16] =	ssyncadd.s32 $0xFFFFE000  }
0x126: {  	[spmem:s3] =	stream.indirect.scatter.add.f32 [tilespmem:s10], [sflag:$0x7], $0x80, s29, s6, $0xb8;
	[tilespmem:$0x1E800] =	vst v63  }
0x127: {  	_ =	swait.ge [sflag:s17], $0x2000  }
0x128: {  	[sflag:s17] =	ssyncset.done $0x0  }
0x129: {  	s29 =	simm.s32 $0x1580;
	[sflag:s17] =	ssyncadd.s32 $0xFFFFE000  }
0x12a: {  	[spmem:s3] =	stream.indirect.scatter.add.f32 [tilespmem:s15], [sflag:$0x8], $0x80, s29, s6, $0xb8;
	[tilespmem:$0x1E800] =	vst v63  }
0x12b: {  	_ =	swait.ge [sflag:s18], $0x2000  }
0x12c: {  	[sflag:s18] =	ssyncset.done $0x0  }
0x12d: {  	s29 =	simm.s32 $0x200;
	[sflag:s18] =	ssyncadd.s32 $0xFFFFE000  }
0x12e: {  	[tilespmem:s0], [sflag:$0x1] =	stream.indirect.gather [hbm4b:s1+s6], $0x80, s29, s6, $0xb8;
	[tilespmem:$0x1E800] =	vst v63  }
0x12f: {  	_ =	swait.ge [sflag:s19], $0x2000  }
0x130: {  	[sflag:s19] =	ssyncset.done $0x0  }
0x131: {  	s29 =	simm.s32 $0x280;
	[sflag:s19] =	ssyncadd.s32 $0xFFFFE000  }
0x132: {  	[tilespmem:s8], [sflag:$0x2] =	stream.indirect.gather [hbm4b:s1+s6], $0x80, s29, s6, $0xb8;
	[tilespmem:$0x1E800] =	vst v63  }
0x133: {  	_ =	swait.ge [sflag:s20], $0x2000  }
0x134: {  	[sflag:s20] =	ssyncset.done $0x0  }
0x135: {  	s29 =	simm.s32 $0x300;
	[sflag:s20] =	ssyncadd.s32 $0xFFFFE000  }
0x136: {  	[tilespmem:s10], [sflag:$0x3] =	stream.indirect.gather [hbm4b:s1+s6], $0x80, s29, s6, $0xb8;
	[tilespmem:$0x1E800] =	vst v63  }
0x137: {  	_ =	swait.ge [sflag:s21], $0x2000  }
0x138: {  	[sflag:s21] =	ssyncset.done $0x0  }
0x139: {  	s28 =	simm.s32 $0x380;
	s26 =	simm.s32 $0x800;
	[sflag:s21] =	ssyncadd.s32 $0xFFFFE000  }
.LBB2_6:
0x13a: {  	[tilespmem:s15], [sflag:$0x4] =	stream.indirect.gather [hbm4b:s1+s6], $0x80, s28, s6, $0xb8;
	[tilespmem:$0x1E800] =	vst v63  }
0x13b: {  	s28 =	smov.u32 s26  }
0x13c: {  	p1 =	sne.s32 s26, $0x4000;
	s26 =	sadd.s32 $0x800, s26;
	_ =	swait.ge [sflag:s2], $0x2000  }
0x13d: {  	s28 =	sshra.s32 s28, $0x2;
	[sflag:s2] =	ssyncset.done $0x0  }
0x13e: {  	s29 =	sadd.s32 $0x1400, s28;
	[sflag:s2] =	ssyncadd.s32 $0xFFFFE000  }
0x13f: {  	[spmem:s3] =	stream.indirect.scatter.add.f32 [tilespmem:s0], [sflag:$0x5], $0x80, s29, s6, $0xb8;
	[tilespmem:$0x1E800] =	vst v63  }
0x140: {  	_ =	swait.ge [sflag:s5], $0x2000  }
0x141: {  	[sflag:s5] =	ssyncset.done $0x0  }
0x142: {  	s29 =	sadd.s32 $0x1480, s28;
	[sflag:s5] =	ssyncadd.s32 $0xFFFFE000  }
0x143: {  	[spmem:s3] =	stream.indirect.scatter.add.f32 [tilespmem:s8], [sflag:$0x6], $0x80, s29, s6, $0xb8;
	[tilespmem:$0x1E800] =	vst v63  }
0x144: {  	_ =	swait.ge [sflag:s16], $0x2000  }
0x145: {  	[sflag:s16] =	ssyncset.done $0x0  }
0x146: {  	s29 =	sadd.s32 $0x1500, s28;
	[sflag:s16] =	ssyncadd.s32 $0xFFFFE000  }
0x147: {  	[spmem:s3] =	stream.indirect.scatter.add.f32 [tilespmem:s10], [sflag:$0x7], $0x80, s29, s6, $0xb8;
	[tilespmem:$0x1E800] =	vst v63  }
0x148: {  	_ =	swait.ge [sflag:s17], $0x2000  }
0x149: {  	[sflag:s17] =	ssyncset.done $0x0  }
0x14a: {  	s29 =	sadd.s32 $0x1580, s28;
	[sflag:s17] =	ssyncadd.s32 $0xFFFFE000  }
0x14b: {  	[spmem:s3] =	stream.indirect.scatter.add.f32 [tilespmem:s15], [sflag:$0x8], $0x80, s29, s6, $0xb8;
	[tilespmem:$0x1E800] =	vst v63  }
0x14c: {  	_ =	swait.ge [sflag:s18], $0x2000  }
0x14d: {  	[sflag:s18] =	ssyncset.done $0x0  }
0x14e: {  	s29 =	sadd.s32 $0x200, s28;
	[sflag:s18] =	ssyncadd.s32 $0xFFFFE000  }
0x14f: {  	[tilespmem:s0], [sflag:$0x1] =	stream.indirect.gather [hbm4b:s1+s6], $0x80, s29, s6, $0xb8;
	[tilespmem:$0x1E800] =	vst v63  }
0x150: {  	_ =	swait.ge [sflag:s19], $0x2000  }
0x151: {  	[sflag:s19] =	ssyncset.done $0x0  }
0x152: {  	s29 =	sadd.s32 $0x280, s28;
	[sflag:s19] =	ssyncadd.s32 $0xFFFFE000  }
0x153: {  	[tilespmem:s8], [sflag:$0x2] =	stream.indirect.gather [hbm4b:s1+s6], $0x80, s29, s6, $0xb8;
	[tilespmem:$0x1E800] =	vst v63  }
0x154: {  	_ =	swait.ge [sflag:s20], $0x2000  }
0x155: {  	[sflag:s20] =	ssyncset.done $0x0  }
.Ltmp4:
0x156: {  	s29 =	sadd.s32 $0x300, s28;
	[sflag:s20] =	ssyncadd.s32 $0xFFFFE000;
	(pc) =	sbr.rel @p1 .LBB2_6-.Ltmp4, $4  }
0x157: {  	[tilespmem:s10], [sflag:$0x3] =	stream.indirect.gather [hbm4b:s1+s6], $0x80, s29, s6, $0xb8;
	[tilespmem:$0x1E800] =	vst v63  }
0x158: {  	_ =	swait.ge [sflag:s21], $0x2000  }
0x159: {  	[sflag:s21] =	ssyncset.done $0x0  }
0x15a: {  	s28 =	sadd.s32 $0x380, s28;
	[sflag:s21] =	ssyncadd.s32 $0xFFFFE000  }
0x15b: {  	[tilespmem:s15], [sflag:$0x4] =	stream.indirect.gather [hbm4b:s1+s6], $0x80, s28, s6, $0xb8;
	[tilespmem:$0x1E800] =	vst v63  }
0x15c: {  	_ =	swait.ge [sflag:s2], $0x2000  }
0x15d: {  	[sflag:s2] =	ssyncset.done $0x0  }
0x15e: {  	[sflag:s2] =	ssyncadd.s32 $0xFFFFE000  }
0x15f: {  	[spmem:s3] =	stream.indirect.scatter.add.f32 [tilespmem:s0], [sflag:$0x5], $0x80, s22, s6, $0xb8;
	[tilespmem:$0x1E800] =	vst v63  }
0x160: {  	_ =	swait.ge [sflag:s5], $0x2000  }
0x161: {  	[sflag:s5] =	ssyncset.done $0x0  }
0x162: {  	[sflag:s5] =	ssyncadd.s32 $0xFFFFE000  }
0x163: {  	[spmem:s3] =	stream.indirect.scatter.add.f32 [tilespmem:s8], [sflag:$0x6], $0x80, s23, s6, $0xb8;
	[tilespmem:$0x1E800] =	vst v63  }
0x164: {  	_ =	swait.ge [sflag:s16], $0x2000  }
0x165: {  	[sflag:s16] =	ssyncset.done $0x0  }
0x166: {  	[sflag:s16] =	ssyncadd.s32 $0xFFFFE000  }
0x167: {  	[spmem:s3] =	stream.indirect.scatter.add.f32 [tilespmem:s10], [sflag:$0x7], $0x80, s24, s6, $0xb8;
	[tilespmem:$0x1E800] =	vst v63  }
0x168: {  	_ =	swait.ge [sflag:s17], $0x2000  }
0x169: {  	[sflag:s17] =	ssyncset.done $0x0  }
0x16a: {  	[sflag:s17] =	ssyncadd.s32 $0xFFFFE000  }
0x16b: {  	[spmem:s3] =	stream.indirect.scatter.add.f32 [tilespmem:s15], [sflag:$0x8], $0x80, s25, s6, $0xb8;
	[tilespmem:$0x1E800] =	vst v63  }
0x16c: {  	_ =	swait.ge [sflag:s18], $0x2000  }
0x16d: {  	[sflag:s18] =	ssyncset.done $0x0  }
0x16e: {  	[sflag:s18] =	ssyncadd.s32 $0xFFFFE000  }
0x16f: {  	_ =	swait.ge [sflag:s19], $0x2000  }
0x170: {  	[sflag:s19] =	ssyncset.done $0x0  }
0x171: {  	[sflag:s19] =	ssyncadd.s32 $0xFFFFE000  }
0x172: {  	_ =	swait.ge [sflag:s20], $0x2000  }
0x173: {  	[sflag:s20] =	ssyncset.done $0x0  }
0x174: {  	[sflag:s20] =	ssyncadd.s32 $0xFFFFE000  }
0x175: {  	_ =	swait.ge [sflag:s21], $0x2000  }
0x176: {  	[sflag:s21] =	ssyncset.done $0x0  }
0x177: {  	s26 =	simm.s32 $0x0;
	s28 =	rddreg [dreg:$0x8];
	[sflag:s21] =	ssyncadd.s32 $0xFFFFE000  }
0x178: {  	[tilespmem:s26], [sflag:$0x1] =	stream.linear.gather [hbm4b:s28+s26], $0x1400, $0x38;
	[tilespmem:$0x1E800] =	vst v63  }
0x179: {  	s28 =	rddreg [dreg:$0x9]  }
0x17a: {  	[tilespmem:s12], [sflag:$0x2] =	stream.linear.gather [hbm4b:s28+s26], $0x1400, $0x38;
	[tilespmem:$0x1E800] =	vst v63  }
0x17b: {  	_ =	swait.ge [sflag:s2], $0x1400  }
0x17c: {  	[sflag:s2] =	ssyncset.done $0x0  }
0x17d: {  	[sflag:s2] =	ssyncadd.s32 $0xFFFFEC00  }
0x17e: {  	_ =	swait.ge [sflag:s5], $0x1400  }
0x17f: {  	[sflag:s5] =	ssyncset.done $0x0  }
0x180: {  	[sflag:s5] =	ssyncadd.s32 $0xFFFFEC00  }
0x181: {  	[tilespmem:s0], [sflag:$0x1] =	stream.indirect.gather [hbm4b:s1+s6], $0x80, s26, s6, $0xb8;
	[tilespmem:$0x1E800] =	vst v63  }
0x182: {  	_ = 	snop  }
0x183: {  	[tilespmem:s8], [sflag:$0x2] =	stream.indirect.gather [hbm4b:s1+s6], $0x80, s7, s6, $0xb8;
	[tilespmem:$0x1E800] =	vst v63  }
0x184: {  	_ = 	snop  }
0x185: {  	[tilespmem:s10], [sflag:$0x3] =	stream.indirect.gather [hbm4b:s1+s6], $0x80, s9, s6, $0xb8;
	[tilespmem:$0x1E800] =	vst v63  }
0x186: {  	_ = 	snop  }
0x187: {  	[tilespmem:s15], [sflag:$0x4] =	stream.indirect.gather [hbm4b:s1+s6], $0x80, s13, s6, $0xb8;
	[tilespmem:$0x1E800] =	vst v63  }
0x188: {  	_ =	swait.ge [sflag:s2], $0x2000  }
0x189: {  	[sflag:s2] =	ssyncset.done $0x0  }
0x18a: {  	s29 =	simm.s32 $0x1400;
	[sflag:s2] =	ssyncadd.s32 $0xFFFFE000  }
0x18b: {  	[spmem:s3] =	stream.indirect.scatter.add.f32 [tilespmem:s0], [sflag:$0x5], $0x80, s29, s6, $0xb8;
	[tilespmem:$0x1E800] =	vst v63  }
0x18c: {  	_ =	swait.ge [sflag:s5], $0x2000  }
0x18d: {  	[sflag:s5] =	ssyncset.done $0x0  }
0x18e: {  	s29 =	simm.s32 $0x1480;
	[sflag:s5] =	ssyncadd.s32 $0xFFFFE000  }
0x18f: {  	[spmem:s3] =	stream.indirect.scatter.add.f32 [tilespmem:s8], [sflag:$0x6], $0x80, s29, s6, $0xb8;
	[tilespmem:$0x1E800] =	vst v63  }
0x190: {  	_ =	swait.ge [sflag:s16], $0x2000  }
0x191: {  	[sflag:s16] =	ssyncset.done $0x0  }
0x192: {  	s29 =	simm.s32 $0x1500;
	[sflag:s16] =	ssyncadd.s32 $0xFFFFE000  }
0x193: {  	[spmem:s3] =	stream.indirect.scatter.add.f32 [tilespmem:s10], [sflag:$0x7], $0x80, s29, s6, $0xb8;
	[tilespmem:$0x1E800] =	vst v63  }
0x194: {  	_ =	swait.ge [sflag:s17], $0x2000  }
0x195: {  	[sflag:s17] =	ssyncset.done $0x0  }
0x196: {  	s29 =	simm.s32 $0x1580;
	[sflag:s17] =	ssyncadd.s32 $0xFFFFE000  }
0x197: {  	[spmem:s3] =	stream.indirect.scatter.add.f32 [tilespmem:s15], [sflag:$0x8], $0x80, s29, s6, $0xb8;
	[tilespmem:$0x1E800] =	vst v63  }
0x198: {  	_ =	swait.ge [sflag:s18], $0x2000  }
0x199: {  	[sflag:s18] =	ssyncset.done $0x0  }
0x19a: {  	s29 =	simm.s32 $0x200;
	[sflag:s18] =	ssyncadd.s32 $0xFFFFE000  }
0x19b: {  	[tilespmem:s0], [sflag:$0x1] =	stream.indirect.gather [hbm4b:s1+s6], $0x80, s29, s6, $0xb8;
	[tilespmem:$0x1E800] =	vst v63  }
0x19c: {  	_ =	swait.ge [sflag:s19], $0x2000  }
0x19d: {  	[sflag:s19] =	ssyncset.done $0x0  }
0x19e: {  	s29 =	simm.s32 $0x280;
	[sflag:s19] =	ssyncadd.s32 $0xFFFFE000  }
0x19f: {  	[tilespmem:s8], [sflag:$0x2] =	stream.indirect.gather [hbm4b:s1+s6], $0x80, s29, s6, $0xb8;
	[tilespmem:$0x1E800] =	vst v63  }
0x1a0: {  	_ =	swait.ge [sflag:s20], $0x2000  }
0x1a1: {  	[sflag:s20] =	ssyncset.done $0x0  }
0x1a2: {  	s29 =	simm.s32 $0x300;
	[sflag:s20] =	ssyncadd.s32 $0xFFFFE000  }
0x1a3: {  	[tilespmem:s10], [sflag:$0x3] =	stream.indirect.gather [hbm4b:s1+s6], $0x80, s29, s6, $0xb8;
	[tilespmem:$0x1E800] =	vst v63  }
0x1a4: {  	_ =	swait.ge [sflag:s21], $0x2000  }
0x1a5: {  	[sflag:s21] =	ssyncset.done $0x0  }
0x1a6: {  	s28 =	simm.s32 $0x380;
	s26 =	simm.s32 $0x800;
	[sflag:s21] =	ssyncadd.s32 $0xFFFFE000  }
.LBB2_8:
0x1a7: {  	[tilespmem:s15], [sflag:$0x4] =	stream.indirect.gather [hbm4b:s1+s6], $0x80, s28, s6, $0xb8;
	[tilespmem:$0x1E800] =	vst v63  }
0x1a8: {  	s28 =	smov.u32 s26  }
0x1a9: {  	p1 =	sne.s32 s26, $0x4000;
	s26 =	sadd.s32 $0x800, s26;
	_ =	swait.ge [sflag:s2], $0x2000  }
0x1aa: {  	s28 =	sshra.s32 s28, $0x2;
	[sflag:s2] =	ssyncset.done $0x0  }
0x1ab: {  	s29 =	sadd.s32 $0x1400, s28;
	[sflag:s2] =	ssyncadd.s32 $0xFFFFE000  }
0x1ac: {  	[spmem:s3] =	stream.indirect.scatter.add.f32 [tilespmem:s0], [sflag:$0x5], $0x80, s29, s6, $0xb8;
	[tilespmem:$0x1E800] =	vst v63  }
0x1ad: {  	_ =	swait.ge [sflag:s5], $0x2000  }
0x1ae: {  	[sflag:s5] =	ssyncset.done $0x0  }
0x1af: {  	s29 =	sadd.s32 $0x1480, s28;
	[sflag:s5] =	ssyncadd.s32 $0xFFFFE000  }
0x1b0: {  	[spmem:s3] =	stream.indirect.scatter.add.f32 [tilespmem:s8], [sflag:$0x6], $0x80, s29, s6, $0xb8;
	[tilespmem:$0x1E800] =	vst v63  }
0x1b1: {  	_ =	swait.ge [sflag:s16], $0x2000  }
0x1b2: {  	[sflag:s16] =	ssyncset.done $0x0  }
0x1b3: {  	s29 =	sadd.s32 $0x1500, s28;
	[sflag:s16] =	ssyncadd.s32 $0xFFFFE000  }
0x1b4: {  	[spmem:s3] =	stream.indirect.scatter.add.f32 [tilespmem:s10], [sflag:$0x7], $0x80, s29, s6, $0xb8;
	[tilespmem:$0x1E800] =	vst v63  }
0x1b5: {  	_ =	swait.ge [sflag:s17], $0x2000  }
0x1b6: {  	[sflag:s17] =	ssyncset.done $0x0  }
0x1b7: {  	s29 =	sadd.s32 $0x1580, s28;
	[sflag:s17] =	ssyncadd.s32 $0xFFFFE000  }
0x1b8: {  	[spmem:s3] =	stream.indirect.scatter.add.f32 [tilespmem:s15], [sflag:$0x8], $0x80, s29, s6, $0xb8;
	[tilespmem:$0x1E800] =	vst v63  }
0x1b9: {  	_ =	swait.ge [sflag:s18], $0x2000  }
0x1ba: {  	[sflag:s18] =	ssyncset.done $0x0  }
0x1bb: {  	s29 =	sadd.s32 $0x200, s28;
	[sflag:s18] =	ssyncadd.s32 $0xFFFFE000  }
0x1bc: {  	[tilespmem:s0], [sflag:$0x1] =	stream.indirect.gather [hbm4b:s1+s6], $0x80, s29, s6, $0xb8;
	[tilespmem:$0x1E800] =	vst v63  }
0x1bd: {  	_ =	swait.ge [sflag:s19], $0x2000  }
0x1be: {  	[sflag:s19] =	ssyncset.done $0x0  }
0x1bf: {  	s29 =	sadd.s32 $0x280, s28;
	[sflag:s19] =	ssyncadd.s32 $0xFFFFE000  }
0x1c0: {  	[tilespmem:s8], [sflag:$0x2] =	stream.indirect.gather [hbm4b:s1+s6], $0x80, s29, s6, $0xb8;
	[tilespmem:$0x1E800] =	vst v63  }
0x1c1: {  	_ =	swait.ge [sflag:s20], $0x2000  }
0x1c2: {  	[sflag:s20] =	ssyncset.done $0x0  }
.Ltmp5:
0x1c3: {  	s29 =	sadd.s32 $0x300, s28;
	[sflag:s20] =	ssyncadd.s32 $0xFFFFE000;
	(pc) =	sbr.rel @p1 .LBB2_8-.Ltmp5, $4  }
0x1c4: {  	[tilespmem:s10], [sflag:$0x3] =	stream.indirect.gather [hbm4b:s1+s6], $0x80, s29, s6, $0xb8;
	[tilespmem:$0x1E800] =	vst v63  }
0x1c5: {  	_ =	swait.ge [sflag:s21], $0x2000  }
0x1c6: {  	[sflag:s21] =	ssyncset.done $0x0  }
0x1c7: {  	s28 =	sadd.s32 $0x380, s28;
	[sflag:s21] =	ssyncadd.s32 $0xFFFFE000  }
0x1c8: {  	[tilespmem:s15], [sflag:$0x4] =	stream.indirect.gather [hbm4b:s1+s6], $0x80, s28, s6, $0xb8;
	[tilespmem:$0x1E800] =	vst v63  }
0x1c9: {  	_ =	swait.ge [sflag:s2], $0x2000  }
0x1ca: {  	[sflag:s2] =	ssyncset.done $0x0  }
0x1cb: {  	[sflag:s2] =	ssyncadd.s32 $0xFFFFE000  }
0x1cc: {  	[spmem:s3] =	stream.indirect.scatter.add.f32 [tilespmem:s0], [sflag:$0x5], $0x80, s22, s6, $0xb8;
	[tilespmem:$0x1E800] =	vst v63  }
0x1cd: {  	_ =	swait.ge [sflag:s5], $0x2000  }
0x1ce: {  	[sflag:s5] =	ssyncset.done $0x0  }
0x1cf: {  	[sflag:s5] =	ssyncadd.s32 $0xFFFFE000  }
0x1d0: {  	[spmem:s3] =	stream.indirect.scatter.add.f32 [tilespmem:s8], [sflag:$0x6], $0x80, s23, s6, $0xb8;
	[tilespmem:$0x1E800] =	vst v63  }
0x1d1: {  	_ =	swait.ge [sflag:s16], $0x2000  }
0x1d2: {  	[sflag:s16] =	ssyncset.done $0x0  }
0x1d3: {  	[sflag:s16] =	ssyncadd.s32 $0xFFFFE000  }
0x1d4: {  	[spmem:s3] =	stream.indirect.scatter.add.f32 [tilespmem:s10], [sflag:$0x7], $0x80, s24, s6, $0xb8;
	[tilespmem:$0x1E800] =	vst v63  }
0x1d5: {  	_ =	swait.ge [sflag:s17], $0x2000  }
0x1d6: {  	[sflag:s17] =	ssyncset.done $0x0  }
0x1d7: {  	[sflag:s17] =	ssyncadd.s32 $0xFFFFE000  }
0x1d8: {  	[spmem:s3] =	stream.indirect.scatter.add.f32 [tilespmem:s15], [sflag:$0x8], $0x80, s25, s6, $0xb8;
	[tilespmem:$0x1E800] =	vst v63  }
0x1d9: {  	_ =	swait.ge [sflag:s18], $0x2000  }
0x1da: {  	[sflag:s18] =	ssyncset.done $0x0  }
0x1db: {  	[sflag:s18] =	ssyncadd.s32 $0xFFFFE000  }
0x1dc: {  	_ =	swait.ge [sflag:s19], $0x2000  }
0x1dd: {  	[sflag:s19] =	ssyncset.done $0x0  }
0x1de: {  	[sflag:s19] =	ssyncadd.s32 $0xFFFFE000  }
0x1df: {  	_ =	swait.ge [sflag:s20], $0x2000  }
.Ltmp6:
0x1e0: {  	[sflag:s20] =	ssyncset.done $0x0;
	(pc) =	sbr.rel @p0 .LBB2_13-.Ltmp6, $4  }
0x1e1: {  	[sflag:s20] =	ssyncadd.s32 $0xFFFFE000  }
0x1e2: {  	_ =	swait.ge [sflag:s21], $0x2000  }
0x1e3: {  	[sflag:s21] =	ssyncset.done $0x0  }
0x1e4: {  	[sflag:s21] =	ssyncadd.s32 $0xFFFFE000  }
0x1e5: {  	s26 =	simm.s32 $0x0;
	s28 =	rddreg [dreg:$0xa]  }
0x1e6: {  	[tilespmem:s26], [sflag:$0x1] =	stream.linear.gather [hbm4b:s28+s26], $0x1400, $0x38;
	[tilespmem:$0x1E800] =	vst v63  }
0x1e7: {  	s28 =	rddreg [dreg:$0xb]  }
0x1e8: {  	[tilespmem:s12], [sflag:$0x2] =	stream.linear.gather [hbm4b:s28+s26], $0x1400, $0x38;
	[tilespmem:$0x1E800] =	vst v63  }
0x1e9: {  	_ =	swait.ge [sflag:s2], $0x1400  }
0x1ea: {  	[sflag:s2] =	ssyncset.done $0x0  }
0x1eb: {  	[sflag:s2] =	ssyncadd.s32 $0xFFFFEC00  }
0x1ec: {  	_ =	swait.ge [sflag:s5], $0x1400  }
0x1ed: {  	[sflag:s5] =	ssyncset.done $0x0  }
0x1ee: {  	[sflag:s5] =	ssyncadd.s32 $0xFFFFEC00  }
0x1ef: {  	[tilespmem:s0], [sflag:$0x1] =	stream.indirect.gather [hbm4b:s1+s6], $0x80, s26, s6, $0xb8;
	[tilespmem:$0x1E800] =	vst v63  }
0x1f0: {  	_ = 	snop  }
0x1f1: {  	[tilespmem:s8], [sflag:$0x2] =	stream.indirect.gather [hbm4b:s1+s6], $0x80, s7, s6, $0xb8;
	[tilespmem:$0x1E800] =	vst v63  }
0x1f2: {  	_ = 	snop  }
0x1f3: {  	[tilespmem:s10], [sflag:$0x3] =	stream.indirect.gather [hbm4b:s1+s6], $0x80, s9, s6, $0xb8;
	[tilespmem:$0x1E800] =	vst v63  }
0x1f4: {  	_ = 	snop  }
0x1f5: {  	[tilespmem:s15], [sflag:$0x4] =	stream.indirect.gather [hbm4b:s1+s6], $0x80, s13, s6, $0xb8;
	[tilespmem:$0x1E800] =	vst v63  }
0x1f6: {  	_ =	swait.ge [sflag:s2], $0x2000  }
0x1f7: {  	[sflag:s2] =	ssyncset.done $0x0  }
0x1f8: {  	s29 =	simm.s32 $0x1400;
	[sflag:s2] =	ssyncadd.s32 $0xFFFFE000  }
0x1f9: {  	[spmem:s3] =	stream.indirect.scatter.add.f32 [tilespmem:s0], [sflag:$0x5], $0x80, s29, s6, $0xb8;
	[tilespmem:$0x1E800] =	vst v63  }
0x1fa: {  	_ =	swait.ge [sflag:s5], $0x2000  }
0x1fb: {  	[sflag:s5] =	ssyncset.done $0x0  }
0x1fc: {  	s29 =	simm.s32 $0x1480;
	[sflag:s5] =	ssyncadd.s32 $0xFFFFE000  }
0x1fd: {  	[spmem:s3] =	stream.indirect.scatter.add.f32 [tilespmem:s8], [sflag:$0x6], $0x80, s29, s6, $0xb8;
	[tilespmem:$0x1E800] =	vst v63  }
0x1fe: {  	_ =	swait.ge [sflag:s16], $0x2000  }
0x1ff: {  	[sflag:s16] =	ssyncset.done $0x0  }
0x200: {  	s29 =	simm.s32 $0x1500;
	[sflag:s16] =	ssyncadd.s32 $0xFFFFE000  }
0x201: {  	[spmem:s3] =	stream.indirect.scatter.add.f32 [tilespmem:s10], [sflag:$0x7], $0x80, s29, s6, $0xb8;
	[tilespmem:$0x1E800] =	vst v63  }
0x202: {  	_ =	swait.ge [sflag:s17], $0x2000  }
0x203: {  	[sflag:s17] =	ssyncset.done $0x0  }
0x204: {  	s29 =	simm.s32 $0x1580;
	[sflag:s17] =	ssyncadd.s32 $0xFFFFE000  }
0x205: {  	[spmem:s3] =	stream.indirect.scatter.add.f32 [tilespmem:s15], [sflag:$0x8], $0x80, s29, s6, $0xb8;
	[tilespmem:$0x1E800] =	vst v63  }
0x206: {  	_ =	swait.ge [sflag:s18], $0x2000  }
0x207: {  	[sflag:s18] =	ssyncset.done $0x0  }
0x208: {  	s29 =	simm.s32 $0x200;
	[sflag:s18] =	ssyncadd.s32 $0xFFFFE000  }
0x209: {  	[tilespmem:s0], [sflag:$0x1] =	stream.indirect.gather [hbm4b:s1+s6], $0x80, s29, s6, $0xb8;
	[tilespmem:$0x1E800] =	vst v63  }
0x20a: {  	_ =	swait.ge [sflag:s19], $0x2000  }
0x20b: {  	[sflag:s19] =	ssyncset.done $0x0  }
0x20c: {  	s29 =	simm.s32 $0x280;
	[sflag:s19] =	ssyncadd.s32 $0xFFFFE000  }
0x20d: {  	[tilespmem:s8], [sflag:$0x2] =	stream.indirect.gather [hbm4b:s1+s6], $0x80, s29, s6, $0xb8;
	[tilespmem:$0x1E800] =	vst v63  }
0x20e: {  	_ =	swait.ge [sflag:s20], $0x2000  }
0x20f: {  	[sflag:s20] =	ssyncset.done $0x0  }
0x210: {  	s29 =	simm.s32 $0x300;
	[sflag:s20] =	ssyncadd.s32 $0xFFFFE000  }
0x211: {  	[tilespmem:s10], [sflag:$0x3] =	stream.indirect.gather [hbm4b:s1+s6], $0x80, s29, s6, $0xb8;
	[tilespmem:$0x1E800] =	vst v63  }
0x212: {  	_ =	swait.ge [sflag:s21], $0x2000  }
0x213: {  	[sflag:s21] =	ssyncset.done $0x0  }
0x214: {  	s28 =	simm.s32 $0x380;
	s26 =	simm.s32 $0x800;
	[sflag:s21] =	ssyncadd.s32 $0xFFFFE000  }
.LBB2_11:
0x215: {  	[tilespmem:s15], [sflag:$0x4] =	stream.indirect.gather [hbm4b:s1+s6], $0x80, s28, s6, $0xb8;
	[tilespmem:$0x1E800] =	vst v63  }
0x216: {  	s28 =	smov.u32 s26  }
0x217: {  	p1 =	sne.s32 s26, $0x4000;
	s26 =	sadd.s32 $0x800, s26;
	_ =	swait.ge [sflag:s2], $0x2000  }
0x218: {  	s28 =	sshra.s32 s28, $0x2;
	[sflag:s2] =	ssyncset.done $0x0  }
0x219: {  	s29 =	sadd.s32 $0x1400, s28;
	[sflag:s2] =	ssyncadd.s32 $0xFFFFE000  }
0x21a: {  	[spmem:s3] =	stream.indirect.scatter.add.f32 [tilespmem:s0], [sflag:$0x5], $0x80, s29, s6, $0xb8;
	[tilespmem:$0x1E800] =	vst v63  }
0x21b: {  	_ =	swait.ge [sflag:s5], $0x2000  }
0x21c: {  	[sflag:s5] =	ssyncset.done $0x0  }
0x21d: {  	s29 =	sadd.s32 $0x1480, s28;
	[sflag:s5] =	ssyncadd.s32 $0xFFFFE000  }
0x21e: {  	[spmem:s3] =	stream.indirect.scatter.add.f32 [tilespmem:s8], [sflag:$0x6], $0x80, s29, s6, $0xb8;
	[tilespmem:$0x1E800] =	vst v63  }
0x21f: {  	_ =	swait.ge [sflag:s16], $0x2000  }
0x220: {  	[sflag:s16] =	ssyncset.done $0x0  }
0x221: {  	s29 =	sadd.s32 $0x1500, s28;
	[sflag:s16] =	ssyncadd.s32 $0xFFFFE000  }
0x222: {  	[spmem:s3] =	stream.indirect.scatter.add.f32 [tilespmem:s10], [sflag:$0x7], $0x80, s29, s6, $0xb8;
	[tilespmem:$0x1E800] =	vst v63  }
0x223: {  	_ =	swait.ge [sflag:s17], $0x2000  }
0x224: {  	[sflag:s17] =	ssyncset.done $0x0  }
0x225: {  	s29 =	sadd.s32 $0x1580, s28;
	[sflag:s17] =	ssyncadd.s32 $0xFFFFE000  }
0x226: {  	[spmem:s3] =	stream.indirect.scatter.add.f32 [tilespmem:s15], [sflag:$0x8], $0x80, s29, s6, $0xb8;
	[tilespmem:$0x1E800] =	vst v63  }
0x227: {  	_ =	swait.ge [sflag:s18], $0x2000  }
0x228: {  	[sflag:s18] =	ssyncset.done $0x0  }
0x229: {  	s29 =	sadd.s32 $0x200, s28;
	[sflag:s18] =	ssyncadd.s32 $0xFFFFE000  }
0x22a: {  	[tilespmem:s0], [sflag:$0x1] =	stream.indirect.gather [hbm4b:s1+s6], $0x80, s29, s6, $0xb8;
	[tilespmem:$0x1E800] =	vst v63  }
0x22b: {  	_ =	swait.ge [sflag:s19], $0x2000  }
0x22c: {  	[sflag:s19] =	ssyncset.done $0x0  }
0x22d: {  	s29 =	sadd.s32 $0x280, s28;
	[sflag:s19] =	ssyncadd.s32 $0xFFFFE000  }
0x22e: {  	[tilespmem:s8], [sflag:$0x2] =	stream.indirect.gather [hbm4b:s1+s6], $0x80, s29, s6, $0xb8;
	[tilespmem:$0x1E800] =	vst v63  }
0x22f: {  	_ =	swait.ge [sflag:s20], $0x2000  }
0x230: {  	[sflag:s20] =	ssyncset.done $0x0  }
.Ltmp7:
0x231: {  	s29 =	sadd.s32 $0x300, s28;
	[sflag:s20] =	ssyncadd.s32 $0xFFFFE000;
	(pc) =	sbr.rel @p1 .LBB2_11-.Ltmp7, $4  }
0x232: {  	[tilespmem:s10], [sflag:$0x3] =	stream.indirect.gather [hbm4b:s1+s6], $0x80, s29, s6, $0xb8;
	[tilespmem:$0x1E800] =	vst v63  }
0x233: {  	_ =	swait.ge [sflag:s21], $0x2000  }
0x234: {  	[sflag:s21] =	ssyncset.done $0x0  }
0x235: {  	s28 =	sadd.s32 $0x380, s28;
	[sflag:s21] =	ssyncadd.s32 $0xFFFFE000  }
.Ltmp8:
0x236: {  	_ = 	snop;
	(pc) =	sbr.rel .LBB2_12-.Ltmp8, $1  }
0x237: {  	_ =	sdelay $0x3  }
.LBB2_14:
0x238: {  	_ =	sfence.sel $0x180000  }
0x239: {  	[bflag:$0x0] =	sbarrier.arrive $0xFFFF  }
0x23a: {  	_ =	strace $0x90000047  }
0x23b: {  	s0 =	stileid.u32;
	[bflag:$0x2] =	sbarrier.arrive $0xFFFF  }
0x23c: {  	p0 =	sne.s32 s0, $0x0;
	s0 =	rddreg [dreg:$0x3]  }
0x23d: {  	s0 =	sadd.s32 @!p0 $0x100000, s0  }
0x23e: {  	[sflag:s0] =	ssyncadd.tile.s32 @!p0 $0x1;
	_ =	shalt  }
.Lfunc_end2:
_tile_overlayer_lowered:
.L_overlay_start_2:
0x23f: {  	(tag) =	ssettag $0x2  }
0x240: {  	s0 =	rddreg [dreg:$0x0];
	s2 =	stileid.u32  }
0x241: {  	s1 =	rddreg [dreg:$0x1];
	p0 =	sne.s32 s2, $0x0  }
0x242: {  	s3 =	rddreg [dreg:$0x2];
	[bflag:$0x3] =	sbarrier.arrive $0xFFFF;
	s2 =	simm.s32 @!p0 $0x1C09  }
0x243: {  	[timem:s3], [sflag:s2] =	dma.local @!p0 [hbm:s0], s1  }
0x244: {  	s0 =	simm.s32 @!p0 $0x9  }
0x245: {  	_ =	swait.ge @!p0 [sflag:s0], s1  }
0x246: {  	s1 =	ssub.s32 @!p0 $0x0, s1;
	[sflag:s0] =	ssyncset.done @!p0 $0x0  }
0x247: {  	[sflag:s0] =	ssyncadd.s32 @!p0 s1  }
0x248: {  	[bflag:$0x3] =	sbarrier.arrive $0xFFFF  }
0x249: {  	_ =	shalt  }

</sc_bundles>
